<compile_context>
chip_gen: v7x
topology: tpu7x:2x2x1
jax: 0.10.2.dev20260603
libtpu: 0.0.44.dev20260713+nightly
codegen_flags: <defaults>
</compile_context>

<pallas_src>
import functools

import jax
import jax.numpy as jnp
from jax import lax
from jax.experimental import pallas as pl
from jax.experimental.pallas import tpu as pltpu
from jax.experimental.pallas import tpu_sc as plsc

_K = 150
_CPAD = 160
_NC, _NS, _L = 2, 16, 16
_NW = _NC * _NS
_B, _H, _W = 16, 512, 512
_HALF = _H // 2
_ROWS = 32
_NCH = _HALF // _ROWS
_VPR = _W // _L

_mesh = plsc.VectorSubcoreMesh(
    core_axis_name="c", subcore_axis_name="s", num_cores=_NC, num_subcores=_NS
)


@functools.partial(
    pl.kernel,
    out_type=jax.ShapeDtypeStruct((_NW, _K, _CPAD), jnp.int32),
    mesh=_mesh,
    scratch_types=[
        pltpu.VMEM((_K * _CPAD,), jnp.int32),
        pltpu.VMEM((_K, _CPAD), jnp.int32),
        pltpu.VMEM((_ROWS, _W), jnp.int32),
        pltpu.VMEM((_ROWS, _W), jnp.int32),
        pltpu.VMEM((_ROWS, _W), jnp.int32),
        pltpu.VMEM((_ROWS, _W), jnp.int32),
        pltpu.SemaphoreType.DMA,
        pltpu.SemaphoreType.DMA,
    ],
    compiler_params=pltpu.CompilerParams(needs_layout_passes=False),
)
def _hist_sc(p_hbm, t_hbm, out_hbm, hist, hist2d, p0, p1, t0, t1, s0, s1):
    wid = lax.axis_index("s") * _NC + lax.axis_index("c")
    img = wid // 2
    row_base = (wid % 2) * _HALF

    ones = jnp.ones((_L,), jnp.int32)
    zeros = jnp.zeros((_L,), jnp.int32)
    pbufs, tbufs, sems = [p0, p1], [t0, t1], [s0, s1]

    def start(c, buf):
        r0 = row_base + c * _ROWS
        pltpu.async_copy(p_hbm.at[img, pl.ds(r0, _ROWS)], pbufs[buf], sems[buf])
        pltpu.async_copy(t_hbm.at[img, pl.ds(r0, _ROWS)], tbufs[buf], sems[buf])

    def wait_chunk(c, buf):
        r0 = row_base + c * _ROWS
        pltpu.make_async_copy(p_hbm.at[img, pl.ds(r0, _ROWS)], pbufs[buf], sems[buf]).wait()
        pltpu.make_async_copy(t_hbm.at[img, pl.ds(r0, _ROWS)], tbufs[buf], sems[buf]).wait()

    def process(pb, tb):
        def row_body(r):
            for j in range(_VPR):
                pv = pb[r, pl.ds(j * _L, _L)]
                tv = tb[r, pl.ds(j * _L, _L)]
                plsc.addupdate_scatter(hist, [tv * _CPAD + pv], ones)

        plsc.parallel_loop(0, _ROWS)(row_body)

    start(0, 0)

    def zbody(r, carry):
        for j in range(_CPAD // _L):
            hist[pl.ds(r * _CPAD + j * _L, _L)] = zeros
        return carry

    lax.fori_loop(0, _K, zbody, 0)

    def pair_body(c2, carry):
        ca = 2 * c2
        wait_chunk(ca, 0)
        start(ca + 1, 1)
        process(pbufs[0], tbufs[0])
        wait_chunk(ca + 1, 1)

        @pl.when(c2 < _NCH // 2 - 1)
        def _():
            start(ca + 2, 0)

        process(pbufs[1], tbufs[1])
        return carry

    lax.fori_loop(0, _NCH // 2, pair_body, 0)

    def repack(r):
        for j in range(_CPAD // _L):
            hist2d[r, pl.ds(j * _L, _L)] = hist[pl.ds(r * _CPAD + j * _L, _L)]

    plsc.parallel_loop(0, _K)(repack)
    pltpu.sync_copy(hist2d, out_hbm.at[wid])


def _iou_tc(hist_ref, out_ref):
    h = hist_ref[...]
    conf = h.sum(0).astype(jnp.float32)
    rows = lax.broadcasted_iota(jnp.int32, (_K, _CPAD), 0)
    cols = lax.broadcasted_iota(jnp.int32, (_K, _CPAD), 1)
    eye = rows == cols
    diag = jnp.where(eye, conf, 0.0).sum(1, keepdims=True)
    rowsum = conf.sum(1, keepdims=True)
    ct = conf.sum(0, keepdims=True)
    colsum = jnp.where(eye, jnp.broadcast_to(ct, conf.shape), 0.0).sum(
        1, keepdims=True
    )
    iou = diag / (rowsum + colsum - diag)
    out_ref[...] = (iou.sum() / _K).reshape(1, 1)


def kernel(input, target):
    partials = _hist_sc(input, target)
    res = pl.pallas_call(
        _iou_tc,
        out_shape=jax.ShapeDtypeStruct((1, 1), jnp.float32),
    )(partials)
    return res[0, 0]

# --- scband reference (transcript-rebuilt; emitter-appended) ---
"""Pipeline reference for scband-mio-u-64304250356240 (READ-ONLY COPY).

The authoritative reference and input builder live on the scoring server;
editing this copy changes nothing except your own understanding.
"""

import jax, jax.numpy as jnp
import numpy as np

NUM_CLASSES = 150
B, H, W = 16, 512, 512


def setup_inputs(seed: int = 0) -> dict:
    key = jax.random.key(seed)
    k1, k2 = jax.random.split(key)
    # int32 used for portability (jax default without x64); values identical to int64 semantics
    inp = jax.random.randint(k1, (B, H, W), 0, NUM_CLASSES, dtype=jnp.int32)
    tgt = jax.random.randint(k2, (B, H, W), 0, NUM_CLASSES, dtype=jnp.int32)
    return {"input": inp, "target": tgt}


def _fast_hist(p, t, num_classes):
    # mask = (target >= 0) & (target < num_classes)
    mask = (t >= 0) & (t < num_classes)
    idx = jnp.where(mask, num_classes * t + p, 0)
    # torch.bincount(..., minlength=num_classes**2) with masking -> weighted scatter-add
    hist = jnp.zeros((num_classes * num_classes,), dtype=jnp.float32).at[idx].add(
        mask.astype(jnp.float32)
    )
    return hist.reshape(num_classes, num_classes)


def reference(input, target):
    num_classes = NUM_CLASSES
    # conf_mat starts at zeros; loop over batch elements (zip(input, target)) and accumulate
    conf_mat = jnp.zeros((num_classes, num_classes), dtype=jnp.float32)

    def body(carry, pt):
        p, t = pt
        return carry + _fast_hist(p.reshape(-1), t.reshape(-1), num_classes), None

    conf_mat, _ = jax.lax.scan(body, conf_mat, (input, target))
    hist = conf_mat
    diag = jnp.diag(hist)
    iou = diag / (hist.sum(1) + hist.sum(0) - diag)
    return iou.mean()

if __name__ == "__main__":
    import jax
    _d = setup_inputs()
    print(jax.jit(kernel)(*tuple(_d.values())))

</pallas_src>

<mosaic_0001>
#map = affine_map<(d0, d1) -> (0, 0, 0)>
module attributes {stable_mosaic.version = 14 : i64} {
  func.func @_hist_sc(%arg0: i32, %arg1: i32, %arg2: memref<16x512x512xi32, #tpu.memory_space<hbm>>, %arg3: memref<16x512x512xi32, #tpu.memory_space<hbm>>, %arg4: memref<32x150x160xi32, #tpu.memory_space<hbm>>, %arg5: memref<24000xi32, #tpu.memory_space<vmem>>, %arg6: memref<150x160xi32, #tpu.memory_space<vmem>>, %arg7: memref<32x512xi32, #tpu.memory_space<vmem>>, %arg8: memref<32x512xi32, #tpu.memory_space<vmem>>, %arg9: memref<32x512xi32, #tpu.memory_space<vmem>>, %arg10: memref<32x512xi32, #tpu.memory_space<vmem>>, %arg11: memref<!tpu.dma_semaphore, #tpu.memory_space<semaphore_mem>>, %arg12: memref<!tpu.dma_semaphore, #tpu.memory_space<semaphore_mem>>) attributes {dimension_semantics = [#tpu.dimension_semantics<core_parallel>, #tpu.dimension_semantics<subcore_parallel>], iteration_bounds = array<i64: 2, 16>, scalar_prefetch = 0 : i64, scratch_operands = 8 : i64, tpu.core_type = #tpu.core_type<sc_vector_subcore>, window_params = [{transform_indices = #map}, {transform_indices = #map}, {transform_indices = #map}]} {
    %mul3A = arith.constant 2 : i32
    %mul3A_0 = arith.muli %arg1, %mul3A : i32
    %add3A = arith.addi %mul3A_0, %arg0 : i32
    %jit3A = arith.constant 2 : i32
    %div3A = arith.divsi %add3A, %jit3A : i32
    %sign3A = arith.constant 0 : i32
    %sign3A_1 = arith.cmpi sgt, %add3A, %sign3A : i32
    %sign3A_2 = arith.extui %sign3A_1 : i1 to i32
    %sign3A_3 = arith.constant 0 : i32
    %sign3A_4 = arith.cmpi slt, %add3A, %sign3A_3 : i32
    %sign3A_5 = arith.extui %sign3A_4 : i1 to i32
    %sign3A_6 = arith.subi %sign3A_2, %sign3A_5 : i32
    %sign3A_7 = arith.constant 0 : i32
    %sign3A_8 = arith.cmpi sgt, %jit3A, %sign3A_7 : i32
    %sign3A_9 = arith.extui %sign3A_8 : i1 to i32
    %sign3A_10 = arith.constant 0 : i32
    %sign3A_11 = arith.cmpi slt, %jit3A, %sign3A_10 : i32
    %sign3A_12 = arith.extui %sign3A_11 : i1 to i32
    %sign3A_13 = arith.subi %sign3A_9, %sign3A_12 : i32
    %ne3A = arith.cmpi ne, %sign3A_6, %sign3A_13 : i32
    %rem3A = arith.remsi %add3A, %jit3A : i32
    %ne3A_14 = arith.constant 0 : i32
    %ne3A_15 = arith.cmpi ne, %rem3A, %ne3A_14 : i32
    %and3A = arith.andi %ne3A, %ne3A_15 : i1
    %sub3A = arith.constant 1 : i32
    %sub3A_16 = arith.subi %div3A, %sub3A : i32
    %select_n3A = arith.select %and3A, %sub3A_16, %div3A : i32
    %jit3A_17 = arith.constant 2 : i32
    %eq3A = arith.constant 0 : i32
    %eq3A_18 = arith.cmpi eq, %jit3A_17, %eq3A : i32
    %jit3A_19 = arith.constant 1 : i32
    %select_n3A_20 = arith.select %eq3A_18, %jit3A_19, %jit3A_17 : i32
    %rem3A_21 = arith.remsi %add3A, %select_n3A_20 : i32
    %ne3A_22 = arith.constant 0 : i32
    %ne3A_23 = arith.cmpi ne, %rem3A_21, %ne3A_22 : i32
    %lt3A = arith.constant 0 : i32
    %lt3A_24 = arith.cmpi slt, %rem3A_21, %lt3A : i32
    %lt3A_25 = arith.constant 0 : i32
    %lt3A_26 = arith.cmpi slt, %select_n3A_20, %lt3A_25 : i32
    %ne3A_27 = arith.xori %lt3A_24, %lt3A_26 : i1
    %and3A_28 = arith.andi %ne3A_27, %ne3A_23 : i1
    %add3A_29 = arith.addi %rem3A_21, %select_n3A_20 : i32
    %select_n3A_30 = arith.select %and3A_28, %add3A_29, %rem3A_21 : i32
    %mul3A_31 = arith.constant 256 : i32
    %mul3A_32 = arith.muli %select_n3A_30, %mul3A_31 : i32
    %broadcast_in_dim3A = arith.constant 1 : i32
    %broadcast_in_dim3A_33 = vector.broadcast %broadcast_in_dim3A : i32 to vector<16xi32>
    %broadcast_in_dim3A_34 = arith.constant 0 : i32
    %broadcast_in_dim3A_35 = vector.broadcast %broadcast_in_dim3A_34 : i32 to vector<16xi32>
    %add3A_36 = arith.constant 0 : i32
    %add3A_37 = arith.addi %mul3A_32, %add3A_36 : i32
    %dma_start3A = arith.constant 0 : i32
    %dma_start3A_38 = tpu.memref_slice %arg2[%select_n3A, %add3A_37, %dma_start3A] : memref<16x512x512xi32, #tpu.memory_space<hbm>> -> memref<1x32x512xi32, #tpu.memory_space<hbm>>
    %dma_start3A_39 = tpu.memref_squeeze %dma_start3A_38 : memref<1x32x512xi32, #tpu.memory_space<hbm>> -> memref<32x512xi32, #tpu.memory_space<hbm>>
    %dma_start3A_40 = arith.constant 0 : i32
    %dma_start3A_41 = tpu.memref_slice %arg2[%select_n3A, %add3A_37, %dma_start3A_40] : memref<16x512x512xi32, #tpu.memory_space<hbm>> -> memref<1x32x512xi32, #tpu.memory_space<hbm>>
    %dma_start3A_42 = tpu.memref_squeeze %dma_start3A_41 : memref<1x32x512xi32, #tpu.memory_space<hbm>> -> memref<32x512xi32, #tpu.memory_space<hbm>>
    tpu.enqueue_dma source(%dma_start3A_42 : memref<32x512xi32, #tpu.memory_space<hbm>>) target(%arg7 : memref<32x512xi32, #tpu.memory_space<vmem>>) target_semaphore(%arg11 : memref<!tpu.dma_semaphore, #tpu.memory_space<semaphore_mem>>)
    %dma_start3A_43 = arith.constant 0 : i32
    %dma_start3A_44 = tpu.memref_slice %arg3[%select_n3A, %add3A_37, %dma_start3A_43] : memref<16x512x512xi32, #tpu.memory_space<hbm>> -> memref<1x32x512xi32, #tpu.memory_space<hbm>>
    %dma_start3A_45 = tpu.memref_squeeze %dma_start3A_44 : memref<1x32x512xi32, #tpu.memory_space<hbm>> -> memref<32x512xi32, #tpu.memory_space<hbm>>
    %dma_start3A_46 = arith.constant 0 : i32
    %dma_start3A_47 = tpu.memref_slice %arg3[%select_n3A, %add3A_37, %dma_start3A_46] : memref<16x512x512xi32, #tpu.memory_space<hbm>> -> memref<1x32x512xi32, #tpu.memory_space<hbm>>
    %dma_start3A_48 = tpu.memref_squeeze %dma_start3A_47 : memref<1x32x512xi32, #tpu.memory_space<hbm>> -> memref<32x512xi32, #tpu.memory_space<hbm>>
    tpu.enqueue_dma source(%dma_start3A_48 : memref<32x512xi32, #tpu.memory_space<hbm>>) target(%arg9 : memref<32x512xi32, #tpu.memory_space<vmem>>) target_semaphore(%arg11 : memref<!tpu.dma_semaphore, #tpu.memory_space<semaphore_mem>>)
    %scan3A = arith.constant 0 : i32
    %scan3A_49 = arith.constant 0 : i32
    %scan3A_50 = arith.constant 150 : i32
    %scan3A_51 = arith.addi %scan3A_49, %scan3A_50 : i32
    %scan3A_52 = arith.constant 1 : i32
    scf.for %scan3A_62 = %scan3A_49 to %scan3A_51 step %scan3A_52  : i32 {
      %mul3A_63 = arith.constant 160 : i32
      %mul3A_64 = arith.muli %scan3A_62, %mul3A_63 : i32
      %add3A_65 = arith.constant 0 : i32
      %add3A_66 = arith.addi %mul3A_64, %add3A_65 : i32
      %swap3A = arith.index_cast %add3A_66 : i32 to index
      %swap3A_67 = tpu.vector_load %arg5[%swap3A] {strides = array<i32>} : memref<24000xi32, #tpu.memory_space<vmem>>, vector<16xi32>,
      tpu.vector_store %arg5[%swap3A], %broadcast_in_dim3A_35 {strides = array<i32>} : memref<24000xi32, #tpu.memory_space<vmem>>, vector<16xi32>,
      %mul3A_68 = arith.constant 160 : i32
      %mul3A_69 = arith.muli %scan3A_62, %mul3A_68 : i32
      %add3A_70 = arith.constant 16 : i32
      %add3A_71 = arith.addi %mul3A_69, %add3A_70 : i32
      %swap3A_72 = arith.index_cast %add3A_71 : i32 to index
      %swap3A_73 = tpu.vector_load %arg5[%swap3A_72] {strides = array<i32>} : memref<24000xi32, #tpu.memory_space<vmem>>, vector<16xi32>,
      tpu.vector_store %arg5[%swap3A_72], %broadcast_in_dim3A_35 {strides = array<i32>} : memref<24000xi32, #tpu.memory_space<vmem>>, vector<16xi32>,
      %mul3A_74 = arith.constant 160 : i32
      %mul3A_75 = arith.muli %scan3A_62, %mul3A_74 : i32
      %add3A_76 = arith.constant 32 : i32
      %add3A_77 = arith.addi %mul3A_75, %add3A_76 : i32
      %swap3A_78 = arith.index_cast %add3A_77 : i32 to index
      %swap3A_79 = tpu.vector_load %arg5[%swap3A_78] {strides = array<i32>} : memref<24000xi32, #tpu.memory_space<vmem>>, vector<16xi32>,
      tpu.vector_store %arg5[%swap3A_78], %broadcast_in_dim3A_35 {strides = array<i32>} : memref<24000xi32, #tpu.memory_space<vmem>>, vector<16xi32>,
      %mul3A_80 = arith.constant 160 : i32
      %mul3A_81 = arith.muli %scan3A_62, %mul3A_80 : i32
      %add3A_82 = arith.constant 48 : i32
      %add3A_83 = arith.addi %mul3A_81, %add3A_82 : i32
      %swap3A_84 = arith.index_cast %add3A_83 : i32 to index
      %swap3A_85 = tpu.vector_load %arg5[%swap3A_84] {strides = array<i32>} : memref<24000xi32, #tpu.memory_space<vmem>>, vector<16xi32>,
      tpu.vector_store %arg5[%swap3A_84], %broadcast_in_dim3A_35 {strides = array<i32>} : memref<24000xi32, #tpu.memory_space<vmem>>, vector<16xi32>,
      %mul3A_86 = arith.constant 160 : i32
      %mul3A_87 = arith.muli %scan3A_62, %mul3A_86 : i32
      %add3A_88 = arith.constant 64 : i32
      %add3A_89 = arith.addi %mul3A_87, %add3A_88 : i32
      %swap3A_90 = arith.index_cast %add3A_89 : i32 to index
      %swap3A_91 = tpu.vector_load %arg5[%swap3A_90] {strides = array<i32>} : memref<24000xi32, #tpu.memory_space<vmem>>, vector<16xi32>,
      tpu.vector_store %arg5[%swap3A_90], %broadcast_in_dim3A_35 {strides = array<i32>} : memref<24000xi32, #tpu.memory_space<vmem>>, vector<16xi32>,
      %mul3A_92 = arith.constant 160 : i32
      %mul3A_93 = arith.muli %scan3A_62, %mul3A_92 : i32
      %add3A_94 = arith.constant 80 : i32
      %add3A_95 = arith.addi %mul3A_93, %add3A_94 : i32
      %swap3A_96 = arith.index_cast %add3A_95 : i32 to index
      %swap3A_97 = tpu.vector_load %arg5[%swap3A_96] {strides = array<i32>} : memref<24000xi32, #tpu.memory_space<vmem>>, vector<16xi32>,
      tpu.vector_store %arg5[%swap3A_96], %broadcast_in_dim3A_35 {strides = array<i32>} : memref<24000xi32, #tpu.memory_space<vmem>>, vector<16xi32>,
      %mul3A_98 = arith.constant 160 : i32
      %mul3A_99 = arith.muli %scan3A_62, %mul3A_98 : i32
      %add3A_100 = arith.constant 96 : i32
      %add3A_101 = arith.addi %mul3A_99, %add3A_100 : i32
      %swap3A_102 = arith.index_cast %add3A_101 : i32 to index
      %swap3A_103 = tpu.vector_load %arg5[%swap3A_102] {strides = array<i32>} : memref<24000xi32, #tpu.memory_space<vmem>>, vector<16xi32>,
      tpu.vector_store %arg5[%swap3A_102], %broadcast_in_dim3A_35 {strides = array<i32>} : memref<24000xi32, #tpu.memory_space<vmem>>, vector<16xi32>,
      %mul3A_104 = arith.constant 160 : i32
      %mul3A_105 = arith.muli %scan3A_62, %mul3A_104 : i32
      %add3A_106 = arith.constant 112 : i32
      %add3A_107 = arith.addi %mul3A_105, %add3A_106 : i32
      %swap3A_108 = arith.index_cast %add3A_107 : i32 to index
      %swap3A_109 = tpu.vector_load %arg5[%swap3A_108] {strides = array<i32>} : memref<24000xi32, #tpu.memory_space<vmem>>, vector<16xi32>,
      tpu.vector_store %arg5[%swap3A_108], %broadcast_in_dim3A_35 {strides = array<i32>} : memref<24000xi32, #tpu.memory_space<vmem>>, vector<16xi32>,
      %mul3A_110 = arith.constant 160 : i32
      %mul3A_111 = arith.muli %scan3A_62, %mul3A_110 : i32
      %add3A_112 = arith.constant 128 : i32
      %add3A_113 = arith.addi %mul3A_111, %add3A_112 : i32
      %swap3A_114 = arith.index_cast %add3A_113 : i32 to index
      %swap3A_115 = tpu.vector_load %arg5[%swap3A_114] {strides = array<i32>} : memref<24000xi32, #tpu.memory_space<vmem>>, vector<16xi32>,
      tpu.vector_store %arg5[%swap3A_114], %broadcast_in_dim3A_35 {strides = array<i32>} : memref<24000xi32, #tpu.memory_space<vmem>>, vector<16xi32>,
      %mul3A_116 = arith.constant 160 : i32
      %mul3A_117 = arith.muli %scan3A_62, %mul3A_116 : i32
      %add3A_118 = arith.constant 144 : i32
      %add3A_119 = arith.addi %mul3A_117, %add3A_118 : i32
      %swap3A_120 = arith.index_cast %add3A_119 : i32 to index
      %swap3A_121 = tpu.vector_load %arg5[%swap3A_120] {strides = array<i32>} : memref<24000xi32, #tpu.memory_space<vmem>>, vector<16xi32>,
      tpu.vector_store %arg5[%swap3A_120], %broadcast_in_dim3A_35 {strides = array<i32>} : memref<24000xi32, #tpu.memory_space<vmem>>, vector<16xi32>,
    }
    %scan3A_53 = arith.constant 150 : i32
    %scan3A_54 = arith.constant 0 : i32
    %scan3A_55 = arith.constant 0 : i32
    %scan3A_56 = arith.constant 4 : i32
    %scan3A_57 = arith.addi %scan3A_55, %scan3A_56 : i32
    %scan3A_58 = arith.constant 1 : i32
    scf.for %scan3A_62 = %scan3A_55 to %scan3A_57 step %scan3A_58  : i32 {
      %mul3A_63 = arith.constant 2 : i32
      %mul3A_64 = arith.muli %mul3A_63, %scan3A_62 : i32
      %mul3A_65 = arith.constant 32 : i32
      %mul3A_66 = arith.muli %mul3A_64, %mul3A_65 : i32
      %add3A_67 = arith.addi %mul3A_32, %mul3A_66 : i32
      %dma_wait3A = arith.constant 0 : i32
      %dma_wait3A_68 = tpu.memref_slice %arg2[%select_n3A, %add3A_67, %dma_wait3A] : memref<16x512x512xi32, #tpu.memory_space<hbm>> -> memref<1x32x512xi32, #tpu.memory_space<hbm>>
      %dma_wait3A_69 = tpu.memref_squeeze %dma_wait3A_68 : memref<1x32x512xi32, #tpu.memory_space<hbm>> -> memref<32x512xi32, #tpu.memory_space<hbm>>
      %dma_wait3A_70 = arith.constant 0 : i32
      %dma_wait3A_71 = tpu.memref_slice %arg2[%select_n3A, %add3A_67, %dma_wait3A_70] : memref<16x512x512xi32, #tpu.memory_space<hbm>> -> memref<1x32x512xi32, #tpu.memory_space<hbm>>
      %dma_wait3A_72 = tpu.memref_squeeze %dma_wait3A_71 : memref<1x32x512xi32, #tpu.memory_space<hbm>> -> memref<32x512xi32, #tpu.memory_space<hbm>>
      tpu.wait_dma2 semaphore(%arg11 : memref<!tpu.dma_semaphore, #tpu.memory_space<semaphore_mem>>) src(%dma_wait3A_72 : memref<32x512xi32, #tpu.memory_space<hbm>>) dst(%arg7 : memref<32x512xi32, #tpu.memory_space<vmem>>)
      %dma_wait3A_73 = arith.constant 0 : i32
      %dma_wait3A_74 = tpu.memref_slice %arg3[%select_n3A, %add3A_67, %dma_wait3A_73] : memref<16x512x512xi32, #tpu.memory_space<hbm>> -> memref<1x32x512xi32, #tpu.memory_space<hbm>>
      %dma_wait3A_75 = tpu.memref_squeeze %dma_wait3A_74 : memref<1x32x512xi32, #tpu.memory_space<hbm>> -> memref<32x512xi32, #tpu.memory_space<hbm>>
      %dma_wait3A_76 = arith.constant 0 : i32
      %dma_wait3A_77 = tpu.memref_slice %arg3[%select_n3A, %add3A_67, %dma_wait3A_76] : memref<16x512x512xi32, #tpu.memory_space<hbm>> -> memref<1x32x512xi32, #tpu.memory_space<hbm>>
      %dma_wait3A_78 = tpu.memref_squeeze %dma_wait3A_77 : memref<1x32x512xi32, #tpu.memory_space<hbm>> -> memref<32x512xi32, #tpu.memory_space<hbm>>
      tpu.wait_dma2 semaphore(%arg11 : memref<!tpu.dma_semaphore, #tpu.memory_space<semaphore_mem>>) src(%dma_wait3A_78 : memref<32x512xi32, #tpu.memory_space<hbm>>) dst(%arg9 : memref<32x512xi32, #tpu.memory_space<vmem>>)
      %add3A_79 = arith.constant 1 : i32
      %add3A_80 = arith.addi %mul3A_64, %add3A_79 : i32
      %mul3A_81 = arith.constant 32 : i32
      %mul3A_82 = arith.muli %add3A_80, %mul3A_81 : i32
      %add3A_83 = arith.addi %mul3A_32, %mul3A_82 : i32
      %dma_start3A_84 = arith.constant 0 : i32
      %dma_start3A_85 = tpu.memref_slice %arg2[%select_n3A, %add3A_83, %dma_start3A_84] : memref<16x512x512xi32, #tpu.memory_space<hbm>> -> memref<1x32x512xi32, #tpu.memory_space<hbm>>
      %dma_start3A_86 = tpu.memref_squeeze %dma_start3A_85 : memref<1x32x512xi32, #tpu.memory_space<hbm>> -> memref<32x512xi32, #tpu.memory_space<hbm>>
      %dma_start3A_87 = arith.constant 0 : i32
      %dma_start3A_88 = tpu.memref_slice %arg2[%select_n3A, %add3A_83, %dma_start3A_87] : memref<16x512x512xi32, #tpu.memory_space<hbm>> -> memref<1x32x512xi32, #tpu.memory_space<hbm>>
      %dma_start3A_89 = tpu.memref_squeeze %dma_start3A_88 : memref<1x32x512xi32, #tpu.memory_space<hbm>> -> memref<32x512xi32, #tpu.memory_space<hbm>>
      tpu.enqueue_dma source(%dma_start3A_89 : memref<32x512xi32, #tpu.memory_space<hbm>>) target(%arg8 : memref<32x512xi32, #tpu.memory_space<vmem>>) target_semaphore(%arg12 : memref<!tpu.dma_semaphore, #tpu.memory_space<semaphore_mem>>)
      %dma_start3A_90 = arith.constant 0 : i32
      %dma_start3A_91 = tpu.memref_slice %arg3[%select_n3A, %add3A_83, %dma_start3A_90] : memref<16x512x512xi32, #tpu.memory_space<hbm>> -> memref<1x32x512xi32, #tpu.memory_space<hbm>>
      %dma_start3A_92 = tpu.memref_squeeze %dma_start3A_91 : memref<1x32x512xi32, #tpu.memory_space<hbm>> -> memref<32x512xi32, #tpu.memory_space<hbm>>
      %dma_start3A_93 = arith.constant 0 : i32
      %dma_start3A_94 = tpu.memref_slice %arg3[%select_n3A, %add3A_83, %dma_start3A_93] : memref<16x512x512xi32, #tpu.memory_space<hbm>> -> memref<1x32x512xi32, #tpu.memory_space<hbm>>
      %dma_start3A_95 = tpu.memref_squeeze %dma_start3A_94 : memref<1x32x512xi32, #tpu.memory_space<hbm>> -> memref<32x512xi32, #tpu.memory_space<hbm>>
      tpu.enqueue_dma source(%dma_start3A_95 : memref<32x512xi32, #tpu.memory_space<hbm>>) target(%arg10 : memref<32x512xi32, #tpu.memory_space<vmem>>) target_semaphore(%arg12 : memref<!tpu.dma_semaphore, #tpu.memory_space<semaphore_mem>>)
      %parallel_loop3A_96 = arith.constant 0 : i32
      %parallel_loop3A_97 = arith.constant 32 : i32
      %parallel_loop3A_98 = arith.constant 1 : i32
      scf.for %parallel_loop3A_122 = %parallel_loop3A_96 to %parallel_loop3A_97 step %parallel_loop3A_98  : i32 {
        %parallel_loop3A_123 = arith.index_cast %parallel_loop3A_122 : i32 to index
        %parallel_loop3A_124 = arith.constant 0 : index
        %parallel_loop3A_125 = tpu.vector_load %arg7[%parallel_loop3A_123, %parallel_loop3A_124] {strides = array<i32>} : memref<32x512xi32, #tpu.memory_space<vmem>>, vector<16xi32>,
        %parallel_loop3A_126 = arith.index_cast %parallel_loop3A_122 : i32 to index
        %parallel_loop3A_127 = arith.constant 0 : index
        %parallel_loop3A_128 = tpu.vector_load %arg9[%parallel_loop3A_126, %parallel_loop3A_127] {strides = array<i32>} : memref<32x512xi32, #tpu.memory_space<vmem>>, vector<16xi32>,
        %parallel_loop3A_129 = arith.constant 160 : i32
        %parallel_loop3A_130 = vector.broadcast %parallel_loop3A_129 : i32 to vector<16xi32>
        %parallel_loop3A_131 = arith.muli %parallel_loop3A_128, %parallel_loop3A_130 : vector<16xi32>
        %parallel_loop3A_132 = arith.addi %parallel_loop3A_131, %parallel_loop3A_125 : vector<16xi32>
        tpu.vector_store_idx %arg5[%parallel_loop3A_132], %broadcast_in_dim3A_33 {add = true} : memref<24000xi32, #tpu.memory_space<vmem>>[vector<16xi32>], vector<16xi32>,
        %parallel_loop3A_133 = arith.index_cast %parallel_loop3A_122 : i32 to index
        %parallel_loop3A_134 = arith.constant 16 : index
        %parallel_loop3A_135 = tpu.vector_load %arg7[%parallel_loop3A_133, %parallel_loop3A_134] {strides = array<i32>} : memref<32x512xi32, #tpu.memory_space<vmem>>, vector<16xi32>,
        %parallel_loop3A_136 = arith.index_cast %parallel_loop3A_122 : i32 to index
        %parallel_loop3A_137 = arith.constant 16 : index
        %parallel_loop3A_138 = tpu.vector_load %arg9[%parallel_loop3A_136, %parallel_loop3A_137] {strides = array<i32>} : memref<32x512xi32, #tpu.memory_space<vmem>>, vector<16xi32>,
        %parallel_loop3A_139 = arith.constant 160 : i32
        %parallel_loop3A_140 = vector.broadcast %parallel_loop3A_139 : i32 to vector<16xi32>
        %parallel_loop3A_141 = arith.muli %parallel_loop3A_138, %parallel_loop3A_140 : vector<16xi32>
        %parallel_loop3A_142 = arith.addi %parallel_loop3A_141, %parallel_loop3A_135 : vector<16xi32>
        tpu.vector_store_idx %arg5[%parallel_loop3A_142], %broadcast_in_dim3A_33 {add = true} : memref<24000xi32, #tpu.memory_space<vmem>>[vector<16xi32>], vector<16xi32>,
        %parallel_loop3A_143 = arith.index_cast %parallel_loop3A_122 : i32 to index
        %parallel_loop3A_144 = arith.constant 32 : index
        %parallel_loop3A_145 = tpu.vector_load %arg7[%parallel_loop3A_143, %parallel_loop3A_144] {strides = array<i32>} : memref<32x512xi32, #tpu.memory_space<vmem>>, vector<16xi32>,
        %parallel_loop3A_146 = arith.index_cast %parallel_loop3A_122 : i32 to index
        %parallel_loop3A_147 = arith.constant 32 : index
        %parallel_loop3A_148 = tpu.vector_load %arg9[%parallel_loop3A_146, %parallel_loop3A_147] {strides = array<i32>} : memref<32x512xi32, #tpu.memory_space<vmem>>, vector<16xi32>,
        %parallel_loop3A_149 = arith.constant 160 : i32
        %parallel_loop3A_150 = vector.broadcast %parallel_loop3A_149 : i32 to vector<16xi32>
        %parallel_loop3A_151 = arith.muli %parallel_loop3A_148, %parallel_loop3A_150 : vector<16xi32>
        %parallel_loop3A_152 = arith.addi %parallel_loop3A_151, %parallel_loop3A_145 : vector<16xi32>
        tpu.vector_store_idx %arg5[%parallel_loop3A_152], %broadcast_in_dim3A_33 {add = true} : memref<24000xi32, #tpu.memory_space<vmem>>[vector<16xi32>], vector<16xi32>,
        %parallel_loop3A_153 = arith.index_cast %parallel_loop3A_122 : i32 to index
        %parallel_loop3A_154 = arith.constant 48 : index
        %parallel_loop3A_155 = tpu.vector_load %arg7[%parallel_loop3A_153, %parallel_loop3A_154] {strides = array<i32>} : memref<32x512xi32, #tpu.memory_space<vmem>>, vector<16xi32>,
        %parallel_loop3A_156 = arith.index_cast %parallel_loop3A_122 : i32 to index
        %parallel_loop3A_157 = arith.constant 48 : index
        %parallel_loop3A_158 = tpu.vector_load %arg9[%parallel_loop3A_156, %parallel_loop3A_157] {strides = array<i32>} : memref<32x512xi32, #tpu.memory_space<vmem>>, vector<16xi32>,
        %parallel_loop3A_159 = arith.constant 160 : i32
        %parallel_loop3A_160 = vector.broadcast %parallel_loop3A_159 : i32 to vector<16xi32>
        %parallel_loop3A_161 = arith.muli %parallel_loop3A_158, %parallel_loop3A_160 : vector<16xi32>
        %parallel_loop3A_162 = arith.addi %parallel_loop3A_161, %parallel_loop3A_155 : vector<16xi32>
        tpu.vector_store_idx %arg5[%parallel_loop3A_162], %broadcast_in_dim3A_33 {add = true} : memref<24000xi32, #tpu.memory_space<vmem>>[vector<16xi32>], vector<16xi32>,
        %parallel_loop3A_163 = arith.index_cast %parallel_loop3A_122 : i32 to index
        %parallel_loop3A_164 = arith.constant 64 : index
        %parallel_loop3A_165 = tpu.vector_load %arg7[%parallel_loop3A_163, %parallel_loop3A_164] {strides = array<i32>} : memref<32x512xi32, #tpu.memory_space<vmem>>, vector<16xi32>,
        %parallel_loop3A_166 = arith.index_cast %parallel_loop3A_122 : i32 to index
        %parallel_loop3A_167 = arith.constant 64 : index
        %parallel_loop3A_168 = tpu.vector_load %arg9[%parallel_loop3A_166, %parallel_loop3A_167] {strides = array<i32>} : memref<32x512xi32, #tpu.memory_space<vmem>>, vector<16xi32>,
        %parallel_loop3A_169 = arith.constant 160 : i32
        %parallel_loop3A_170 = vector.broadcast %parallel_loop3A_169 : i32 to vector<16xi32>
        %parallel_loop3A_171 = arith.muli %parallel_loop3A_168, %parallel_loop3A_170 : vector<16xi32>
        %parallel_loop3A_172 = arith.addi %parallel_loop3A_171, %parallel_loop3A_165 : vector<16xi32>
        tpu.vector_store_idx %arg5[%parallel_loop3A_172], %broadcast_in_dim3A_33 {add = true} : memref<24000xi32, #tpu.memory_space<vmem>>[vector<16xi32>], vector<16xi32>,
        %parallel_loop3A_173 = arith.index_cast %parallel_loop3A_122 : i32 to index
        %parallel_loop3A_174 = arith.constant 80 : index
        %parallel_loop3A_175 = tpu.vector_load %arg7[%parallel_loop3A_173, %parallel_loop3A_174] {strides = array<i32>} : memref<32x512xi32, #tpu.memory_space<vmem>>, vector<16xi32>,
        %parallel_loop3A_176 = arith.index_cast %parallel_loop3A_122 : i32 to index
        %parallel_loop3A_177 = arith.constant 80 : index
        %parallel_loop3A_178 = tpu.vector_load %arg9[%parallel_loop3A_176, %parallel_loop3A_177] {strides = array<i32>} : memref<32x512xi32, #tpu.memory_space<vmem>>, vector<16xi32>,
        %parallel_loop3A_179 = arith.constant 160 : i32
        %parallel_loop3A_180 = vector.broadcast %parallel_loop3A_179 : i32 to vector<16xi32>
        %parallel_loop3A_181 = arith.muli %parallel_loop3A_178, %parallel_loop3A_180 : vector<16xi32>
        %parallel_loop3A_182 = arith.addi %parallel_loop3A_181, %parallel_loop3A_175 : vector<16xi32>
        tpu.vector_store_idx %arg5[%parallel_loop3A_182], %broadcast_in_dim3A_33 {add = true} : memref<24000xi32, #tpu.memory_space<vmem>>[vector<16xi32>], vector<16xi32>,
        %parallel_loop3A_183 = arith.index_cast %parallel_loop3A_122 : i32 to index
        %parallel_loop3A_184 = arith.constant 96 : index
        %parallel_loop3A_185 = tpu.vector_load %arg7[%parallel_loop3A_183, %parallel_loop3A_184] {strides = array<i32>} : memref<32x512xi32, #tpu.memory_space<vmem>>, vector<16xi32>,
        %parallel_loop3A_186 = arith.index_cast %parallel_loop3A_122 : i32 to index
        %parallel_loop3A_187 = arith.constant 96 : index
        %parallel_loop3A_188 = tpu.vector_load %arg9[%parallel_loop3A_186, %parallel_loop3A_187] {strides = array<i32>} : memref<32x512xi32, #tpu.memory_space<vmem>>, vector<16xi32>,
        %parallel_loop3A_189 = arith.constant 160 : i32
        %parallel_loop3A_190 = vector.broadcast %parallel_loop3A_189 : i32 to vector<16xi32>
        %parallel_loop3A_191 = arith.muli %parallel_loop3A_188, %parallel_loop3A_190 : vector<16xi32>
        %parallel_loop3A_192 = arith.addi %parallel_loop3A_191, %parallel_loop3A_185 : vector<16xi32>
        tpu.vector_store_idx %arg5[%parallel_loop3A_192], %broadcast_in_dim3A_33 {add = true} : memref<24000xi32, #tpu.memory_space<vmem>>[vector<16xi32>], vector<16xi32>,
        %parallel_loop3A_193 = arith.index_cast %parallel_loop3A_122 : i32 to index
        %parallel_loop3A_194 = arith.constant 112 : index
        %parallel_loop3A_195 = tpu.vector_load %arg7[%parallel_loop3A_193, %parallel_loop3A_194] {strides = array<i32>} : memref<32x512xi32, #tpu.memory_space<vmem>>, vector<16xi32>,
        %parallel_loop3A_196 = arith.index_cast %parallel_loop3A_122 : i32 to index
        %parallel_loop3A_197 = arith.constant 112 : index
        %parallel_loop3A_198 = tpu.vector_load %arg9[%parallel_loop3A_196, %parallel_loop3A_197] {strides = array<i32>} : memref<32x512xi32, #tpu.memory_space<vmem>>, vector<16xi32>,
        %parallel_loop3A_199 = arith.constant 160 : i32
        %parallel_loop3A_200 = vector.broadcast %parallel_loop3A_199 : i32 to vector<16xi32>
        %parallel_loop3A_201 = arith.muli %parallel_loop3A_198, %parallel_loop3A_200 : vector<16xi32>
        %parallel_loop3A_202 = arith.addi %parallel_loop3A_201, %parallel_loop3A_195 : vector<16xi32>
        tpu.vector_store_idx %arg5[%parallel_loop3A_202], %broadcast_in_dim3A_33 {add = true} : memref<24000xi32, #tpu.memory_space<vmem>>[vector<16xi32>], vector<16xi32>,
        %parallel_loop3A_203 = arith.index_cast %parallel_loop3A_122 : i32 to index
        %parallel_loop3A_204 = arith.constant 128 : index
        %parallel_loop3A_205 = tpu.vector_load %arg7[%parallel_loop3A_203, %parallel_loop3A_204] {strides = array<i32>} : memref<32x512xi32, #tpu.memory_space<vmem>>, vector<16xi32>,
        %parallel_loop3A_206 = arith.index_cast %parallel_loop3A_122 : i32 to index
        %parallel_loop3A_207 = arith.constant 128 : index
        %parallel_loop3A_208 = tpu.vector_load %arg9[%parallel_loop3A_206, %parallel_loop3A_207] {strides = array<i32>} : memref<32x512xi32, #tpu.memory_space<vmem>>, vector<16xi32>,
        %parallel_loop3A_209 = arith.constant 160 : i32
        %parallel_loop3A_210 = vector.broadcast %parallel_loop3A_209 : i32 to vector<16xi32>
        %parallel_loop3A_211 = arith.muli %parallel_loop3A_208, %parallel_loop3A_210 : vector<16xi32>
        %parallel_loop3A_212 = arith.addi %parallel_loop3A_211, %parallel_loop3A_205 : vector<16xi32>
        tpu.vector_store_idx %arg5[%parallel_loop3A_212], %broadcast_in_dim3A_33 {add = true} : memref<24000xi32, #tpu.memory_space<vmem>>[vector<16xi32>], vector<16xi32>,
        %parallel_loop3A_213 = arith.index_cast %parallel_loop3A_122 : i32 to index
        %parallel_loop3A_214 = arith.constant 144 : index
        %parallel_loop3A_215 = tpu.vector_load %arg7[%parallel_loop3A_213, %parallel_loop3A_214] {strides = array<i32>} : memref<32x512xi32, #tpu.memory_space<vmem>>, vector<16xi32>,
        %parallel_loop3A_216 = arith.index_cast %parallel_loop3A_122 : i32 to index
        %parallel_loop3A_217 = arith.constant 144 : index
        %parallel_loop3A_218 = tpu.vector_load %arg9[%parallel_loop3A_216, %parallel_loop3A_217] {strides = array<i32>} : memref<32x512xi32, #tpu.memory_space<vmem>>, vector<16xi32>,
        %parallel_loop3A_219 = arith.constant 160 : i32
        %parallel_loop3A_220 = vector.broadcast %parallel_loop3A_219 : i32 to vector<16xi32>
        %parallel_loop3A_221 = arith.muli %parallel_loop3A_218, %parallel_loop3A_220 : vector<16xi32>
        %parallel_loop3A_222 = arith.addi %parallel_loop3A_221, %parallel_loop3A_215 : vector<16xi32>
        tpu.vector_store_idx %arg5[%parallel_loop3A_222], %broadcast_in_dim3A_33 {add = true} : memref<24000xi32, #tpu.memory_space<vmem>>[vector<16xi32>], vector<16xi32>,
        %parallel_loop3A_223 = arith.index_cast %parallel_loop3A_122 : i32 to index
        %parallel_loop3A_224 = arith.constant 160 : index
        %parallel_loop3A_225 = tpu.vector_load %arg7[%parallel_loop3A_223, %parallel_loop3A_224] {strides = array<i32>} : memref<32x512xi32, #tpu.memory_space<vmem>>, vector<16xi32>,
        %parallel_loop3A_226 = arith.index_cast %parallel_loop3A_122 : i32 to index
        %parallel_loop3A_227 = arith.constant 160 : index
        %parallel_loop3A_228 = tpu.vector_load %arg9[%parallel_loop3A_226, %parallel_loop3A_227] {strides = array<i32>} : memref<32x512xi32, #tpu.memory_space<vmem>>, vector<16xi32>,
        %parallel_loop3A_229 = arith.constant 160 : i32
        %parallel_loop3A_230 = vector.broadcast %parallel_loop3A_229 : i32 to vector<16xi32>
        %parallel_loop3A_231 = arith.muli %parallel_loop3A_228, %parallel_loop3A_230 : vector<16xi32>
        %parallel_loop3A_232 = arith.addi %parallel_loop3A_231, %parallel_loop3A_225 : vector<16xi32>
        tpu.vector_store_idx %arg5[%parallel_loop3A_232], %broadcast_in_dim3A_33 {add = true} : memref<24000xi32, #tpu.memory_space<vmem>>[vector<16xi32>], vector<16xi32>,
        %parallel_loop3A_233 = arith.index_cast %parallel_loop3A_122 : i32 to index
        %parallel_loop3A_234 = arith.constant 176 : index
        %parallel_loop3A_235 = tpu.vector_load %arg7[%parallel_loop3A_233, %parallel_loop3A_234] {strides = array<i32>} : memref<32x512xi32, #tpu.memory_space<vmem>>, vector<16xi32>,
        %parallel_loop3A_236 = arith.index_cast %parallel_loop3A_122 : i32 to index
        %parallel_loop3A_237 = arith.constant 176 : index
        %parallel_loop3A_238 = tpu.vector_load %arg9[%parallel_loop3A_236, %parallel_loop3A_237] {strides = array<i32>} : memref<32x512xi32, #tpu.memory_space<vmem>>, vector<16xi32>,
        %parallel_loop3A_239 = arith.constant 160 : i32
        %parallel_loop3A_240 = vector.broadcast %parallel_loop3A_239 : i32 to vector<16xi32>
        %parallel_loop3A_241 = arith.muli %parallel_loop3A_238, %parallel_loop3A_240 : vector<16xi32>
        %parallel_loop3A_242 = arith.addi %parallel_loop3A_241, %parallel_loop3A_235 : vector<16xi32>
        tpu.vector_store_idx %arg5[%parallel_loop3A_242], %broadcast_in_dim3A_33 {add = true} : memref<24000xi32, #tpu.memory_space<vmem>>[vector<16xi32>], vector<16xi32>,
        %parallel_loop3A_243 = arith.index_cast %parallel_loop3A_122 : i32 to index
        %parallel_loop3A_244 = arith.constant 192 : index
        %parallel_loop3A_245 = tpu.vector_load %arg7[%parallel_loop3A_243, %parallel_loop3A_244] {strides = array<i32>} : memref<32x512xi32, #tpu.memory_space<vmem>>, vector<16xi32>,
        %parallel_loop3A_246 = arith.index_cast %parallel_loop3A_122 : i32 to index
        %parallel_loop3A_247 = arith.constant 192 : index
        %parallel_loop3A_248 = tpu.vector_load %arg9[%parallel_loop3A_246, %parallel_loop3A_247] {strides = array<i32>} : memref<32x512xi32, #tpu.memory_space<vmem>>, vector<16xi32>,
        %parallel_loop3A_249 = arith.constant 160 : i32
        %parallel_loop3A_250 = vector.broadcast %parallel_loop3A_249 : i32 to vector<16xi32>
        %parallel_loop3A_251 = arith.muli %parallel_loop3A_248, %parallel_loop3A_250 : vector<16xi32>
        %parallel_loop3A_252 = arith.addi %parallel_loop3A_251, %parallel_loop3A_245 : vector<16xi32>
        tpu.vector_store_idx %arg5[%parallel_loop3A_252], %broadcast_in_dim3A_33 {add = true} : memref<24000xi32, #tpu.memory_space<vmem>>[vector<16xi32>], vector<16xi32>,
        %parallel_loop3A_253 = arith.index_cast %parallel_loop3A_122 : i32 to index
        %parallel_loop3A_254 = arith.constant 208 : index
        %parallel_loop3A_255 = tpu.vector_load %arg7[%parallel_loop3A_253, %parallel_loop3A_254] {strides = array<i32>} : memref<32x512xi32, #tpu.memory_space<vmem>>, vector<16xi32>,
        %parallel_loop3A_256 = arith.index_cast %parallel_loop3A_122 : i32 to index
        %parallel_loop3A_257 = arith.constant 208 : index
        %parallel_loop3A_258 = tpu.vector_load %arg9[%parallel_loop3A_256, %parallel_loop3A_257] {strides = array<i32>} : memref<32x512xi32, #tpu.memory_space<vmem>>, vector<16xi32>,
        %parallel_loop3A_259 = arith.constant 160 : i32
        %parallel_loop3A_260 = vector.broadcast %parallel_loop3A_259 : i32 to vector<16xi32>
        %parallel_loop3A_261 = arith.muli %parallel_loop3A_258, %parallel_loop3A_260 : vector<16xi32>
        %parallel_loop3A_262 = arith.addi %parallel_loop3A_261, %parallel_loop3A_255 : vector<16xi32>
        tpu.vector_store_idx %arg5[%parallel_loop3A_262], %broadcast_in_dim3A_33 {add = true} : memref<24000xi32, #tpu.memory_space<vmem>>[vector<16xi32>], vector<16xi32>,
        %parallel_loop3A_263 = arith.index_cast %parallel_loop3A_122 : i32 to index
        %parallel_loop3A_264 = arith.constant 224 : index
        %parallel_loop3A_265 = tpu.vector_load %arg7[%parallel_loop3A_263, %parallel_loop3A_264] {strides = array<i32>} : memref<32x512xi32, #tpu.memory_space<vmem>>, vector<16xi32>,
        %parallel_loop3A_266 = arith.index_cast %parallel_loop3A_122 : i32 to index
        %parallel_loop3A_267 = arith.constant 224 : index
        %parallel_loop3A_268 = tpu.vector_load %arg9[%parallel_loop3A_266, %parallel_loop3A_267] {strides = array<i32>} : memref<32x512xi32, #tpu.memory_space<vmem>>, vector<16xi32>,
        %parallel_loop3A_269 = arith.constant 160 : i32
        %parallel_loop3A_270 = vector.broadcast %parallel_loop3A_269 : i32 to vector<16xi32>
        %parallel_loop3A_271 = arith.muli %parallel_loop3A_268, %parallel_loop3A_270 : vector<16xi32>
        %parallel_loop3A_272 = arith.addi %parallel_loop3A_271, %parallel_loop3A_265 : vector<16xi32>
        tpu.vector_store_idx %arg5[%parallel_loop3A_272], %broadcast_in_dim3A_33 {add = true} : memref<24000xi32, #tpu.memory_space<vmem>>[vector<16xi32>], vector<16xi32>,
        %parallel_loop3A_273 = arith.index_cast %parallel_loop3A_122 : i32 to index
        %parallel_loop3A_274 = arith.constant 240 : index
        %parallel_loop3A_275 = tpu.vector_load %arg7[%parallel_loop3A_273, %parallel_loop3A_274] {strides = array<i32>} : memref<32x512xi32, #tpu.memory_space<vmem>>, vector<16xi32>,
        %parallel_loop3A_276 = arith.index_cast %parallel_loop3A_122 : i32 to index
        %parallel_loop3A_277 = arith.constant 240 : index
        %parallel_loop3A_278 = tpu.vector_load %arg9[%parallel_loop3A_276, %parallel_loop3A_277] {strides = array<i32>} : memref<32x512xi32, #tpu.memory_space<vmem>>, vector<16xi32>,
        %parallel_loop3A_279 = arith.constant 160 : i32
        %parallel_loop3A_280 = vector.broadcast %parallel_loop3A_279 : i32 to vector<16xi32>
        %parallel_loop3A_281 = arith.muli %parallel_loop3A_278, %parallel_loop3A_280 : vector<16xi32>
        %parallel_loop3A_282 = arith.addi %parallel_loop3A_281, %parallel_loop3A_275 : vector<16xi32>
        tpu.vector_store_idx %arg5[%parallel_loop3A_282], %broadcast_in_dim3A_33 {add = true} : memref<24000xi32, #tpu.memory_space<vmem>>[vector<16xi32>], vector<16xi32>,
        %parallel_loop3A_283 = arith.index_cast %parallel_loop3A_122 : i32 to index
        %parallel_loop3A_284 = arith.constant 256 : index
        %parallel_loop3A_285 = tpu.vector_load %arg7[%parallel_loop3A_283, %parallel_loop3A_284] {strides = array<i32>} : memref<32x512xi32, #tpu.memory_space<vmem>>, vector<16xi32>,
        %parallel_loop3A_286 = arith.index_cast %parallel_loop3A_122 : i32 to index
        %parallel_loop3A_287 = arith.constant 256 : index
        %parallel_loop3A_288 = tpu.vector_load %arg9[%parallel_loop3A_286, %parallel_loop3A_287] {strides = array<i32>} : memref<32x512xi32, #tpu.memory_space<vmem>>, vector<16xi32>,
        %parallel_loop3A_289 = arith.constant 160 : i32
        %parallel_loop3A_290 = vector.broadcast %parallel_loop3A_289 : i32 to vector<16xi32>
        %parallel_loop3A_291 = arith.muli %parallel_loop3A_288, %parallel_loop3A_290 : vector<16xi32>
        %parallel_loop3A_292 = arith.addi %parallel_loop3A_291, %parallel_loop3A_285 : vector<16xi32>
        tpu.vector_store_idx %arg5[%parallel_loop3A_292], %broadcast_in_dim3A_33 {add = true} : memref<24000xi32, #tpu.memory_space<vmem>>[vector<16xi32>], vector<16xi32>,
        %parallel_loop3A_293 = arith.index_cast %parallel_loop3A_122 : i32 to index
        %parallel_loop3A_294 = arith.constant 272 : index
        %parallel_loop3A_295 = tpu.vector_load %arg7[%parallel_loop3A_293, %parallel_loop3A_294] {strides = array<i32>} : memref<32x512xi32, #tpu.memory_space<vmem>>, vector<16xi32>,
        %parallel_loop3A_296 = arith.index_cast %parallel_loop3A_122 : i32 to index
        %parallel_loop3A_297 = arith.constant 272 : index
        %parallel_loop3A_298 = tpu.vector_load %arg9[%parallel_loop3A_296, %parallel_loop3A_297] {strides = array<i32>} : memref<32x512xi32, #tpu.memory_space<vmem>>, vector<16xi32>,
        %parallel_loop3A_299 = arith.constant 160 : i32
        %parallel_loop3A_300 = vector.broadcast %parallel_loop3A_299 : i32 to vector<16xi32>
        %parallel_loop3A_301 = arith.muli %parallel_loop3A_298, %parallel_loop3A_300 : vector<16xi32>
        %parallel_loop3A_302 = arith.addi %parallel_loop3A_301, %parallel_loop3A_295 : vector<16xi32>
        tpu.vector_store_idx %arg5[%parallel_loop3A_302], %broadcast_in_dim3A_33 {add = true} : memref<24000xi32, #tpu.memory_space<vmem>>[vector<16xi32>], vector<16xi32>,
        %parallel_loop3A_303 = arith.index_cast %parallel_loop3A_122 : i32 to index
        %parallel_loop3A_304 = arith.constant 288 : index
        %parallel_loop3A_305 = tpu.vector_load %arg7[%parallel_loop3A_303, %parallel_loop3A_304] {strides = array<i32>} : memref<32x512xi32, #tpu.memory_space<vmem>>, vector<16xi32>,
        %parallel_loop3A_306 = arith.index_cast %parallel_loop3A_122 : i32 to index
        %parallel_loop3A_307 = arith.constant 288 : index
        %parallel_loop3A_308 = tpu.vector_load %arg9[%parallel_loop3A_306, %parallel_loop3A_307] {strides = array<i32>} : memref<32x512xi32, #tpu.memory_space<vmem>>, vector<16xi32>,
        %parallel_loop3A_309 = arith.constant 160 : i32
        %parallel_loop3A_310 = vector.broadcast %parallel_loop3A_309 : i32 to vector<16xi32>
        %parallel_loop3A_311 = arith.muli %parallel_loop3A_308, %parallel_loop3A_310 : vector<16xi32>
        %parallel_loop3A_312 = arith.addi %parallel_loop3A_311, %parallel_loop3A_305 : vector<16xi32>
        tpu.vector_store_idx %arg5[%parallel_loop3A_312], %broadcast_in_dim3A_33 {add = true} : memref<24000xi32, #tpu.memory_space<vmem>>[vector<16xi32>], vector<16xi32>,
        %parallel_loop3A_313 = arith.index_cast %parallel_loop3A_122 : i32 to index
        %parallel_loop3A_314 = arith.constant 304 : index
        %parallel_loop3A_315 = tpu.vector_load %arg7[%parallel_loop3A_313, %parallel_loop3A_314] {strides = array<i32>} : memref<32x512xi32, #tpu.memory_space<vmem>>, vector<16xi32>,
        %parallel_loop3A_316 = arith.index_cast %parallel_loop3A_122 : i32 to index
        %parallel_loop3A_317 = arith.constant 304 : index
        %parallel_loop3A_318 = tpu.vector_load %arg9[%parallel_loop3A_316, %parallel_loop3A_317] {strides = array<i32>} : memref<32x512xi32, #tpu.memory_space<vmem>>, vector<16xi32>,
        %parallel_loop3A_319 = arith.constant 160 : i32
        %parallel_loop3A_320 = vector.broadcast %parallel_loop3A_319 : i32 to vector<16xi32>
        %parallel_loop3A_321 = arith.muli %parallel_loop3A_318, %parallel_loop3A_320 : vector<16xi32>
        %parallel_loop3A_322 = arith.addi %parallel_loop3A_321, %parallel_loop3A_315 : vector<16xi32>
        tpu.vector_store_idx %arg5[%parallel_loop3A_322], %broadcast_in_dim3A_33 {add = true} : memref<24000xi32, #tpu.memory_space<vmem>>[vector<16xi32>], vector<16xi32>,
        %parallel_loop3A_323 = arith.index_cast %parallel_loop3A_122 : i32 to index
        %parallel_loop3A_324 = arith.constant 320 : index
        %parallel_loop3A_325 = tpu.vector_load %arg7[%parallel_loop3A_323, %parallel_loop3A_324] {strides = array<i32>} : memref<32x512xi32, #tpu.memory_space<vmem>>, vector<16xi32>,
        %parallel_loop3A_326 = arith.index_cast %parallel_loop3A_122 : i32 to index
        %parallel_loop3A_327 = arith.constant 320 : index
        %parallel_loop3A_328 = tpu.vector_load %arg9[%parallel_loop3A_326, %parallel_loop3A_327] {strides = array<i32>} : memref<32x512xi32, #tpu.memory_space<vmem>>, vector<16xi32>,
        %parallel_loop3A_329 = arith.constant 160 : i32
        %parallel_loop3A_330 = vector.broadcast %parallel_loop3A_329 : i32 to vector<16xi32>
        %parallel_loop3A_331 = arith.muli %parallel_loop3A_328, %parallel_loop3A_330 : vector<16xi32>
        %parallel_loop3A_332 = arith.addi %parallel_loop3A_331, %parallel_loop3A_325 : vector<16xi32>
        tpu.vector_store_idx %arg5[%parallel_loop3A_332], %broadcast_in_dim3A_33 {add = true} : memref<24000xi32, #tpu.memory_space<vmem>>[vector<16xi32>], vector<16xi32>,
        %parallel_loop3A_333 = arith.index_cast %parallel_loop3A_122 : i32 to index
        %parallel_loop3A_334 = arith.constant 336 : index
        %parallel_loop3A_335 = tpu.vector_load %arg7[%parallel_loop3A_333, %parallel_loop3A_334] {strides = array<i32>} : memref<32x512xi32, #tpu.memory_space<vmem>>, vector<16xi32>,
        %parallel_loop3A_336 = arith.index_cast %parallel_loop3A_122 : i32 to index
        %parallel_loop3A_337 = arith.constant 336 : index
        %parallel_loop3A_338 = tpu.vector_load %arg9[%parallel_loop3A_336, %parallel_loop3A_337] {strides = array<i32>} : memref<32x512xi32, #tpu.memory_space<vmem>>, vector<16xi32>,
        %parallel_loop3A_339 = arith.constant 160 : i32
        %parallel_loop3A_340 = vector.broadcast %parallel_loop3A_339 : i32 to vector<16xi32>
        %parallel_loop3A_341 = arith.muli %parallel_loop3A_338, %parallel_loop3A_340 : vector<16xi32>
        %parallel_loop3A_342 = arith.addi %parallel_loop3A_341, %parallel_loop3A_335 : vector<16xi32>
        tpu.vector_store_idx %arg5[%parallel_loop3A_342], %broadcast_in_dim3A_33 {add = true} : memref<24000xi32, #tpu.memory_space<vmem>>[vector<16xi32>], vector<16xi32>,
        %parallel_loop3A_343 = arith.index_cast %parallel_loop3A_122 : i32 to index
        %parallel_loop3A_344 = arith.constant 352 : index
        %parallel_loop3A_345 = tpu.vector_load %arg7[%parallel_loop3A_343, %parallel_loop3A_344] {strides = array<i32>} : memref<32x512xi32, #tpu.memory_space<vmem>>, vector<16xi32>,
        %parallel_loop3A_346 = arith.index_cast %parallel_loop3A_122 : i32 to index
        %parallel_loop3A_347 = arith.constant 352 : index
        %parallel_loop3A_348 = tpu.vector_load %arg9[%parallel_loop3A_346, %parallel_loop3A_347] {strides = array<i32>} : memref<32x512xi32, #tpu.memory_space<vmem>>, vector<16xi32>,
        %parallel_loop3A_349 = arith.constant 160 : i32
        %parallel_loop3A_350 = vector.broadcast %parallel_loop3A_349 : i32 to vector<16xi32>
        %parallel_loop3A_351 = arith.muli %parallel_loop3A_348, %parallel_loop3A_350 : vector<16xi32>
        %parallel_loop3A_352 = arith.addi %parallel_loop3A_351, %parallel_loop3A_345 : vector<16xi32>
        tpu.vector_store_idx %arg5[%parallel_loop3A_352], %broadcast_in_dim3A_33 {add = true} : memref<24000xi32, #tpu.memory_space<vmem>>[vector<16xi32>], vector<16xi32>,
        %parallel_loop3A_353 = arith.index_cast %parallel_loop3A_122 : i32 to index
        %parallel_loop3A_354 = arith.constant 368 : index
        %parallel_loop3A_355 = tpu.vector_load %arg7[%parallel_loop3A_353, %parallel_loop3A_354] {strides = array<i32>} : memref<32x512xi32, #tpu.memory_space<vmem>>, vector<16xi32>,
        %parallel_loop3A_356 = arith.index_cast %parallel_loop3A_122 : i32 to index
        %parallel_loop3A_357 = arith.constant 368 : index
        %parallel_loop3A_358 = tpu.vector_load %arg9[%parallel_loop3A_356, %parallel_loop3A_357] {strides = array<i32>} : memref<32x512xi32, #tpu.memory_space<vmem>>, vector<16xi32>,
        %parallel_loop3A_359 = arith.constant 160 : i32
        %parallel_loop3A_360 = vector.broadcast %parallel_loop3A_359 : i32 to vector<16xi32>
        %parallel_loop3A_361 = arith.muli %parallel_loop3A_358, %parallel_loop3A_360 : vector<16xi32>
        %parallel_loop3A_362 = arith.addi %parallel_loop3A_361, %parallel_loop3A_355 : vector<16xi32>
        tpu.vector_store_idx %arg5[%parallel_loop3A_362], %broadcast_in_dim3A_33 {add = true} : memref<24000xi32, #tpu.memory_space<vmem>>[vector<16xi32>], vector<16xi32>,
        %parallel_loop3A_363 = arith.index_cast %parallel_loop3A_122 : i32 to index
        %parallel_loop3A_364 = arith.constant 384 : index
        %parallel_loop3A_365 = tpu.vector_load %arg7[%parallel_loop3A_363, %parallel_loop3A_364] {strides = array<i32>} : memref<32x512xi32, #tpu.memory_space<vmem>>, vector<16xi32>,
        %parallel_loop3A_366 = arith.index_cast %parallel_loop3A_122 : i32 to index
        %parallel_loop3A_367 = arith.constant 384 : index
        %parallel_loop3A_368 = tpu.vector_load %arg9[%parallel_loop3A_366, %parallel_loop3A_367] {strides = array<i32>} : memref<32x512xi32, #tpu.memory_space<vmem>>, vector<16xi32>,
        %parallel_loop3A_369 = arith.constant 160 : i32
        %parallel_loop3A_370 = vector.broadcast %parallel_loop3A_369 : i32 to vector<16xi32>
        %parallel_loop3A_371 = arith.muli %parallel_loop3A_368, %parallel_loop3A_370 : vector<16xi32>
        %parallel_loop3A_372 = arith.addi %parallel_loop3A_371, %parallel_loop3A_365 : vector<16xi32>
        tpu.vector_store_idx %arg5[%parallel_loop3A_372], %broadcast_in_dim3A_33 {add = true} : memref<24000xi32, #tpu.memory_space<vmem>>[vector<16xi32>], vector<16xi32>,
        %parallel_loop3A_373 = arith.index_cast %parallel_loop3A_122 : i32 to index
        %parallel_loop3A_374 = arith.constant 400 : index
        %parallel_loop3A_375 = tpu.vector_load %arg7[%parallel_loop3A_373, %parallel_loop3A_374] {strides = array<i32>} : memref<32x512xi32, #tpu.memory_space<vmem>>, vector<16xi32>,
        %parallel_loop3A_376 = arith.index_cast %parallel_loop3A_122 : i32 to index
        %parallel_loop3A_377 = arith.constant 400 : index
        %parallel_loop3A_378 = tpu.vector_load %arg9[%parallel_loop3A_376, %parallel_loop3A_377] {strides = array<i32>} : memref<32x512xi32, #tpu.memory_space<vmem>>, vector<16xi32>,
        %parallel_loop3A_379 = arith.constant 160 : i32
        %parallel_loop3A_380 = vector.broadcast %parallel_loop3A_379 : i32 to vector<16xi32>
        %parallel_loop3A_381 = arith.muli %parallel_loop3A_378, %parallel_loop3A_380 : vector<16xi32>
        %parallel_loop3A_382 = arith.addi %parallel_loop3A_381, %parallel_loop3A_375 : vector<16xi32>
        tpu.vector_store_idx %arg5[%parallel_loop3A_382], %broadcast_in_dim3A_33 {add = true} : memref<24000xi32, #tpu.memory_space<vmem>>[vector<16xi32>], vector<16xi32>,
        %parallel_loop3A_383 = arith.index_cast %parallel_loop3A_122 : i32 to index
        %parallel_loop3A_384 = arith.constant 416 : index
        %parallel_loop3A_385 = tpu.vector_load %arg7[%parallel_loop3A_383, %parallel_loop3A_384] {strides = array<i32>} : memref<32x512xi32, #tpu.memory_space<vmem>>, vector<16xi32>,
        %parallel_loop3A_386 = arith.index_cast %parallel_loop3A_122 : i32 to index
        %parallel_loop3A_387 = arith.constant 416 : index
        %parallel_loop3A_388 = tpu.vector_load %arg9[%parallel_loop3A_386, %parallel_loop3A_387] {strides = array<i32>} : memref<32x512xi32, #tpu.memory_space<vmem>>, vector<16xi32>,
        %parallel_loop3A_389 = arith.constant 160 : i32
        %parallel_loop3A_390 = vector.broadcast %parallel_loop3A_389 : i32 to vector<16xi32>
        %parallel_loop3A_391 = arith.muli %parallel_loop3A_388, %parallel_loop3A_390 : vector<16xi32>
        %parallel_loop3A_392 = arith.addi %parallel_loop3A_391, %parallel_loop3A_385 : vector<16xi32>
        tpu.vector_store_idx %arg5[%parallel_loop3A_392], %broadcast_in_dim3A_33 {add = true} : memref<24000xi32, #tpu.memory_space<vmem>>[vector<16xi32>], vector<16xi32>,
        %parallel_loop3A_393 = arith.index_cast %parallel_loop3A_122 : i32 to index
        %parallel_loop3A_394 = arith.constant 432 : index
        %parallel_loop3A_395 = tpu.vector_load %arg7[%parallel_loop3A_393, %parallel_loop3A_394] {strides = array<i32>} : memref<32x512xi32, #tpu.memory_space<vmem>>, vector<16xi32>,
        %parallel_loop3A_396 = arith.index_cast %parallel_loop3A_122 : i32 to index
        %parallel_loop3A_397 = arith.constant 432 : index
        %parallel_loop3A_398 = tpu.vector_load %arg9[%parallel_loop3A_396, %parallel_loop3A_397] {strides = array<i32>} : memref<32x512xi32, #tpu.memory_space<vmem>>, vector<16xi32>,
        %parallel_loop3A_399 = arith.constant 160 : i32
        %parallel_loop3A_400 = vector.broadcast %parallel_loop3A_399 : i32 to vector<16xi32>
        %parallel_loop3A_401 = arith.muli %parallel_loop3A_398, %parallel_loop3A_400 : vector<16xi32>
        %parallel_loop3A_402 = arith.addi %parallel_loop3A_401, %parallel_loop3A_395 : vector<16xi32>
        tpu.vector_store_idx %arg5[%parallel_loop3A_402], %broadcast_in_dim3A_33 {add = true} : memref<24000xi32, #tpu.memory_space<vmem>>[vector<16xi32>], vector<16xi32>,
        %parallel_loop3A_403 = arith.index_cast %parallel_loop3A_122 : i32 to index
        %parallel_loop3A_404 = arith.constant 448 : index
        %parallel_loop3A_405 = tpu.vector_load %arg7[%parallel_loop3A_403, %parallel_loop3A_404] {strides = array<i32>} : memref<32x512xi32, #tpu.memory_space<vmem>>, vector<16xi32>,
        %parallel_loop3A_406 = arith.index_cast %parallel_loop3A_122 : i32 to index
        %parallel_loop3A_407 = arith.constant 448 : index
        %parallel_loop3A_408 = tpu.vector_load %arg9[%parallel_loop3A_406, %parallel_loop3A_407] {strides = array<i32>} : memref<32x512xi32, #tpu.memory_space<vmem>>, vector<16xi32>,
        %parallel_loop3A_409 = arith.constant 160 : i32
        %parallel_loop3A_410 = vector.broadcast %parallel_loop3A_409 : i32 to vector<16xi32>
        %parallel_loop3A_411 = arith.muli %parallel_loop3A_408, %parallel_loop3A_410 : vector<16xi32>
        %parallel_loop3A_412 = arith.addi %parallel_loop3A_411, %parallel_loop3A_405 : vector<16xi32>
        tpu.vector_store_idx %arg5[%parallel_loop3A_412], %broadcast_in_dim3A_33 {add = true} : memref<24000xi32, #tpu.memory_space<vmem>>[vector<16xi32>], vector<16xi32>,
        %parallel_loop3A_413 = arith.index_cast %parallel_loop3A_122 : i32 to index
        %parallel_loop3A_414 = arith.constant 464 : index
        %parallel_loop3A_415 = tpu.vector_load %arg7[%parallel_loop3A_413, %parallel_loop3A_414] {strides = array<i32>} : memref<32x512xi32, #tpu.memory_space<vmem>>, vector<16xi32>,
        %parallel_loop3A_416 = arith.index_cast %parallel_loop3A_122 : i32 to index
        %parallel_loop3A_417 = arith.constant 464 : index
        %parallel_loop3A_418 = tpu.vector_load %arg9[%parallel_loop3A_416, %parallel_loop3A_417] {strides = array<i32>} : memref<32x512xi32, #tpu.memory_space<vmem>>, vector<16xi32>,
        %parallel_loop3A_419 = arith.constant 160 : i32
        %parallel_loop3A_420 = vector.broadcast %parallel_loop3A_419 : i32 to vector<16xi32>
        %parallel_loop3A_421 = arith.muli %parallel_loop3A_418, %parallel_loop3A_420 : vector<16xi32>
        %parallel_loop3A_422 = arith.addi %parallel_loop3A_421, %parallel_loop3A_415 : vector<16xi32>
        tpu.vector_store_idx %arg5[%parallel_loop3A_422], %broadcast_in_dim3A_33 {add = true} : memref<24000xi32, #tpu.memory_space<vmem>>[vector<16xi32>], vector<16xi32>,
        %parallel_loop3A_423 = arith.index_cast %parallel_loop3A_122 : i32 to index
        %parallel_loop3A_424 = arith.constant 480 : index
        %parallel_loop3A_425 = tpu.vector_load %arg7[%parallel_loop3A_423, %parallel_loop3A_424] {strides = array<i32>} : memref<32x512xi32, #tpu.memory_space<vmem>>, vector<16xi32>,
        %parallel_loop3A_426 = arith.index_cast %parallel_loop3A_122 : i32 to index
        %parallel_loop3A_427 = arith.constant 480 : index
        %parallel_loop3A_428 = tpu.vector_load %arg9[%parallel_loop3A_426, %parallel_loop3A_427] {strides = array<i32>} : memref<32x512xi32, #tpu.memory_space<vmem>>, vector<16xi32>,
        %parallel_loop3A_429 = arith.constant 160 : i32
        %parallel_loop3A_430 = vector.broadcast %parallel_loop3A_429 : i32 to vector<16xi32>
        %parallel_loop3A_431 = arith.muli %parallel_loop3A_428, %parallel_loop3A_430 : vector<16xi32>
        %parallel_loop3A_432 = arith.addi %parallel_loop3A_431, %parallel_loop3A_425 : vector<16xi32>
        tpu.vector_store_idx %arg5[%parallel_loop3A_432], %broadcast_in_dim3A_33 {add = true} : memref<24000xi32, #tpu.memory_space<vmem>>[vector<16xi32>], vector<16xi32>,
        %parallel_loop3A_433 = arith.index_cast %parallel_loop3A_122 : i32 to index
        %parallel_loop3A_434 = arith.constant 496 : index
        %parallel_loop3A_435 = tpu.vector_load %arg7[%parallel_loop3A_433, %parallel_loop3A_434] {strides = array<i32>} : memref<32x512xi32, #tpu.memory_space<vmem>>, vector<16xi32>,
        %parallel_loop3A_436 = arith.index_cast %parallel_loop3A_122 : i32 to index
        %parallel_loop3A_437 = arith.constant 496 : index
        %parallel_loop3A_438 = tpu.vector_load %arg9[%parallel_loop3A_436, %parallel_loop3A_437] {strides = array<i32>} : memref<32x512xi32, #tpu.memory_space<vmem>>, vector<16xi32>,
        %parallel_loop3A_439 = arith.constant 160 : i32
        %parallel_loop3A_440 = vector.broadcast %parallel_loop3A_439 : i32 to vector<16xi32>
        %parallel_loop3A_441 = arith.muli %parallel_loop3A_438, %parallel_loop3A_440 : vector<16xi32>
        %parallel_loop3A_442 = arith.addi %parallel_loop3A_441, %parallel_loop3A_435 : vector<16xi32>
        tpu.vector_store_idx %arg5[%parallel_loop3A_442], %broadcast_in_dim3A_33 {add = true} : memref<24000xi32, #tpu.memory_space<vmem>>[vector<16xi32>], vector<16xi32>,
      } {sc.loop_unroll_factor = 1 : i64, sc.parallel_access}
      %add3A_99 = arith.constant 1 : i32
      %add3A_100 = arith.addi %mul3A_64, %add3A_99 : i32
      %mul3A_101 = arith.constant 32 : i32
      %mul3A_102 = arith.muli %add3A_100, %mul3A_101 : i32
      %add3A_103 = arith.addi %mul3A_32, %mul3A_102 : i32
      %dma_wait3A_104 = arith.constant 0 : i32
      %dma_wait3A_105 = tpu.memref_slice %arg2[%select_n3A, %add3A_103, %dma_wait3A_104] : memref<16x512x512xi32, #tpu.memory_space<hbm>> -> memref<1x32x512xi32, #tpu.memory_space<hbm>>
      %dma_wait3A_106 = tpu.memref_squeeze %dma_wait3A_105 : memref<1x32x512xi32, #tpu.memory_space<hbm>> -> memref<32x512xi32, #tpu.memory_space<hbm>>
      %dma_wait3A_107 = arith.constant 0 : i32
      %dma_wait3A_108 = tpu.memref_slice %arg2[%select_n3A, %add3A_103, %dma_wait3A_107] : memref<16x512x512xi32, #tpu.memory_space<hbm>> -> memref<1x32x512xi32, #tpu.memory_space<hbm>>
      %dma_wait3A_109 = tpu.memref_squeeze %dma_wait3A_108 : memref<1x32x512xi32, #tpu.memory_space<hbm>> -> memref<32x512xi32, #tpu.memory_space<hbm>>
      tpu.wait_dma2 semaphore(%arg12 : memref<!tpu.dma_semaphore, #tpu.memory_space<semaphore_mem>>) src(%dma_wait3A_109 : memref<32x512xi32, #tpu.memory_space<hbm>>) dst(%arg8 : memref<32x512xi32, #tpu.memory_space<vmem>>)
      %dma_wait3A_110 = arith.constant 0 : i32
      %dma_wait3A_111 = tpu.memref_slice %arg3[%select_n3A, %add3A_103, %dma_wait3A_110] : memref<16x512x512xi32, #tpu.memory_space<hbm>> -> memref<1x32x512xi32, #tpu.memory_space<hbm>>
      %dma_wait3A_112 = tpu.memref_squeeze %dma_wait3A_111 : memref<1x32x512xi32, #tpu.memory_space<hbm>> -> memref<32x512xi32, #tpu.memory_space<hbm>>
      %dma_wait3A_113 = arith.constant 0 : i32
      %dma_wait3A_114 = tpu.memref_slice %arg3[%select_n3A, %add3A_103, %dma_wait3A_113] : memref<16x512x512xi32, #tpu.memory_space<hbm>> -> memref<1x32x512xi32, #tpu.memory_space<hbm>>
      %dma_wait3A_115 = tpu.memref_squeeze %dma_wait3A_114 : memref<1x32x512xi32, #tpu.memory_space<hbm>> -> memref<32x512xi32, #tpu.memory_space<hbm>>
      tpu.wait_dma2 semaphore(%arg12 : memref<!tpu.dma_semaphore, #tpu.memory_space<semaphore_mem>>) src(%dma_wait3A_115 : memref<32x512xi32, #tpu.memory_space<hbm>>) dst(%arg10 : memref<32x512xi32, #tpu.memory_space<vmem>>)
      %lt3A_116 = arith.constant 3 : i32
      %lt3A_117 = arith.cmpi slt, %scan3A_62, %lt3A_116 : i32
      %convert_element_type3A = arith.extui %lt3A_117 : i1 to i32
      %cond3A = arith.constant 0 : i32
      %cond3A_118 = arith.cmpi ne, %convert_element_type3A, %cond3A : i32
      scf.if %cond3A_118 {
        %add3A_122 = arith.constant 2 : i32
        %add3A_123 = arith.addi %mul3A_64, %add3A_122 : i32
        %mul3A_124 = arith.constant 32 : i32
        %mul3A_125 = arith.muli %add3A_123, %mul3A_124 : i32
        %add3A_126 = arith.addi %mul3A_32, %mul3A_125 : i32
        %dma_start3A_127 = arith.constant 0 : i32
        %dma_start3A_128 = tpu.memref_slice %arg2[%select_n3A, %add3A_126, %dma_start3A_127] : memref<16x512x512xi32, #tpu.memory_space<hbm>> -> memref<1x32x512xi32, #tpu.memory_space<hbm>>
        %dma_start3A_129 = tpu.memref_squeeze %dma_start3A_128 : memref<1x32x512xi32, #tpu.memory_space<hbm>> -> memref<32x512xi32, #tpu.memory_space<hbm>>
        %dma_start3A_130 = arith.constant 0 : i32
        %dma_start3A_131 = tpu.memref_slice %arg2[%select_n3A, %add3A_126, %dma_start3A_130] : memref<16x512x512xi32, #tpu.memory_space<hbm>> -> memref<1x32x512xi32, #tpu.memory_space<hbm>>
        %dma_start3A_132 = tpu.memref_squeeze %dma_start3A_131 : memref<1x32x512xi32, #tpu.memory_space<hbm>> -> memref<32x512xi32, #tpu.memory_space<hbm>>
        tpu.enqueue_dma source(%dma_start3A_132 : memref<32x512xi32, #tpu.memory_space<hbm>>) target(%arg7 : memref<32x512xi32, #tpu.memory_space<vmem>>) target_semaphore(%arg11 : memref<!tpu.dma_semaphore, #tpu.memory_space<semaphore_mem>>)
        %dma_start3A_133 = arith.constant 0 : i32
        %dma_start3A_134 = tpu.memref_slice %arg3[%select_n3A, %add3A_126, %dma_start3A_133] : memref<16x512x512xi32, #tpu.memory_space<hbm>> -> memref<1x32x512xi32, #tpu.memory_space<hbm>>
        %dma_start3A_135 = tpu.memref_squeeze %dma_start3A_134 : memref<1x32x512xi32, #tpu.memory_space<hbm>> -> memref<32x512xi32, #tpu.memory_space<hbm>>
        %dma_start3A_136 = arith.constant 0 : i32
        %dma_start3A_137 = tpu.memref_slice %arg3[%select_n3A, %add3A_126, %dma_start3A_136] : memref<16x512x512xi32, #tpu.memory_space<hbm>> -> memref<1x32x512xi32, #tpu.memory_space<hbm>>
        %dma_start3A_138 = tpu.memref_squeeze %dma_start3A_137 : memref<1x32x512xi32, #tpu.memory_space<hbm>> -> memref<32x512xi32, #tpu.memory_space<hbm>>
        tpu.enqueue_dma source(%dma_start3A_138 : memref<32x512xi32, #tpu.memory_space<hbm>>) target(%arg9 : memref<32x512xi32, #tpu.memory_space<vmem>>) target_semaphore(%arg11 : memref<!tpu.dma_semaphore, #tpu.memory_space<semaphore_mem>>)
      } else {
      }
      %parallel_loop3A_119 = arith.constant 0 : i32
      %parallel_loop3A_120 = arith.constant 32 : i32
      %parallel_loop3A_121 = arith.constant 1 : i32
      scf.for %parallel_loop3A_122 = %parallel_loop3A_119 to %parallel_loop3A_120 step %parallel_loop3A_121  : i32 {
        %parallel_loop3A_123 = arith.index_cast %parallel_loop3A_122 : i32 to index
        %parallel_loop3A_124 = arith.constant 0 : index
        %parallel_loop3A_125 = tpu.vector_load %arg8[%parallel_loop3A_123, %parallel_loop3A_124] {strides = array<i32>} : memref<32x512xi32, #tpu.memory_space<vmem>>, vector<16xi32>,
        %parallel_loop3A_126 = arith.index_cast %parallel_loop3A_122 : i32 to index
        %parallel_loop3A_127 = arith.constant 0 : index
        %parallel_loop3A_128 = tpu.vector_load %arg10[%parallel_loop3A_126, %parallel_loop3A_127] {strides = array<i32>} : memref<32x512xi32, #tpu.memory_space<vmem>>, vector<16xi32>,
        %parallel_loop3A_129 = arith.constant 160 : i32
        %parallel_loop3A_130 = vector.broadcast %parallel_loop3A_129 : i32 to vector<16xi32>
        %parallel_loop3A_131 = arith.muli %parallel_loop3A_128, %parallel_loop3A_130 : vector<16xi32>
        %parallel_loop3A_132 = arith.addi %parallel_loop3A_131, %parallel_loop3A_125 : vector<16xi32>
        tpu.vector_store_idx %arg5[%parallel_loop3A_132], %broadcast_in_dim3A_33 {add = true} : memref<24000xi32, #tpu.memory_space<vmem>>[vector<16xi32>], vector<16xi32>,
        %parallel_loop3A_133 = arith.index_cast %parallel_loop3A_122 : i32 to index
        %parallel_loop3A_134 = arith.constant 16 : index
        %parallel_loop3A_135 = tpu.vector_load %arg8[%parallel_loop3A_133, %parallel_loop3A_134] {strides = array<i32>} : memref<32x512xi32, #tpu.memory_space<vmem>>, vector<16xi32>,
        %parallel_loop3A_136 = arith.index_cast %parallel_loop3A_122 : i32 to index
        %parallel_loop3A_137 = arith.constant 16 : index
        %parallel_loop3A_138 = tpu.vector_load %arg10[%parallel_loop3A_136, %parallel_loop3A_137] {strides = array<i32>} : memref<32x512xi32, #tpu.memory_space<vmem>>, vector<16xi32>,
        %parallel_loop3A_139 = arith.constant 160 : i32
        %parallel_loop3A_140 = vector.broadcast %parallel_loop3A_139 : i32 to vector<16xi32>
        %parallel_loop3A_141 = arith.muli %parallel_loop3A_138, %parallel_loop3A_140 : vector<16xi32>
        %parallel_loop3A_142 = arith.addi %parallel_loop3A_141, %parallel_loop3A_135 : vector<16xi32>
        tpu.vector_store_idx %arg5[%parallel_loop3A_142], %broadcast_in_dim3A_33 {add = true} : memref<24000xi32, #tpu.memory_space<vmem>>[vector<16xi32>], vector<16xi32>,
        %parallel_loop3A_143 = arith.index_cast %parallel_loop3A_122 : i32 to index
        %parallel_loop3A_144 = arith.constant 32 : index
        %parallel_loop3A_145 = tpu.vector_load %arg8[%parallel_loop3A_143, %parallel_loop3A_144] {strides = array<i32>} : memref<32x512xi32, #tpu.memory_space<vmem>>, vector<16xi32>,
        %parallel_loop3A_146 = arith.index_cast %parallel_loop3A_122 : i32 to index
        %parallel_loop3A_147 = arith.constant 32 : index
        %parallel_loop3A_148 = tpu.vector_load %arg10[%parallel_loop3A_146, %parallel_loop3A_147] {strides = array<i32>} : memref<32x512xi32, #tpu.memory_space<vmem>>, vector<16xi32>,
        %parallel_loop3A_149 = arith.constant 160 : i32
        %parallel_loop3A_150 = vector.broadcast %parallel_loop3A_149 : i32 to vector<16xi32>
        %parallel_loop3A_151 = arith.muli %parallel_loop3A_148, %parallel_loop3A_150 : vector<16xi32>
        %parallel_loop3A_152 = arith.addi %parallel_loop3A_151, %parallel_loop3A_145 : vector<16xi32>
        tpu.vector_store_idx %arg5[%parallel_loop3A_152], %broadcast_in_dim3A_33 {add = true} : memref<24000xi32, #tpu.memory_space<vmem>>[vector<16xi32>], vector<16xi32>,
        %parallel_loop3A_153 = arith.index_cast %parallel_loop3A_122 : i32 to index
        %parallel_loop3A_154 = arith.constant 48 : index
        %parallel_loop3A_155 = tpu.vector_load %arg8[%parallel_loop3A_153, %parallel_loop3A_154] {strides = array<i32>} : memref<32x512xi32, #tpu.memory_space<vmem>>, vector<16xi32>,
        %parallel_loop3A_156 = arith.index_cast %parallel_loop3A_122 : i32 to index
        %parallel_loop3A_157 = arith.constant 48 : index
        %parallel_loop3A_158 = tpu.vector_load %arg10[%parallel_loop3A_156, %parallel_loop3A_157] {strides = array<i32>} : memref<32x512xi32, #tpu.memory_space<vmem>>, vector<16xi32>,
        %parallel_loop3A_159 = arith.constant 160 : i32
        %parallel_loop3A_160 = vector.broadcast %parallel_loop3A_159 : i32 to vector<16xi32>
        %parallel_loop3A_161 = arith.muli %parallel_loop3A_158, %parallel_loop3A_160 : vector<16xi32>
        %parallel_loop3A_162 = arith.addi %parallel_loop3A_161, %parallel_loop3A_155 : vector<16xi32>
        tpu.vector_store_idx %arg5[%parallel_loop3A_162], %broadcast_in_dim3A_33 {add = true} : memref<24000xi32, #tpu.memory_space<vmem>>[vector<16xi32>], vector<16xi32>,
        %parallel_loop3A_163 = arith.index_cast %parallel_loop3A_122 : i32 to index
        %parallel_loop3A_164 = arith.constant 64 : index
        %parallel_loop3A_165 = tpu.vector_load %arg8[%parallel_loop3A_163, %parallel_loop3A_164] {strides = array<i32>} : memref<32x512xi32, #tpu.memory_space<vmem>>, vector<16xi32>,
        %parallel_loop3A_166 = arith.index_cast %parallel_loop3A_122 : i32 to index
        %parallel_loop3A_167 = arith.constant 64 : index
        %parallel_loop3A_168 = tpu.vector_load %arg10[%parallel_loop3A_166, %parallel_loop3A_167] {strides = array<i32>} : memref<32x512xi32, #tpu.memory_space<vmem>>, vector<16xi32>,
        %parallel_loop3A_169 = arith.constant 160 : i32
        %parallel_loop3A_170 = vector.broadcast %parallel_loop3A_169 : i32 to vector<16xi32>
        %parallel_loop3A_171 = arith.muli %parallel_loop3A_168, %parallel_loop3A_170 : vector<16xi32>
        %parallel_loop3A_172 = arith.addi %parallel_loop3A_171, %parallel_loop3A_165 : vector<16xi32>
        tpu.vector_store_idx %arg5[%parallel_loop3A_172], %broadcast_in_dim3A_33 {add = true} : memref<24000xi32, #tpu.memory_space<vmem>>[vector<16xi32>], vector<16xi32>,
        %parallel_loop3A_173 = arith.index_cast %parallel_loop3A_122 : i32 to index
        %parallel_loop3A_174 = arith.constant 80 : index
        %parallel_loop3A_175 = tpu.vector_load %arg8[%parallel_loop3A_173, %parallel_loop3A_174] {strides = array<i32>} : memref<32x512xi32, #tpu.memory_space<vmem>>, vector<16xi32>,
        %parallel_loop3A_176 = arith.index_cast %parallel_loop3A_122 : i32 to index
        %parallel_loop3A_177 = arith.constant 80 : index
        %parallel_loop3A_178 = tpu.vector_load %arg10[%parallel_loop3A_176, %parallel_loop3A_177] {strides = array<i32>} : memref<32x512xi32, #tpu.memory_space<vmem>>, vector<16xi32>,
        %parallel_loop3A_179 = arith.constant 160 : i32
        %parallel_loop3A_180 = vector.broadcast %parallel_loop3A_179 : i32 to vector<16xi32>
        %parallel_loop3A_181 = arith.muli %parallel_loop3A_178, %parallel_loop3A_180 : vector<16xi32>
        %parallel_loop3A_182 = arith.addi %parallel_loop3A_181, %parallel_loop3A_175 : vector<16xi32>
        tpu.vector_store_idx %arg5[%parallel_loop3A_182], %broadcast_in_dim3A_33 {add = true} : memref<24000xi32, #tpu.memory_space<vmem>>[vector<16xi32>], vector<16xi32>,
        %parallel_loop3A_183 = arith.index_cast %parallel_loop3A_122 : i32 to index
        %parallel_loop3A_184 = arith.constant 96 : index
        %parallel_loop3A_185 = tpu.vector_load %arg8[%parallel_loop3A_183, %parallel_loop3A_184] {strides = array<i32>} : memref<32x512xi32, #tpu.memory_space<vmem>>, vector<16xi32>,
        %parallel_loop3A_186 = arith.index_cast %parallel_loop3A_122 : i32 to index
        %parallel_loop3A_187 = arith.constant 96 : index
        %parallel_loop3A_188 = tpu.vector_load %arg10[%parallel_loop3A_186, %parallel_loop3A_187] {strides = array<i32>} : memref<32x512xi32, #tpu.memory_space<vmem>>, vector<16xi32>,
        %parallel_loop3A_189 = arith.constant 160 : i32
        %parallel_loop3A_190 = vector.broadcast %parallel_loop3A_189 : i32 to vector<16xi32>
        %parallel_loop3A_191 = arith.muli %parallel_loop3A_188, %parallel_loop3A_190 : vector<16xi32>
        %parallel_loop3A_192 = arith.addi %parallel_loop3A_191, %parallel_loop3A_185 : vector<16xi32>
        tpu.vector_store_idx %arg5[%parallel_loop3A_192], %broadcast_in_dim3A_33 {add = true} : memref<24000xi32, #tpu.memory_space<vmem>>[vector<16xi32>], vector<16xi32>,
        %parallel_loop3A_193 = arith.index_cast %parallel_loop3A_122 : i32 to index
        %parallel_loop3A_194 = arith.constant 112 : index
        %parallel_loop3A_195 = tpu.vector_load %arg8[%parallel_loop3A_193, %parallel_loop3A_194] {strides = array<i32>} : memref<32x512xi32, #tpu.memory_space<vmem>>, vector<16xi32>,
        %parallel_loop3A_196 = arith.index_cast %parallel_loop3A_122 : i32 to index
        %parallel_loop3A_197 = arith.constant 112 : index
        %parallel_loop3A_198 = tpu.vector_load %arg10[%parallel_loop3A_196, %parallel_loop3A_197] {strides = array<i32>} : memref<32x512xi32, #tpu.memory_space<vmem>>, vector<16xi32>,
        %parallel_loop3A_199 = arith.constant 160 : i32
        %parallel_loop3A_200 = vector.broadcast %parallel_loop3A_199 : i32 to vector<16xi32>
        %parallel_loop3A_201 = arith.muli %parallel_loop3A_198, %parallel_loop3A_200 : vector<16xi32>
        %parallel_loop3A_202 = arith.addi %parallel_loop3A_201, %parallel_loop3A_195 : vector<16xi32>
        tpu.vector_store_idx %arg5[%parallel_loop3A_202], %broadcast_in_dim3A_33 {add = true} : memref<24000xi32, #tpu.memory_space<vmem>>[vector<16xi32>], vector<16xi32>,
        %parallel_loop3A_203 = arith.index_cast %parallel_loop3A_122 : i32 to index
        %parallel_loop3A_204 = arith.constant 128 : index
        %parallel_loop3A_205 = tpu.vector_load %arg8[%parallel_loop3A_203, %parallel_loop3A_204] {strides = array<i32>} : memref<32x512xi32, #tpu.memory_space<vmem>>, vector<16xi32>,
        %parallel_loop3A_206 = arith.index_cast %parallel_loop3A_122 : i32 to index
        %parallel_loop3A_207 = arith.constant 128 : index
        %parallel_loop3A_208 = tpu.vector_load %arg10[%parallel_loop3A_206, %parallel_loop3A_207] {strides = array<i32>} : memref<32x512xi32, #tpu.memory_space<vmem>>, vector<16xi32>,
        %parallel_loop3A_209 = arith.constant 160 : i32
        %parallel_loop3A_210 = vector.broadcast %parallel_loop3A_209 : i32 to vector<16xi32>
        %parallel_loop3A_211 = arith.muli %parallel_loop3A_208, %parallel_loop3A_210 : vector<16xi32>
        %parallel_loop3A_212 = arith.addi %parallel_loop3A_211, %parallel_loop3A_205 : vector<16xi32>
        tpu.vector_store_idx %arg5[%parallel_loop3A_212], %broadcast_in_dim3A_33 {add = true} : memref<24000xi32, #tpu.memory_space<vmem>>[vector<16xi32>], vector<16xi32>,
        %parallel_loop3A_213 = arith.index_cast %parallel_loop3A_122 : i32 to index
        %parallel_loop3A_214 = arith.constant 144 : index
        %parallel_loop3A_215 = tpu.vector_load %arg8[%parallel_loop3A_213, %parallel_loop3A_214] {strides = array<i32>} : memref<32x512xi32, #tpu.memory_space<vmem>>, vector<16xi32>,
        %parallel_loop3A_216 = arith.index_cast %parallel_loop3A_122 : i32 to index
        %parallel_loop3A_217 = arith.constant 144 : index
        %parallel_loop3A_218 = tpu.vector_load %arg10[%parallel_loop3A_216, %parallel_loop3A_217] {strides = array<i32>} : memref<32x512xi32, #tpu.memory_space<vmem>>, vector<16xi32>,
        %parallel_loop3A_219 = arith.constant 160 : i32
        %parallel_loop3A_220 = vector.broadcast %parallel_loop3A_219 : i32 to vector<16xi32>
        %parallel_loop3A_221 = arith.muli %parallel_loop3A_218, %parallel_loop3A_220 : vector<16xi32>
        %parallel_loop3A_222 = arith.addi %parallel_loop3A_221, %parallel_loop3A_215 : vector<16xi32>
        tpu.vector_store_idx %arg5[%parallel_loop3A_222], %broadcast_in_dim3A_33 {add = true} : memref<24000xi32, #tpu.memory_space<vmem>>[vector<16xi32>], vector<16xi32>,
        %parallel_loop3A_223 = arith.index_cast %parallel_loop3A_122 : i32 to index
        %parallel_loop3A_224 = arith.constant 160 : index
        %parallel_loop3A_225 = tpu.vector_load %arg8[%parallel_loop3A_223, %parallel_loop3A_224] {strides = array<i32>} : memref<32x512xi32, #tpu.memory_space<vmem>>, vector<16xi32>,
        %parallel_loop3A_226 = arith.index_cast %parallel_loop3A_122 : i32 to index
        %parallel_loop3A_227 = arith.constant 160 : index
        %parallel_loop3A_228 = tpu.vector_load %arg10[%parallel_loop3A_226, %parallel_loop3A_227] {strides = array<i32>} : memref<32x512xi32, #tpu.memory_space<vmem>>, vector<16xi32>,
        %parallel_loop3A_229 = arith.constant 160 : i32
        %parallel_loop3A_230 = vector.broadcast %parallel_loop3A_229 : i32 to vector<16xi32>
        %parallel_loop3A_231 = arith.muli %parallel_loop3A_228, %parallel_loop3A_230 : vector<16xi32>
        %parallel_loop3A_232 = arith.addi %parallel_loop3A_231, %parallel_loop3A_225 : vector<16xi32>
        tpu.vector_store_idx %arg5[%parallel_loop3A_232], %broadcast_in_dim3A_33 {add = true} : memref<24000xi32, #tpu.memory_space<vmem>>[vector<16xi32>], vector<16xi32>,
        %parallel_loop3A_233 = arith.index_cast %parallel_loop3A_122 : i32 to index
        %parallel_loop3A_234 = arith.constant 176 : index
        %parallel_loop3A_235 = tpu.vector_load %arg8[%parallel_loop3A_233, %parallel_loop3A_234] {strides = array<i32>} : memref<32x512xi32, #tpu.memory_space<vmem>>, vector<16xi32>,
        %parallel_loop3A_236 = arith.index_cast %parallel_loop3A_122 : i32 to index
        %parallel_loop3A_237 = arith.constant 176 : index
        %parallel_loop3A_238 = tpu.vector_load %arg10[%parallel_loop3A_236, %parallel_loop3A_237] {strides = array<i32>} : memref<32x512xi32, #tpu.memory_space<vmem>>, vector<16xi32>,
        %parallel_loop3A_239 = arith.constant 160 : i32
        %parallel_loop3A_240 = vector.broadcast %parallel_loop3A_239 : i32 to vector<16xi32>
        %parallel_loop3A_241 = arith.muli %parallel_loop3A_238, %parallel_loop3A_240 : vector<16xi32>
        %parallel_loop3A_242 = arith.addi %parallel_loop3A_241, %parallel_loop3A_235 : vector<16xi32>
        tpu.vector_store_idx %arg5[%parallel_loop3A_242], %broadcast_in_dim3A_33 {add = true} : memref<24000xi32, #tpu.memory_space<vmem>>[vector<16xi32>], vector<16xi32>,
        %parallel_loop3A_243 = arith.index_cast %parallel_loop3A_122 : i32 to index
        %parallel_loop3A_244 = arith.constant 192 : index
        %parallel_loop3A_245 = tpu.vector_load %arg8[%parallel_loop3A_243, %parallel_loop3A_244] {strides = array<i32>} : memref<32x512xi32, #tpu.memory_space<vmem>>, vector<16xi32>,
        %parallel_loop3A_246 = arith.index_cast %parallel_loop3A_122 : i32 to index
        %parallel_loop3A_247 = arith.constant 192 : index
        %parallel_loop3A_248 = tpu.vector_load %arg10[%parallel_loop3A_246, %parallel_loop3A_247] {strides = array<i32>} : memref<32x512xi32, #tpu.memory_space<vmem>>, vector<16xi32>,
        %parallel_loop3A_249 = arith.constant 160 : i32
        %parallel_loop3A_250 = vector.broadcast %parallel_loop3A_249 : i32 to vector<16xi32>
        %parallel_loop3A_251 = arith.muli %parallel_loop3A_248, %parallel_loop3A_250 : vector<16xi32>
        %parallel_loop3A_252 = arith.addi %parallel_loop3A_251, %parallel_loop3A_245 : vector<16xi32>
        tpu.vector_store_idx %arg5[%parallel_loop3A_252], %broadcast_in_dim3A_33 {add = true} : memref<24000xi32, #tpu.memory_space<vmem>>[vector<16xi32>], vector<16xi32>,
        %parallel_loop3A_253 = arith.index_cast %parallel_loop3A_122 : i32 to index
        %parallel_loop3A_254 = arith.constant 208 : index
        %parallel_loop3A_255 = tpu.vector_load %arg8[%parallel_loop3A_253, %parallel_loop3A_254] {strides = array<i32>} : memref<32x512xi32, #tpu.memory_space<vmem>>, vector<16xi32>,
        %parallel_loop3A_256 = arith.index_cast %parallel_loop3A_122 : i32 to index
        %parallel_loop3A_257 = arith.constant 208 : index
        %parallel_loop3A_258 = tpu.vector_load %arg10[%parallel_loop3A_256, %parallel_loop3A_257] {strides = array<i32>} : memref<32x512xi32, #tpu.memory_space<vmem>>, vector<16xi32>,
        %parallel_loop3A_259 = arith.constant 160 : i32
        %parallel_loop3A_260 = vector.broadcast %parallel_loop3A_259 : i32 to vector<16xi32>
        %parallel_loop3A_261 = arith.muli %parallel_loop3A_258, %parallel_loop3A_260 : vector<16xi32>
        %parallel_loop3A_262 = arith.addi %parallel_loop3A_261, %parallel_loop3A_255 : vector<16xi32>
        tpu.vector_store_idx %arg5[%parallel_loop3A_262], %broadcast_in_dim3A_33 {add = true} : memref<24000xi32, #tpu.memory_space<vmem>>[vector<16xi32>], vector<16xi32>,
        %parallel_loop3A_263 = arith.index_cast %parallel_loop3A_122 : i32 to index
        %parallel_loop3A_264 = arith.constant 224 : index
        %parallel_loop3A_265 = tpu.vector_load %arg8[%parallel_loop3A_263, %parallel_loop3A_264] {strides = array<i32>} : memref<32x512xi32, #tpu.memory_space<vmem>>, vector<16xi32>,
        %parallel_loop3A_266 = arith.index_cast %parallel_loop3A_122 : i32 to index
        %parallel_loop3A_267 = arith.constant 224 : index
        %parallel_loop3A_268 = tpu.vector_load %arg10[%parallel_loop3A_266, %parallel_loop3A_267] {strides = array<i32>} : memref<32x512xi32, #tpu.memory_space<vmem>>, vector<16xi32>,
        %parallel_loop3A_269 = arith.constant 160 : i32
        %parallel_loop3A_270 = vector.broadcast %parallel_loop3A_269 : i32 to vector<16xi32>
        %parallel_loop3A_271 = arith.muli %parallel_loop3A_268, %parallel_loop3A_270 : vector<16xi32>
        %parallel_loop3A_272 = arith.addi %parallel_loop3A_271, %parallel_loop3A_265 : vector<16xi32>
        tpu.vector_store_idx %arg5[%parallel_loop3A_272], %broadcast_in_dim3A_33 {add = true} : memref<24000xi32, #tpu.memory_space<vmem>>[vector<16xi32>], vector<16xi32>,
        %parallel_loop3A_273 = arith.index_cast %parallel_loop3A_122 : i32 to index
        %parallel_loop3A_274 = arith.constant 240 : index
        %parallel_loop3A_275 = tpu.vector_load %arg8[%parallel_loop3A_273, %parallel_loop3A_274] {strides = array<i32>} : memref<32x512xi32, #tpu.memory_space<vmem>>, vector<16xi32>,
        %parallel_loop3A_276 = arith.index_cast %parallel_loop3A_122 : i32 to index
        %parallel_loop3A_277 = arith.constant 240 : index
        %parallel_loop3A_278 = tpu.vector_load %arg10[%parallel_loop3A_276, %parallel_loop3A_277] {strides = array<i32>} : memref<32x512xi32, #tpu.memory_space<vmem>>, vector<16xi32>,
        %parallel_loop3A_279 = arith.constant 160 : i32
        %parallel_loop3A_280 = vector.broadcast %parallel_loop3A_279 : i32 to vector<16xi32>
        %parallel_loop3A_281 = arith.muli %parallel_loop3A_278, %parallel_loop3A_280 : vector<16xi32>
        %parallel_loop3A_282 = arith.addi %parallel_loop3A_281, %parallel_loop3A_275 : vector<16xi32>
        tpu.vector_store_idx %arg5[%parallel_loop3A_282], %broadcast_in_dim3A_33 {add = true} : memref<24000xi32, #tpu.memory_space<vmem>>[vector<16xi32>], vector<16xi32>,
        %parallel_loop3A_283 = arith.index_cast %parallel_loop3A_122 : i32 to index
        %parallel_loop3A_284 = arith.constant 256 : index
        %parallel_loop3A_285 = tpu.vector_load %arg8[%parallel_loop3A_283, %parallel_loop3A_284] {strides = array<i32>} : memref<32x512xi32, #tpu.memory_space<vmem>>, vector<16xi32>,
        %parallel_loop3A_286 = arith.index_cast %parallel_loop3A_122 : i32 to index
        %parallel_loop3A_287 = arith.constant 256 : index
        %parallel_loop3A_288 = tpu.vector_load %arg10[%parallel_loop3A_286, %parallel_loop3A_287] {strides = array<i32>} : memref<32x512xi32, #tpu.memory_space<vmem>>, vector<16xi32>,
        %parallel_loop3A_289 = arith.constant 160 : i32
        %parallel_loop3A_290 = vector.broadcast %parallel_loop3A_289 : i32 to vector<16xi32>
        %parallel_loop3A_291 = arith.muli %parallel_loop3A_288, %parallel_loop3A_290 : vector<16xi32>
        %parallel_loop3A_292 = arith.addi %parallel_loop3A_291, %parallel_loop3A_285 : vector<16xi32>
        tpu.vector_store_idx %arg5[%parallel_loop3A_292], %broadcast_in_dim3A_33 {add = true} : memref<24000xi32, #tpu.memory_space<vmem>>[vector<16xi32>], vector<16xi32>,
        %parallel_loop3A_293 = arith.index_cast %parallel_loop3A_122 : i32 to index
        %parallel_loop3A_294 = arith.constant 272 : index
        %parallel_loop3A_295 = tpu.vector_load %arg8[%parallel_loop3A_293, %parallel_loop3A_294] {strides = array<i32>} : memref<32x512xi32, #tpu.memory_space<vmem>>, vector<16xi32>,
        %parallel_loop3A_296 = arith.index_cast %parallel_loop3A_122 : i32 to index
        %parallel_loop3A_297 = arith.constant 272 : index
        %parallel_loop3A_298 = tpu.vector_load %arg10[%parallel_loop3A_296, %parallel_loop3A_297] {strides = array<i32>} : memref<32x512xi32, #tpu.memory_space<vmem>>, vector<16xi32>,
        %parallel_loop3A_299 = arith.constant 160 : i32
        %parallel_loop3A_300 = vector.broadcast %parallel_loop3A_299 : i32 to vector<16xi32>
        %parallel_loop3A_301 = arith.muli %parallel_loop3A_298, %parallel_loop3A_300 : vector<16xi32>
        %parallel_loop3A_302 = arith.addi %parallel_loop3A_301, %parallel_loop3A_295 : vector<16xi32>
        tpu.vector_store_idx %arg5[%parallel_loop3A_302], %broadcast_in_dim3A_33 {add = true} : memref<24000xi32, #tpu.memory_space<vmem>>[vector<16xi32>], vector<16xi32>,
        %parallel_loop3A_303 = arith.index_cast %parallel_loop3A_122 : i32 to index
        %parallel_loop3A_304 = arith.constant 288 : index
        %parallel_loop3A_305 = tpu.vector_load %arg8[%parallel_loop3A_303, %parallel_loop3A_304] {strides = array<i32>} : memref<32x512xi32, #tpu.memory_space<vmem>>, vector<16xi32>,
        %parallel_loop3A_306 = arith.index_cast %parallel_loop3A_122 : i32 to index
        %parallel_loop3A_307 = arith.constant 288 : index
        %parallel_loop3A_308 = tpu.vector_load %arg10[%parallel_loop3A_306, %parallel_loop3A_307] {strides = array<i32>} : memref<32x512xi32, #tpu.memory_space<vmem>>, vector<16xi32>,
        %parallel_loop3A_309 = arith.constant 160 : i32
        %parallel_loop3A_310 = vector.broadcast %parallel_loop3A_309 : i32 to vector<16xi32>
        %parallel_loop3A_311 = arith.muli %parallel_loop3A_308, %parallel_loop3A_310 : vector<16xi32>
        %parallel_loop3A_312 = arith.addi %parallel_loop3A_311, %parallel_loop3A_305 : vector<16xi32>
        tpu.vector_store_idx %arg5[%parallel_loop3A_312], %broadcast_in_dim3A_33 {add = true} : memref<24000xi32, #tpu.memory_space<vmem>>[vector<16xi32>], vector<16xi32>,
        %parallel_loop3A_313 = arith.index_cast %parallel_loop3A_122 : i32 to index
        %parallel_loop3A_314 = arith.constant 304 : index
        %parallel_loop3A_315 = tpu.vector_load %arg8[%parallel_loop3A_313, %parallel_loop3A_314] {strides = array<i32>} : memref<32x512xi32, #tpu.memory_space<vmem>>, vector<16xi32>,
        %parallel_loop3A_316 = arith.index_cast %parallel_loop3A_122 : i32 to index
        %parallel_loop3A_317 = arith.constant 304 : index
        %parallel_loop3A_318 = tpu.vector_load %arg10[%parallel_loop3A_316, %parallel_loop3A_317] {strides = array<i32>} : memref<32x512xi32, #tpu.memory_space<vmem>>, vector<16xi32>,
        %parallel_loop3A_319 = arith.constant 160 : i32
        %parallel_loop3A_320 = vector.broadcast %parallel_loop3A_319 : i32 to vector<16xi32>
        %parallel_loop3A_321 = arith.muli %parallel_loop3A_318, %parallel_loop3A_320 : vector<16xi32>
        %parallel_loop3A_322 = arith.addi %parallel_loop3A_321, %parallel_loop3A_315 : vector<16xi32>
        tpu.vector_store_idx %arg5[%parallel_loop3A_322], %broadcast_in_dim3A_33 {add = true} : memref<24000xi32, #tpu.memory_space<vmem>>[vector<16xi32>], vector<16xi32>,
        %parallel_loop3A_323 = arith.index_cast %parallel_loop3A_122 : i32 to index
        %parallel_loop3A_324 = arith.constant 320 : index
        %parallel_loop3A_325 = tpu.vector_load %arg8[%parallel_loop3A_323, %parallel_loop3A_324] {strides = array<i32>} : memref<32x512xi32, #tpu.memory_space<vmem>>, vector<16xi32>,
        %parallel_loop3A_326 = arith.index_cast %parallel_loop3A_122 : i32 to index
        %parallel_loop3A_327 = arith.constant 320 : index
        %parallel_loop3A_328 = tpu.vector_load %arg10[%parallel_loop3A_326, %parallel_loop3A_327] {strides = array<i32>} : memref<32x512xi32, #tpu.memory_space<vmem>>, vector<16xi32>,
        %parallel_loop3A_329 = arith.constant 160 : i32
        %parallel_loop3A_330 = vector.broadcast %parallel_loop3A_329 : i32 to vector<16xi32>
        %parallel_loop3A_331 = arith.muli %parallel_loop3A_328, %parallel_loop3A_330 : vector<16xi32>
        %parallel_loop3A_332 = arith.addi %parallel_loop3A_331, %parallel_loop3A_325 : vector<16xi32>
        tpu.vector_store_idx %arg5[%parallel_loop3A_332], %broadcast_in_dim3A_33 {add = true} : memref<24000xi32, #tpu.memory_space<vmem>>[vector<16xi32>], vector<16xi32>,
        %parallel_loop3A_333 = arith.index_cast %parallel_loop3A_122 : i32 to index
        %parallel_loop3A_334 = arith.constant 336 : index
        %parallel_loop3A_335 = tpu.vector_load %arg8[%parallel_loop3A_333, %parallel_loop3A_334] {strides = array<i32>} : memref<32x512xi32, #tpu.memory_space<vmem>>, vector<16xi32>,
        %parallel_loop3A_336 = arith.index_cast %parallel_loop3A_122 : i32 to index
        %parallel_loop3A_337 = arith.constant 336 : index
        %parallel_loop3A_338 = tpu.vector_load %arg10[%parallel_loop3A_336, %parallel_loop3A_337] {strides = array<i32>} : memref<32x512xi32, #tpu.memory_space<vmem>>, vector<16xi32>,
        %parallel_loop3A_339 = arith.constant 160 : i32
        %parallel_loop3A_340 = vector.broadcast %parallel_loop3A_339 : i32 to vector<16xi32>
        %parallel_loop3A_341 = arith.muli %parallel_loop3A_338, %parallel_loop3A_340 : vector<16xi32>
        %parallel_loop3A_342 = arith.addi %parallel_loop3A_341, %parallel_loop3A_335 : vector<16xi32>
        tpu.vector_store_idx %arg5[%parallel_loop3A_342], %broadcast_in_dim3A_33 {add = true} : memref<24000xi32, #tpu.memory_space<vmem>>[vector<16xi32>], vector<16xi32>,
        %parallel_loop3A_343 = arith.index_cast %parallel_loop3A_122 : i32 to index
        %parallel_loop3A_344 = arith.constant 352 : index
        %parallel_loop3A_345 = tpu.vector_load %arg8[%parallel_loop3A_343, %parallel_loop3A_344] {strides = array<i32>} : memref<32x512xi32, #tpu.memory_space<vmem>>, vector<16xi32>,
        %parallel_loop3A_346 = arith.index_cast %parallel_loop3A_122 : i32 to index
        %parallel_loop3A_347 = arith.constant 352 : index
        %parallel_loop3A_348 = tpu.vector_load %arg10[%parallel_loop3A_346, %parallel_loop3A_347] {strides = array<i32>} : memref<32x512xi32, #tpu.memory_space<vmem>>, vector<16xi32>,
        %parallel_loop3A_349 = arith.constant 160 : i32
        %parallel_loop3A_350 = vector.broadcast %parallel_loop3A_349 : i32 to vector<16xi32>
        %parallel_loop3A_351 = arith.muli %parallel_loop3A_348, %parallel_loop3A_350 : vector<16xi32>
        %parallel_loop3A_352 = arith.addi %parallel_loop3A_351, %parallel_loop3A_345 : vector<16xi32>
        tpu.vector_store_idx %arg5[%parallel_loop3A_352], %broadcast_in_dim3A_33 {add = true} : memref<24000xi32, #tpu.memory_space<vmem>>[vector<16xi32>], vector<16xi32>,
        %parallel_loop3A_353 = arith.index_cast %parallel_loop3A_122 : i32 to index
        %parallel_loop3A_354 = arith.constant 368 : index
        %parallel_loop3A_355 = tpu.vector_load %arg8[%parallel_loop3A_353, %parallel_loop3A_354] {strides = array<i32>} : memref<32x512xi32, #tpu.memory_space<vmem>>, vector<16xi32>,
        %parallel_loop3A_356 = arith.index_cast %parallel_loop3A_122 : i32 to index
        %parallel_loop3A_357 = arith.constant 368 : index
        %parallel_loop3A_358 = tpu.vector_load %arg10[%parallel_loop3A_356, %parallel_loop3A_357] {strides = array<i32>} : memref<32x512xi32, #tpu.memory_space<vmem>>, vector<16xi32>,
        %parallel_loop3A_359 = arith.constant 160 : i32
        %parallel_loop3A_360 = vector.broadcast %parallel_loop3A_359 : i32 to vector<16xi32>
        %parallel_loop3A_361 = arith.muli %parallel_loop3A_358, %parallel_loop3A_360 : vector<16xi32>
        %parallel_loop3A_362 = arith.addi %parallel_loop3A_361, %parallel_loop3A_355 : vector<16xi32>
        tpu.vector_store_idx %arg5[%parallel_loop3A_362], %broadcast_in_dim3A_33 {add = true} : memref<24000xi32, #tpu.memory_space<vmem>>[vector<16xi32>], vector<16xi32>,
        %parallel_loop3A_363 = arith.index_cast %parallel_loop3A_122 : i32 to index
        %parallel_loop3A_364 = arith.constant 384 : index
        %parallel_loop3A_365 = tpu.vector_load %arg8[%parallel_loop3A_363, %parallel_loop3A_364] {strides = array<i32>} : memref<32x512xi32, #tpu.memory_space<vmem>>, vector<16xi32>,
        %parallel_loop3A_366 = arith.index_cast %parallel_loop3A_122 : i32 to index
        %parallel_loop3A_367 = arith.constant 384 : index
        %parallel_loop3A_368 = tpu.vector_load %arg10[%parallel_loop3A_366, %parallel_loop3A_367] {strides = array<i32>} : memref<32x512xi32, #tpu.memory_space<vmem>>, vector<16xi32>,
        %parallel_loop3A_369 = arith.constant 160 : i32
        %parallel_loop3A_370 = vector.broadcast %parallel_loop3A_369 : i32 to vector<16xi32>
        %parallel_loop3A_371 = arith.muli %parallel_loop3A_368, %parallel_loop3A_370 : vector<16xi32>
        %parallel_loop3A_372 = arith.addi %parallel_loop3A_371, %parallel_loop3A_365 : vector<16xi32>
        tpu.vector_store_idx %arg5[%parallel_loop3A_372], %broadcast_in_dim3A_33 {add = true} : memref<24000xi32, #tpu.memory_space<vmem>>[vector<16xi32>], vector<16xi32>,
        %parallel_loop3A_373 = arith.index_cast %parallel_loop3A_122 : i32 to index
        %parallel_loop3A_374 = arith.constant 400 : index
        %parallel_loop3A_375 = tpu.vector_load %arg8[%parallel_loop3A_373, %parallel_loop3A_374] {strides = array<i32>} : memref<32x512xi32, #tpu.memory_space<vmem>>, vector<16xi32>,
        %parallel_loop3A_376 = arith.index_cast %parallel_loop3A_122 : i32 to index
        %parallel_loop3A_377 = arith.constant 400 : index
        %parallel_loop3A_378 = tpu.vector_load %arg10[%parallel_loop3A_376, %parallel_loop3A_377] {strides = array<i32>} : memref<32x512xi32, #tpu.memory_space<vmem>>, vector<16xi32>,
        %parallel_loop3A_379 = arith.constant 160 : i32
        %parallel_loop3A_380 = vector.broadcast %parallel_loop3A_379 : i32 to vector<16xi32>
        %parallel_loop3A_381 = arith.muli %parallel_loop3A_378, %parallel_loop3A_380 : vector<16xi32>
        %parallel_loop3A_382 = arith.addi %parallel_loop3A_381, %parallel_loop3A_375 : vector<16xi32>
        tpu.vector_store_idx %arg5[%parallel_loop3A_382], %broadcast_in_dim3A_33 {add = true} : memref<24000xi32, #tpu.memory_space<vmem>>[vector<16xi32>], vector<16xi32>,
        %parallel_loop3A_383 = arith.index_cast %parallel_loop3A_122 : i32 to index
        %parallel_loop3A_384 = arith.constant 416 : index
        %parallel_loop3A_385 = tpu.vector_load %arg8[%parallel_loop3A_383, %parallel_loop3A_384] {strides = array<i32>} : memref<32x512xi32, #tpu.memory_space<vmem>>, vector<16xi32>,
        %parallel_loop3A_386 = arith.index_cast %parallel_loop3A_122 : i32 to index
        %parallel_loop3A_387 = arith.constant 416 : index
        %parallel_loop3A_388 = tpu.vector_load %arg10[%parallel_loop3A_386, %parallel_loop3A_387] {strides = array<i32>} : memref<32x512xi32, #tpu.memory_space<vmem>>, vector<16xi32>,
        %parallel_loop3A_389 = arith.constant 160 : i32
        %parallel_loop3A_390 = vector.broadcast %parallel_loop3A_389 : i32 to vector<16xi32>
        %parallel_loop3A_391 = arith.muli %parallel_loop3A_388, %parallel_loop3A_390 : vector<16xi32>
        %parallel_loop3A_392 = arith.addi %parallel_loop3A_391, %parallel_loop3A_385 : vector<16xi32>
        tpu.vector_store_idx %arg5[%parallel_loop3A_392], %broadcast_in_dim3A_33 {add = true} : memref<24000xi32, #tpu.memory_space<vmem>>[vector<16xi32>], vector<16xi32>,
        %parallel_loop3A_393 = arith.index_cast %parallel_loop3A_122 : i32 to index
        %parallel_loop3A_394 = arith.constant 432 : index
        %parallel_loop3A_395 = tpu.vector_load %arg8[%parallel_loop3A_393, %parallel_loop3A_394] {strides = array<i32>} : memref<32x512xi32, #tpu.memory_space<vmem>>, vector<16xi32>,
        %parallel_loop3A_396 = arith.index_cast %parallel_loop3A_122 : i32 to index
        %parallel_loop3A_397 = arith.constant 432 : index
        %parallel_loop3A_398 = tpu.vector_load %arg10[%parallel_loop3A_396, %parallel_loop3A_397] {strides = array<i32>} : memref<32x512xi32, #tpu.memory_space<vmem>>, vector<16xi32>,
        %parallel_loop3A_399 = arith.constant 160 : i32
        %parallel_loop3A_400 = vector.broadcast %parallel_loop3A_399 : i32 to vector<16xi32>
        %parallel_loop3A_401 = arith.muli %parallel_loop3A_398, %parallel_loop3A_400 : vector<16xi32>
        %parallel_loop3A_402 = arith.addi %parallel_loop3A_401, %parallel_loop3A_395 : vector<16xi32>
        tpu.vector_store_idx %arg5[%parallel_loop3A_402], %broadcast_in_dim3A_33 {add = true} : memref<24000xi32, #tpu.memory_space<vmem>>[vector<16xi32>], vector<16xi32>,
        %parallel_loop3A_403 = arith.index_cast %parallel_loop3A_122 : i32 to index
        %parallel_loop3A_404 = arith.constant 448 : index
        %parallel_loop3A_405 = tpu.vector_load %arg8[%parallel_loop3A_403, %parallel_loop3A_404] {strides = array<i32>} : memref<32x512xi32, #tpu.memory_space<vmem>>, vector<16xi32>,
        %parallel_loop3A_406 = arith.index_cast %parallel_loop3A_122 : i32 to index
        %parallel_loop3A_407 = arith.constant 448 : index
        %parallel_loop3A_408 = tpu.vector_load %arg10[%parallel_loop3A_406, %parallel_loop3A_407] {strides = array<i32>} : memref<32x512xi32, #tpu.memory_space<vmem>>, vector<16xi32>,
        %parallel_loop3A_409 = arith.constant 160 : i32
        %parallel_loop3A_410 = vector.broadcast %parallel_loop3A_409 : i32 to vector<16xi32>
        %parallel_loop3A_411 = arith.muli %parallel_loop3A_408, %parallel_loop3A_410 : vector<16xi32>
        %parallel_loop3A_412 = arith.addi %parallel_loop3A_411, %parallel_loop3A_405 : vector<16xi32>
        tpu.vector_store_idx %arg5[%parallel_loop3A_412], %broadcast_in_dim3A_33 {add = true} : memref<24000xi32, #tpu.memory_space<vmem>>[vector<16xi32>], vector<16xi32>,
        %parallel_loop3A_413 = arith.index_cast %parallel_loop3A_122 : i32 to index
        %parallel_loop3A_414 = arith.constant 464 : index
        %parallel_loop3A_415 = tpu.vector_load %arg8[%parallel_loop3A_413, %parallel_loop3A_414] {strides = array<i32>} : memref<32x512xi32, #tpu.memory_space<vmem>>, vector<16xi32>,
        %parallel_loop3A_416 = arith.index_cast %parallel_loop3A_122 : i32 to index
        %parallel_loop3A_417 = arith.constant 464 : index
        %parallel_loop3A_418 = tpu.vector_load %arg10[%parallel_loop3A_416, %parallel_loop3A_417] {strides = array<i32>} : memref<32x512xi32, #tpu.memory_space<vmem>>, vector<16xi32>,
        %parallel_loop3A_419 = arith.constant 160 : i32
        %parallel_loop3A_420 = vector.broadcast %parallel_loop3A_419 : i32 to vector<16xi32>
        %parallel_loop3A_421 = arith.muli %parallel_loop3A_418, %parallel_loop3A_420 : vector<16xi32>
        %parallel_loop3A_422 = arith.addi %parallel_loop3A_421, %parallel_loop3A_415 : vector<16xi32>
        tpu.vector_store_idx %arg5[%parallel_loop3A_422], %broadcast_in_dim3A_33 {add = true} : memref<24000xi32, #tpu.memory_space<vmem>>[vector<16xi32>], vector<16xi32>,
        %parallel_loop3A_423 = arith.index_cast %parallel_loop3A_122 : i32 to index
        %parallel_loop3A_424 = arith.constant 480 : index
        %parallel_loop3A_425 = tpu.vector_load %arg8[%parallel_loop3A_423, %parallel_loop3A_424] {strides = array<i32>} : memref<32x512xi32, #tpu.memory_space<vmem>>, vector<16xi32>,
        %parallel_loop3A_426 = arith.index_cast %parallel_loop3A_122 : i32 to index
        %parallel_loop3A_427 = arith.constant 480 : index
        %parallel_loop3A_428 = tpu.vector_load %arg10[%parallel_loop3A_426, %parallel_loop3A_427] {strides = array<i32>} : memref<32x512xi32, #tpu.memory_space<vmem>>, vector<16xi32>,
        %parallel_loop3A_429 = arith.constant 160 : i32
        %parallel_loop3A_430 = vector.broadcast %parallel_loop3A_429 : i32 to vector<16xi32>
        %parallel_loop3A_431 = arith.muli %parallel_loop3A_428, %parallel_loop3A_430 : vector<16xi32>
        %parallel_loop3A_432 = arith.addi %parallel_loop3A_431, %parallel_loop3A_425 : vector<16xi32>
        tpu.vector_store_idx %arg5[%parallel_loop3A_432], %broadcast_in_dim3A_33 {add = true} : memref<24000xi32, #tpu.memory_space<vmem>>[vector<16xi32>], vector<16xi32>,
        %parallel_loop3A_433 = arith.index_cast %parallel_loop3A_122 : i32 to index
        %parallel_loop3A_434 = arith.constant 496 : index
        %parallel_loop3A_435 = tpu.vector_load %arg8[%parallel_loop3A_433, %parallel_loop3A_434] {strides = array<i32>} : memref<32x512xi32, #tpu.memory_space<vmem>>, vector<16xi32>,
        %parallel_loop3A_436 = arith.index_cast %parallel_loop3A_122 : i32 to index
        %parallel_loop3A_437 = arith.constant 496 : index
        %parallel_loop3A_438 = tpu.vector_load %arg10[%parallel_loop3A_436, %parallel_loop3A_437] {strides = array<i32>} : memref<32x512xi32, #tpu.memory_space<vmem>>, vector<16xi32>,
        %parallel_loop3A_439 = arith.constant 160 : i32
        %parallel_loop3A_440 = vector.broadcast %parallel_loop3A_439 : i32 to vector<16xi32>
        %parallel_loop3A_441 = arith.muli %parallel_loop3A_438, %parallel_loop3A_440 : vector<16xi32>
        %parallel_loop3A_442 = arith.addi %parallel_loop3A_441, %parallel_loop3A_435 : vector<16xi32>
        tpu.vector_store_idx %arg5[%parallel_loop3A_442], %broadcast_in_dim3A_33 {add = true} : memref<24000xi32, #tpu.memory_space<vmem>>[vector<16xi32>], vector<16xi32>,
      } {sc.loop_unroll_factor = 1 : i64, sc.parallel_access}
    }
    %scan3A_59 = arith.constant 4 : i32
    %parallel_loop3A = arith.constant 0 : i32
    %parallel_loop3A_60 = arith.constant 150 : i32
    %parallel_loop3A_61 = arith.constant 1 : i32
    scf.for %parallel_loop3A_62 = %parallel_loop3A to %parallel_loop3A_60 step %parallel_loop3A_61  : i32 {
      %parallel_loop3A_63 = arith.constant 160 : i32
      %parallel_loop3A_64 = arith.muli %parallel_loop3A_62, %parallel_loop3A_63 : i32
      %parallel_loop3A_65 = arith.constant 0 : i32
      %parallel_loop3A_66 = arith.addi %parallel_loop3A_64, %parallel_loop3A_65 : i32
      %parallel_loop3A_67 = arith.index_cast %parallel_loop3A_66 : i32 to index
      %parallel_loop3A_68 = tpu.vector_load %arg5[%parallel_loop3A_67] {strides = array<i32>} : memref<24000xi32, #tpu.memory_space<vmem>>, vector<16xi32>,
      %parallel_loop3A_69 = arith.index_cast %parallel_loop3A_62 : i32 to index
      %parallel_loop3A_70 = arith.constant 0 : index
      %parallel_loop3A_71 = tpu.vector_load %arg6[%parallel_loop3A_69, %parallel_loop3A_70] {strides = array<i32>} : memref<150x160xi32, #tpu.memory_space<vmem>>, vector<16xi32>,
      tpu.vector_store %arg6[%parallel_loop3A_69, %parallel_loop3A_70], %parallel_loop3A_68 {strides = array<i32>} : memref<150x160xi32, #tpu.memory_space<vmem>>, vector<16xi32>,
      %parallel_loop3A_72 = arith.constant 160 : i32
      %parallel_loop3A_73 = arith.muli %parallel_loop3A_62, %parallel_loop3A_72 : i32
      %parallel_loop3A_74 = arith.constant 16 : i32
      %parallel_loop3A_75 = arith.addi %parallel_loop3A_73, %parallel_loop3A_74 : i32
      %parallel_loop3A_76 = arith.index_cast %parallel_loop3A_75 : i32 to index
      %parallel_loop3A_77 = tpu.vector_load %arg5[%parallel_loop3A_76] {strides = array<i32>} : memref<24000xi32, #tpu.memory_space<vmem>>, vector<16xi32>,
      %parallel_loop3A_78 = arith.index_cast %parallel_loop3A_62 : i32 to index
      %parallel_loop3A_79 = arith.constant 16 : index
      %parallel_loop3A_80 = tpu.vector_load %arg6[%parallel_loop3A_78, %parallel_loop3A_79] {strides = array<i32>} : memref<150x160xi32, #tpu.memory_space<vmem>>, vector<16xi32>,
      tpu.vector_store %arg6[%parallel_loop3A_78, %parallel_loop3A_79], %parallel_loop3A_77 {strides = array<i32>} : memref<150x160xi32, #tpu.memory_space<vmem>>, vector<16xi32>,
      %parallel_loop3A_81 = arith.constant 160 : i32
      %parallel_loop3A_82 = arith.muli %parallel_loop3A_62, %parallel_loop3A_81 : i32
      %parallel_loop3A_83 = arith.constant 32 : i32
      %parallel_loop3A_84 = arith.addi %parallel_loop3A_82, %parallel_loop3A_83 : i32
      %parallel_loop3A_85 = arith.index_cast %parallel_loop3A_84 : i32 to index
      %parallel_loop3A_86 = tpu.vector_load %arg5[%parallel_loop3A_85] {strides = array<i32>} : memref<24000xi32, #tpu.memory_space<vmem>>, vector<16xi32>,
      %parallel_loop3A_87 = arith.index_cast %parallel_loop3A_62 : i32 to index
      %parallel_loop3A_88 = arith.constant 32 : index
      %parallel_loop3A_89 = tpu.vector_load %arg6[%parallel_loop3A_87, %parallel_loop3A_88] {strides = array<i32>} : memref<150x160xi32, #tpu.memory_space<vmem>>, vector<16xi32>,
      tpu.vector_store %arg6[%parallel_loop3A_87, %parallel_loop3A_88], %parallel_loop3A_86 {strides = array<i32>} : memref<150x160xi32, #tpu.memory_space<vmem>>, vector<16xi32>,
      %parallel_loop3A_90 = arith.constant 160 : i32
      %parallel_loop3A_91 = arith.muli %parallel_loop3A_62, %parallel_loop3A_90 : i32
      %parallel_loop3A_92 = arith.constant 48 : i32
      %parallel_loop3A_93 = arith.addi %parallel_loop3A_91, %parallel_loop3A_92 : i32
      %parallel_loop3A_94 = arith.index_cast %parallel_loop3A_93 : i32 to index
      %parallel_loop3A_95 = tpu.vector_load %arg5[%parallel_loop3A_94] {strides = array<i32>} : memref<24000xi32, #tpu.memory_space<vmem>>, vector<16xi32>,
      %parallel_loop3A_96 = arith.index_cast %parallel_loop3A_62 : i32 to index
      %parallel_loop3A_97 = arith.constant 48 : index
      %parallel_loop3A_98 = tpu.vector_load %arg6[%parallel_loop3A_96, %parallel_loop3A_97] {strides = array<i32>} : memref<150x160xi32, #tpu.memory_space<vmem>>, vector<16xi32>,
      tpu.vector_store %arg6[%parallel_loop3A_96, %parallel_loop3A_97], %parallel_loop3A_95 {strides = array<i32>} : memref<150x160xi32, #tpu.memory_space<vmem>>, vector<16xi32>,
      %parallel_loop3A_99 = arith.constant 160 : i32
      %parallel_loop3A_100 = arith.muli %parallel_loop3A_62, %parallel_loop3A_99 : i32
      %parallel_loop3A_101 = arith.constant 64 : i32
      %parallel_loop3A_102 = arith.addi %parallel_loop3A_100, %parallel_loop3A_101 : i32
      %parallel_loop3A_103 = arith.index_cast %parallel_loop3A_102 : i32 to index
      %parallel_loop3A_104 = tpu.vector_load %arg5[%parallel_loop3A_103] {strides = array<i32>} : memref<24000xi32, #tpu.memory_space<vmem>>, vector<16xi32>,
      %parallel_loop3A_105 = arith.index_cast %parallel_loop3A_62 : i32 to index
      %parallel_loop3A_106 = arith.constant 64 : index
      %parallel_loop3A_107 = tpu.vector_load %arg6[%parallel_loop3A_105, %parallel_loop3A_106] {strides = array<i32>} : memref<150x160xi32, #tpu.memory_space<vmem>>, vector<16xi32>,
      tpu.vector_store %arg6[%parallel_loop3A_105, %parallel_loop3A_106], %parallel_loop3A_104 {strides = array<i32>} : memref<150x160xi32, #tpu.memory_space<vmem>>, vector<16xi32>,
      %parallel_loop3A_108 = arith.constant 160 : i32
      %parallel_loop3A_109 = arith.muli %parallel_loop3A_62, %parallel_loop3A_108 : i32
      %parallel_loop3A_110 = arith.constant 80 : i32
      %parallel_loop3A_111 = arith.addi %parallel_loop3A_109, %parallel_loop3A_110 : i32
      %parallel_loop3A_112 = arith.index_cast %parallel_loop3A_111 : i32 to index
      %parallel_loop3A_113 = tpu.vector_load %arg5[%parallel_loop3A_112] {strides = array<i32>} : memref<24000xi32, #tpu.memory_space<vmem>>, vector<16xi32>,
      %parallel_loop3A_114 = arith.index_cast %parallel_loop3A_62 : i32 to index
      %parallel_loop3A_115 = arith.constant 80 : index
      %parallel_loop3A_116 = tpu.vector_load %arg6[%parallel_loop3A_114, %parallel_loop3A_115] {strides = array<i32>} : memref<150x160xi32, #tpu.memory_space<vmem>>, vector<16xi32>,
      tpu.vector_store %arg6[%parallel_loop3A_114, %parallel_loop3A_115], %parallel_loop3A_113 {strides = array<i32>} : memref<150x160xi32, #tpu.memory_space<vmem>>, vector<16xi32>,
      %parallel_loop3A_117 = arith.constant 160 : i32
      %parallel_loop3A_118 = arith.muli %parallel_loop3A_62, %parallel_loop3A_117 : i32
      %parallel_loop3A_119 = arith.constant 96 : i32
      %parallel_loop3A_120 = arith.addi %parallel_loop3A_118, %parallel_loop3A_119 : i32
      %parallel_loop3A_121 = arith.index_cast %parallel_loop3A_120 : i32 to index
      %parallel_loop3A_122 = tpu.vector_load %arg5[%parallel_loop3A_121] {strides = array<i32>} : memref<24000xi32, #tpu.memory_space<vmem>>, vector<16xi32>,
      %parallel_loop3A_123 = arith.index_cast %parallel_loop3A_62 : i32 to index
      %parallel_loop3A_124 = arith.constant 96 : index
      %parallel_loop3A_125 = tpu.vector_load %arg6[%parallel_loop3A_123, %parallel_loop3A_124] {strides = array<i32>} : memref<150x160xi32, #tpu.memory_space<vmem>>, vector<16xi32>,
      tpu.vector_store %arg6[%parallel_loop3A_123, %parallel_loop3A_124], %parallel_loop3A_122 {strides = array<i32>} : memref<150x160xi32, #tpu.memory_space<vmem>>, vector<16xi32>,
      %parallel_loop3A_126 = arith.constant 160 : i32
      %parallel_loop3A_127 = arith.muli %parallel_loop3A_62, %parallel_loop3A_126 : i32
      %parallel_loop3A_128 = arith.constant 112 : i32
      %parallel_loop3A_129 = arith.addi %parallel_loop3A_127, %parallel_loop3A_128 : i32
      %parallel_loop3A_130 = arith.index_cast %parallel_loop3A_129 : i32 to index
      %parallel_loop3A_131 = tpu.vector_load %arg5[%parallel_loop3A_130] {strides = array<i32>} : memref<24000xi32, #tpu.memory_space<vmem>>, vector<16xi32>,
      %parallel_loop3A_132 = arith.index_cast %parallel_loop3A_62 : i32 to index
      %parallel_loop3A_133 = arith.constant 112 : index
      %parallel_loop3A_134 = tpu.vector_load %arg6[%parallel_loop3A_132, %parallel_loop3A_133] {strides = array<i32>} : memref<150x160xi32, #tpu.memory_space<vmem>>, vector<16xi32>,
      tpu.vector_store %arg6[%parallel_loop3A_132, %parallel_loop3A_133], %parallel_loop3A_131 {strides = array<i32>} : memref<150x160xi32, #tpu.memory_space<vmem>>, vector<16xi32>,
      %parallel_loop3A_135 = arith.constant 160 : i32
      %parallel_loop3A_136 = arith.muli %parallel_loop3A_62, %parallel_loop3A_135 : i32
      %parallel_loop3A_137 = arith.constant 128 : i32
      %parallel_loop3A_138 = arith.addi %parallel_loop3A_136, %parallel_loop3A_137 : i32
      %parallel_loop3A_139 = arith.index_cast %parallel_loop3A_138 : i32 to index
      %parallel_loop3A_140 = tpu.vector_load %arg5[%parallel_loop3A_139] {strides = array<i32>} : memref<24000xi32, #tpu.memory_space<vmem>>, vector<16xi32>,
      %parallel_loop3A_141 = arith.index_cast %parallel_loop3A_62 : i32 to index
      %parallel_loop3A_142 = arith.constant 128 : index
      %parallel_loop3A_143 = tpu.vector_load %arg6[%parallel_loop3A_141, %parallel_loop3A_142] {strides = array<i32>} : memref<150x160xi32, #tpu.memory_space<vmem>>, vector<16xi32>,
      tpu.vector_store %arg6[%parallel_loop3A_141, %parallel_loop3A_142], %parallel_loop3A_140 {strides = array<i32>} : memref<150x160xi32, #tpu.memory_space<vmem>>, vector<16xi32>,
      %parallel_loop3A_144 = arith.constant 160 : i32
      %parallel_loop3A_145 = arith.muli %parallel_loop3A_62, %parallel_loop3A_144 : i32
      %parallel_loop3A_146 = arith.constant 144 : i32
      %parallel_loop3A_147 = arith.addi %parallel_loop3A_145, %parallel_loop3A_146 : i32
      %parallel_loop3A_148 = arith.index_cast %parallel_loop3A_147 : i32 to index
      %parallel_loop3A_149 = tpu.vector_load %arg5[%parallel_loop3A_148] {strides = array<i32>} : memref<24000xi32, #tpu.memory_space<vmem>>, vector<16xi32>,
      %parallel_loop3A_150 = arith.index_cast %parallel_loop3A_62 : i32 to index
      %parallel_loop3A_151 = arith.constant 144 : index
      %parallel_loop3A_152 = tpu.vector_load %arg6[%parallel_loop3A_150, %parallel_loop3A_151] {strides = array<i32>} : memref<150x160xi32, #tpu.memory_space<vmem>>, vector<16xi32>,
      tpu.vector_store %arg6[%parallel_loop3A_150, %parallel_loop3A_151], %parallel_loop3A_149 {strides = array<i32>} : memref<150x160xi32, #tpu.memory_space<vmem>>, vector<16xi32>,
    } {sc.loop_unroll_factor = 1 : i64, sc.parallel_access}
    "tpu.region"() ({
      %run_scoped3A = tpu.sem_alloc : memref<!tpu.dma_semaphore, #tpu.memory_space<semaphore_mem>>
      %dma_start3A_62 = arith.constant 0 : i32
      %dma_start3A_63 = arith.constant 0 : i32
      %dma_start3A_64 = tpu.memref_slice %arg4[%add3A, %dma_start3A_62, %dma_start3A_63] : memref<32x150x160xi32, #tpu.memory_space<hbm>> -> memref<1x150x160xi32, #tpu.memory_space<hbm>>
      %dma_start3A_65 = tpu.memref_squeeze %dma_start3A_64 : memref<1x150x160xi32, #tpu.memory_space<hbm>> -> memref<150x160xi32, #tpu.memory_space<hbm>>
      %dma_start3A_66 = arith.constant 0 : i32
      %dma_start3A_67 = arith.constant 0 : i32
      %dma_start3A_68 = tpu.memref_slice %arg4[%add3A, %dma_start3A_66, %dma_start3A_67] : memref<32x150x160xi32, #tpu.memory_space<hbm>> -> memref<1x150x160xi32, #tpu.memory_space<hbm>>
      %dma_start3A_69 = tpu.memref_squeeze %dma_start3A_68 : memref<1x150x160xi32, #tpu.memory_space<hbm>> -> memref<150x160xi32, #tpu.memory_space<hbm>>
      tpu.enqueue_dma source(%arg6 : memref<150x160xi32, #tpu.memory_space<vmem>>) target(%dma_start3A_69 : memref<150x160xi32, #tpu.memory_space<hbm>>) target_semaphore(%run_scoped3A : memref<!tpu.dma_semaphore, #tpu.memory_space<semaphore_mem>>)
      %dma_wait3A = arith.constant 0 : i32
      %dma_wait3A_70 = arith.constant 0 : i32
      %dma_wait3A_71 = tpu.memref_slice %arg4[%add3A, %dma_wait3A, %dma_wait3A_70] : memref<32x150x160xi32, #tpu.memory_space<hbm>> -> memref<1x150x160xi32, #tpu.memory_space<hbm>>
      %dma_wait3A_72 = tpu.memref_squeeze %dma_wait3A_71 : memref<1x150x160xi32, #tpu.memory_space<hbm>> -> memref<150x160xi32, #tpu.memory_space<hbm>>
      %dma_wait3A_73 = arith.constant 0 : i32
      %dma_wait3A_74 = arith.constant 0 : i32
      %dma_wait3A_75 = tpu.memref_slice %arg4[%add3A, %dma_wait3A_73, %dma_wait3A_74] : memref<32x150x160xi32, #tpu.memory_space<hbm>> -> memref<1x150x160xi32, #tpu.memory_space<hbm>>
      %dma_wait3A_76 = tpu.memref_squeeze %dma_wait3A_75 : memref<1x150x160xi32, #tpu.memory_space<hbm>> -> memref<150x160xi32, #tpu.memory_space<hbm>>
      tpu.wait_dma2 semaphore(%run_scoped3A : memref<!tpu.dma_semaphore, #tpu.memory_space<semaphore_mem>>) src(%arg6 : memref<150x160xi32, #tpu.memory_space<vmem>>) dst(%dma_wait3A_76 : memref<150x160xi32, #tpu.memory_space<hbm>>)
      tpu.yield
    }) : () -> ()
    return
  }
}

module attributes {stable_mosaic.version = 14 : i64} {
  func.func @_iou_tc(%arg0: memref<32x150x160xi32, #tpu.memory_space<vmem>>, %arg1: memref<1x1xf32, #tpu.memory_space<vmem>>) attributes {dimension_semantics = [], scalar_prefetch = 0 : i64, scratch_operands = 0 : i64, tpu.core_type = #tpu.core_type<tc>} {
    %get3A = arith.constant 0 : index
    %get3A_0 = arith.constant 0 : index
    %get3A_1 = arith.constant 0 : index
    %get3A_2 = vector.load %arg0[%get3A, %get3A_0, %get3A_1] : memref<32x150x160xi32, #tpu.memory_space<vmem>>, vector<32x150x160xi32>
    %reduce_sum3A = arith.constant dense<0> : vector<150x160xi32>
    %reduce_sum3A_3 = vector.multi_reduction <add>, %get3A_2, %reduce_sum3A [0] : vector<32x150x160xi32> to vector<150x160xi32>
    %convert_element_type3A = arith.sitofp %reduce_sum3A_3 : vector<150x160xi32> to vector<150x160xf32>
    %iota3A = tpu.iota {dimensions = array<i32: 0>} : vector<150x160xi32>
    %iota3A_4 = tpu.iota {dimensions = array<i32: 1>} : vector<150x160xi32>
    %eq3A = arith.cmpi eq, %iota3A, %iota3A_4 : vector<150x160xi32>
    %jit3A = arith.constant 0.000000e+00 : f32
    %broadcast_in_dim3A = vector.broadcast %jit3A : f32 to vector<150x160xf32>
    %select_n3A = arith.select %eq3A, %convert_element_type3A, %broadcast_in_dim3A : vector<150x160xi1>, vector<150x160xf32>
    %reduce_sum3A_5 = arith.constant dense<0.000000e+00> : vector<150xf32>
    %reduce_sum3A_6 = vector.multi_reduction <add>, %select_n3A, %reduce_sum3A_5 [1] : vector<150x160xf32> to vector<150xf32>
    %broadcast_in_dim3A_7 = vector.shape_cast %reduce_sum3A_6 : vector<150xf32> to vector<150x1xf32>
    %reduce_sum3A_8 = arith.constant dense<0.000000e+00> : vector<150xf32>
    %reduce_sum3A_9 = vector.multi_reduction <add>, %convert_element_type3A, %reduce_sum3A_8 [1] : vector<150x160xf32> to vector<150xf32>
    %broadcast_in_dim3A_10 = vector.shape_cast %reduce_sum3A_9 : vector<150xf32> to vector<150x1xf32>
    %reduce_sum3A_11 = arith.constant dense<0.000000e+00> : vector<160xf32>
    %reduce_sum3A_12 = vector.multi_reduction <add>, %convert_element_type3A, %reduce_sum3A_11 [0] : vector<150x160xf32> to vector<160xf32>
    %broadcast_in_dim3A_13 = vector.shape_cast %reduce_sum3A_12 : vector<160xf32> to vector<1x160xf32>
    %broadcast_in_dim3A_14 = vector.shape_cast %broadcast_in_dim3A_13 : vector<1x160xf32> to vector<1x160xf32>
    %broadcast_in_dim3A_15 = vector.broadcast %broadcast_in_dim3A_14 : vector<1x160xf32> to vector<150x160xf32>
    %jit3A_16 = arith.constant 0.000000e+00 : f32
    %broadcast_in_dim3A_17 = vector.broadcast %jit3A_16 : f32 to vector<150x160xf32>
    %select_n3A_18 = arith.select %eq3A, %broadcast_in_dim3A_15, %broadcast_in_dim3A_17 : vector<150x160xi1>, vector<150x160xf32>
    %reduce_sum3A_19 = arith.constant dense<0.000000e+00> : vector<150xf32>
    %reduce_sum3A_20 = vector.multi_reduction <add>, %select_n3A_18, %reduce_sum3A_19 [1] : vector<150x160xf32> to vector<150xf32>
    %broadcast_in_dim3A_21 = vector.shape_cast %reduce_sum3A_20 : vector<150xf32> to vector<150x1xf32>
    %add3A = arith.addf %broadcast_in_dim3A_10, %broadcast_in_dim3A_21 : vector<150x1xf32>
    %sub3A = arith.subf %add3A, %broadcast_in_dim3A_7 : vector<150x1xf32>
    %div3A = arith.divf %broadcast_in_dim3A_7, %sub3A : vector<150x1xf32>
    %reduce_sum3A_22 = vector.shape_cast %div3A : vector<150x1xf32> to vector<1x150x1xf32>
    %reduce_sum3A_23 = arith.constant dense<0.000000e+00> : vector<1xf32>
    %reduce_sum3A_24 = vector.multi_reduction <add>, %reduce_sum3A_22, %reduce_sum3A_23 [1, 2] : vector<1x150x1xf32> to vector<1xf32>
    %reduce_sum3A_25 = vector.shape_cast %reduce_sum3A_24 : vector<1xf32> to vector<1x1x1xf32>
    %reduce_sum3A_26 = vector.extract %reduce_sum3A_25[0, 0, 0] : f32 from vector<1x1x1xf32>
    %div3A_27 = arith.constant 1.500000e+02 : f32
    %div3A_28 = arith.divf %reduce_sum3A_26, %div3A_27 : f32
    %reshape3A = vector.broadcast %div3A_28 : f32 to vector<1x1xf32>
    %swap3A = arith.constant 0 : index
    %swap3A_29 = arith.constant 0 : index
    %swap3A_30 = vector.load %arg1[%swap3A, %swap3A_29] : memref<1x1xf32, #tpu.memory_space<vmem>>, vector<1x1xf32>
    tpu.vector_store %arg1[%swap3A, %swap3A_29], %reshape3A {strides = array<i32>} : memref<1x1xf32, #tpu.memory_space<vmem>>, vector<1x1xf32>,
    return
  }
}

</mosaic_0001>

<sc_bundles>
// kernel: kernel.4.cloned.1.call-start
scs
__scs_entry_jumppad:
0x0: {  	(pc) =	sbr.rel $0x88, $3  }
0x1: {  	(tag) =	ssettag $0x0;
	lr =	simm.s32 $0x1  }
0x2: {  	[smem:$0x3F9F] =	sst lr;
	_ =	strace $0xD0000000  }
0x3: {  	_ = 	snop  }
0x4: {  	_ = 	snop  }
0x5: {  	_ = 	snop  }
0x6: {  	_ = 	snop  }
0x7: {  	_ = 	snop  }
__scs_overlays_trampoline_lowered:
0x8: {  	[smem:$0x3FAE] =	sst s0  }
0x9: {  	[smem:$0x3FAF] =	sst s1  }
0xa: {  	[smem:$0x3FB0] =	sst s2  }
0xb: {  	[smem:$0x3FB1] =	sst s3  }
0xc: {  	[smem:$0x3FB2] =	sst s4  }
0xd: {  	[smem:$0x3FB3] =	sst s5  }
0xe: {  	[smem:$0x3FB4] =	sst s6  }
0xf: {  	[smem:$0x3FB5] =	sst s7  }
0x10: {  	[smem:$0x3FB6] =	sst s8  }
0x11: {  	[smem:$0x3FB7] =	sst s9;
	s0 =	simm.s32 @!p0 $0x0  }
0x12: {  	s1 =	sld [smem:$0x3F9D];
	s0 =	simm.s32 @p0 $0x1  }
0x13: {  	[smem:$0x3FB8] =	sst s0;
	s0 =	simm.s32 @!p1 $0x0  }
0x14: {  	s2 =	sld [smem:$0x3F9C];
	s0 =	simm.s32 @p1 $0x1  }
0x15: {  	[smem:$0x3FB9] =	sst s0;
	s0 =	simm.s32 @!p2 $0x0  }
0x16: {  	s3 =	sld [smem:$0x3FDB];
	s0 =	simm.s32 @p2 $0x1  }
0x17: {  	s4 =	simm.s32 $0x1BF5;
	[smem:$0x3FBB] =	sst s0  }
0x18: {  	s0 =	sld [smem:$0x3F9E];
	_ =	swait.ge [sflag:s4], $0x0  }
0x19: {  	s7 =	sld [smem:$0x3F9F]  }
0x1a: {  	s8 =	sadd.s32 $0xFFFFE003, lr  }
0x1b: {  	s9 =	sadd.s32 $0xFFFFFEF7, lr;
	s5 =	simm.s32 $0xFFFFFFFF;
	p2 =	slt.u32 s8, $0xFFFFF086  }
0x1c: {  	p1 =	slt.u32 s9, $0xF7A;
	s5 =	simm.s32 @!p2 $0x0  }
0x1d: {  	s5 =	simm.s32 @p1 $0x1;
	p0 =	seq.s32 s7, s2  }
0x1e: {  	s7 =	smul.u32 @!p0 $0xF7A, s2;
	p2 =	seq.s32 @!p0 s5, $0x0  }
0x1f: {  	s9 =	smul.u32 $0xF7A, s1;
	s8 =	simm.s32 @!p0 $0x1BF5;
	p2 =	por !p2, p0  }
0x20: {  	[sflag:s8] =	ssyncset.s32 @!p0 $0xFFFFF086;
	s6 =	sadd.s32 @!p0 s3, s7;
	s7 =	simm.s32 @!p0 $0x108  }
0x21: {  	s3 =	sadd.s32 s3, s9;
	s6 =	sadd.s32 @!p0 $0x88, s6;
	s7 =	simm.s32 @p2 $0x1082  }
0x22: {  	[simem:s7], [sflag:s8] =	dma.local @!p0 [hbm:s6], $0xF7A  }
0x23: {  	s9 =	sor.u32 $0xD0000000, s2;
	s6 =	simm.s32 $0x108;
	_ =	swait.ge @!p0 [sflag:s8], $0x0  }
0x24: {  	s3 =	sadd.s32 $0x88, s3;
	s6 =	simm.s32 @!p1 $0x1082;
	[sflag:s4] =	ssyncset.s32 $0xFFFFF086  }
0x25: {  	[simem:s6], [sflag:s4] =	dma.local [hbm:s3], $0xF7A  }
0x26: {  	[smem:$0x3F9F] =	sst s1;
	(tag) =	ssettag s2;
	_ =	strace s9  }
0x27: {  	s1 =	sld [smem:$0x3FAF]  }
0x28: {  	s2 =	sld [smem:$0x3FB0]  }
0x29: {  	s4 =	sld [smem:$0x3FB2]  }
0x2a: {  	p0 =	seq.s32 s5, $0x0;
	s5 =	sld [smem:$0x3FB3]  }
0x2b: {  	s6 =	sld [smem:$0x3FB4]  }
0x2c: {  	s7 =	sld [smem:$0x3FB5]  }
0x2d: {  	s3 =	simm.s32 $0x108;
	s8 =	sld [smem:$0x3FB6]  }
0x2e: {  	s3 =	simm.s32 @!p0 $0x1082;
	s9 =	sld [smem:$0x3FB7]  }
0x2f: {  	lr =	sadd.s32 s0, s3;
	s0 =	sld [smem:$0x3FAE]  }
0x30: {  	s3 =	sld [smem:$0x3FB1]  }
0x31: {  	[smem:$0x3FBA] =	sst s10  }
0x32: {  	s10 =	sld [smem:$0x3FB8];
	_ =	sdelay $0x3  }
0x33: {  	p0 =	seq.s32 s10, $0x1;
	s10 =	sld [smem:$0x3FBA];
	_ =	sdelay $0x3  }
0x34: {  	[smem:$0x3FBA] =	sst s10  }
0x35: {  	s10 =	sld [smem:$0x3FB9];
	_ =	sdelay $0x3  }
0x36: {  	p1 =	seq.s32 s10, $0x1;
	s10 =	sld [smem:$0x3FBA];
	_ =	sdelay $0x3  }
0x37: {  	[smem:$0x3FBA] =	sst s10  }
0x38: {  	s10 =	sld [smem:$0x3FBB]  }
0x39: {  	_ = 	snop;
	(pc) =	sbr.ind lr, $3  }
0x3a: {  	_ = 	snop  }
0x3b: {  	_ = 	snop  }
0x3c: {  	p2 =	seq.s32 s10, $0x1;
	s10 =	sld [smem:$0x3FBA]  }
0x3d: {  	_ =	shalt  }
0x3e: {  	_ =	shalt  }
0x3f: {  	_ =	shalt  }
0x40: {  	_ =	shalt  }
0x41: {  	_ =	shalt  }
0x42: {  	_ =	shalt  }
0x43: {  	_ =	shalt  }
0x44: {  	_ =	shalt  }
0x45: {  	_ =	shalt  }
0x46: {  	_ =	shalt  }
0x47: {  	_ =	shalt  }
0x48: {  	_ =	shalt  }
0x49: {  	_ =	shalt  }
0x4a: {  	_ =	shalt  }
0x4b: {  	_ =	shalt  }
0x4c: {  	_ =	shalt  }
0x4d: {  	_ =	shalt  }
0x4e: {  	_ =	shalt  }
0x4f: {  	_ =	shalt  }
0x50: {  	_ =	shalt  }
0x51: {  	_ =	shalt  }
0x52: {  	_ =	shalt  }
0x53: {  	_ =	shalt  }
0x54: {  	_ =	shalt  }
0x55: {  	_ =	shalt  }
0x56: {  	_ =	shalt  }
0x57: {  	_ =	shalt  }
0x58: {  	_ =	shalt  }
0x59: {  	_ =	shalt  }
0x5a: {  	_ =	shalt  }
0x5b: {  	_ =	shalt  }
0x5c: {  	_ =	shalt  }
0x5d: {  	_ =	shalt  }
0x5e: {  	_ =	shalt  }
0x5f: {  	_ =	shalt  }
0x60: {  	_ =	shalt  }
0x61: {  	_ =	shalt  }
0x62: {  	_ =	shalt  }
0x63: {  	_ =	shalt  }
0x64: {  	_ =	shalt  }
0x65: {  	_ =	shalt  }
0x66: {  	_ =	shalt  }
0x67: {  	_ =	shalt  }
0x68: {  	_ =	shalt  }
0x69: {  	_ =	shalt  }
0x6a: {  	_ =	shalt  }
0x6b: {  	_ =	shalt  }
0x6c: {  	_ =	shalt  }
0x6d: {  	_ =	shalt  }
0x6e: {  	_ =	shalt  }
0x6f: {  	_ =	shalt  }
0x70: {  	_ =	shalt  }
0x71: {  	_ =	shalt  }
0x72: {  	_ =	shalt  }
0x73: {  	_ =	shalt  }
0x74: {  	_ =	shalt  }
0x75: {  	_ =	shalt  }
0x76: {  	_ =	shalt  }
0x77: {  	_ =	shalt  }
0x78: {  	_ =	shalt  }
0x79: {  	_ =	shalt  }
0x7a: {  	_ =	shalt  }
0x7b: {  	_ =	shalt  }
0x7c: {  	_ =	shalt  }
0x7d: {  	_ =	shalt  }
0x7e: {  	_ =	shalt  }
0x7f: {  	_ =	shalt  }
0x80: {  	_ =	shalt  }
0x81: {  	_ =	shalt  }
0x82: {  	_ =	shalt  }
0x83: {  	_ =	shalt  }
0x84: {  	_ =	shalt  }
0x85: {  	_ =	shalt  }
0x86: {  	_ =	shalt  }
0x87: {  	_ =	shalt  }
.Lfunc_end0:
.L_simem_size_0:
called_computation_lowered:
.L_overlay_start_0:
0x88: {  	s2 =	sld [smem:$0x3FD9]  }
0x89: {  	s3 =	sld [smem:$0x3FFE];
	_ =	sdelay $0x1  }
0x8a: {  	s1 =	srdreg.scid  }
0x8b: {  	s0 =	sand.u32 $0x1, s1  }
0x8c: {  	s17 =	sshll.u32 s0, $0xA;
	s2 =	sadd.s32 s3, s2  }
0x8d: {  	s2 =	sadd.s32 s2, s17  }
0x8e: {  	[smem:$0x3FC6] =	sst s2  }
0x8f: {  	_ = 	snop  }
0x90: {  	s2 =	sld [smem:$0x3FC9]  }
0x91: {  	s18 =	sld [smem:$0x3FC8];
	(tm) =	ssettm $0x1  }
0x92: {  	s4 =	sld [smem:$0x3FFB];
	_ =	sdelay $0x3  }
0x93: {  	_ =	strace s4  }
0x94: {  	s4 =	sld [smem:$0x3FFC];
	_ =	sdelay $0x3  }
0x95: {  	_ =	strace s4  }
0x96: {  	s4 =	sld [smem:$0x3FFD];
	_ =	sdelay $0x3  }
0x97: {  	_ =	strace s4  }
0x98: {  	_ =	strace $0x8FFFFFFF  }
0x99: {  	s19 =	sld [smem:$0x3FDB];
	_ =	sdelay $0x1  }
0x9a: {  	s5 =	simm.s32 $_scs_section_size  }
0x9b: {  	s6 =	simm.s32 $_size__tile_overlayer_lowered;
	s7 =	simm.s32 $_tile_overlayer_lowered  }
0x9c: {  	s22 =	simm.s32 $0x1BFF;
	s21 =	sshll.u32 s7, $0x1;
	s4 =	sadd.s32 s5, s19  }
0x9d: {  	s8 =	simm.s32 $0x0;
	s20 =	sshll.u32 s6, $0x1;
	s6 =	sadd.s32 s21, s4  }
0x9e: {  	[timem:s8], [sflag:s22] =	dma.local [hbm:s6], s20  }
0x9f: {  	_ =	swait.ge [sflag:s22], s20  }
0xa0: {  	s5 =	ssub.s32 $0x0, s20;
	[sflag:s22] =	ssyncset.done $0x0  }
0xa1: {  	[sflag:s22] =	ssyncadd.s32 s5;
	_ =	sdelay $0x1  }
0xa2: {  	s23 =	simm.s32 $0x1B8B  }
0xa3: {  	_ =	swait.ge [sflag:s23], $0x1  }
0xa4: {  	[sflag:s23] =	ssyncset.done $0x0  }
0xa5: {  	s25 =	simm.s32 $0x1B8E;
	s24 =	sld [smem:$0x3FFE];
	[sflag:s23] =	ssyncadd.s32 $0xFFFFFFFF  }
0xa6: {  	s26 =	simm.s32 $execute0_lowered;
	[smem:$0x3FD2] =	sst s25  }
0xa7: {  	s6 =	sshll.u32 s26, $0x1;
	_ =	strace $0x80000046;
	[dreg:$0x1] =	wrdreg $0xFFFFFFFF  }
0xa8: {  	s28 =	simm.s32 $_size_execute0_lowered;
	s4 =	sadd.s32 s4, s6;
	[dreg:$0x0] =	wrdreg $0x0  }
0xa9: {  	s6 =	sshll.u32 s28, $0x1;
	[dreg:$0x2] =	wrdreg s4  }
0xaa: {  	[dreg:$0x3] =	wrdreg s6  }
0xab: {  	[dreg:$0x4] =	wrdreg $0xC0  }
0xac: {  	_ =	task [dreg:s8], $0x5FFFF  }
0xad: {  	[dreg:$0x1] =	wrdreg $0xFFFFFFFF  }
0xae: {  	[dreg:$0x0] =	wrdreg $0x60  }
0xaf: {  	[dreg:$0x2] =	wrdreg s2  }
0xb0: {  	[dreg:$0x3] =	wrdreg s18  }
0xb1: {  	[dreg:$0x4] =	wrdreg s24  }
0xb2: {  	[dreg:$0x5] =	wrdreg $0x9  }
0xb3: {  	_ =	task.clear_ibuf [dreg:s8], $0x6FFFF;
	_ =	strace $0x90000046  }
0xb4: {  	s29 =	simm.s32 $0x9;
	_ =	strace $0x80000048  }
0xb5: {  	_ =	swait.ge [sflag:s29], $0x1  }
0xb6: {  	[sflag:s29] =	ssyncadd.s32 $0xFFFFFFFF  }
0xb7: {  	_ =	strace $0x90000048  }
0xb8: {  	_ =	sfence  }
0xb9: {  	s30 =	sld [smem:$0x0];
	_ =	sdelay $0x2  }
0xba: {  	s31 =	sshll.u32 s1, $0xD;
	s1 =	sshrl.u32 s1, $0x2  }
0xbb: {  	s3 =	sand.u32 $0x4000, s31;
	s1 =	sadd.s32 s1, s30  }
0xbc: {  	s0 =	sor.u32 s3, s0;
	s1 =	sshll.u32 s1, $0x11  }
0xbd: {  	s0 =	sor.u32 s1, s0  }
0xbe: {  	s0 =	sadd.s32 $0x8F2B, s0  }
0xbf: {  	[sflag:s0] =	ssyncadd.remote.s32 $0x1  }
0xc0: {  	_ =	sfence.sel $0xFFFF  }
0xc1: {  	[dreg:$0x0] =	wrdreg $0xFFFFFFFF;
	(pc) =	sbr.abs _section_cstart, $3  }
0xc2: {  	[dreg:$0x1] =	wrdreg $0xFFFFFFFF  }
0xc3: {  	_ =	task.clear_ibuf [dreg:s8], $0x2FFFF;
	_ =	strace $0x9FFFFFFF  }
0xc4: {  	(tm) =	ssettm $0x7FFFFFFF  }
0xc5: {  	_ =	shalt  }
tec
execute0_lowered:
.L_overlay_start_1:
0x0: {  	(tag) =	ssettag $0x1  }
0x1: {  	s0 =	srdreg.scid  }
0x2: {  	s7 =	stileid.u32;
	s3 =	rddreg [dreg:$0x1]  }
0x3: {  	s6 =	rddreg [dreg:$0x2];
	s0 =	sand.u32 $0x1, s0;
	s1 =	sshll.u32 s7, $0x1  }
0x4: {  	s5 =	simm.s32 $0x1;
	s4 =	simm.s32 $0x0;
	s2 =	sor.u32 s0, s1  }
0x5: {  	s11 =	simm.s32 $0x13600;
	p1 =	seq.s32 s0, $0x1;
	p0 =	seq.s32 s2, $0x0  }
0x6: {  	s16 =	simm.s32 $0x1B600;
	[smem:$0x7FF] =	sst s4;
	p0 =	por !p0, !p1  }
0x7: {  	s17 =	simm.s32 $0x2;
	s1 =	rddreg [dreg:$0x0];
	p0 =	por !p0, !p0  }
0x8: {  	s26 =	ssub.s32 $0x2, s0;
	s8 =	sshll.u32 s0, $0x11;
	s5 =	simm.s32 @!p0 $0x0  }
0x9: {  	s2 =	smul.u32 $0x1300, s2;
	s9 =	sshrl.u32 s26, $0x1;
	s5 =	ssub.s32 s7, s5  }
0xa: {  	_ =	strace $0x80000047;
	s9 =	ssub.s32 s26, s9;
	s5 =	sshll.u32 s5, $0x12  }
0xb: {  	s2 =	sadd.s32 s2, s6;
	s31 =	smax.u32 s9, $0x1;
	s8 =	sor.u32 s8, s5  }
0xc: {  	s30 =	sadd.s32 $0x600, s2;
	[dreg:$0x7] =	wrdreg s31;
	s8 =	sshrl.u32 s8, $0x3  }
0xd: {  	s6 =	simm.s32 $0x1;
	[dreg:$0x6] =	wrdreg s30;
	s28 =	sadd.s32 s1, s8  }
0xe: {  	s7 =	sshll.u32 s0, $0x8;
	s29 =	sadd.s32 s3, s8;
	[dreg:$0x4] =	wrdreg s28  }
0xf: {  	v0 =	vimm.s32 $0x0;
	v1 =	vimm.s32 $0x1;
	s10 =	sor.u32 $0x40, s7;
	s8 =	simm.s32 $0x0;
	[dreg:$0x5] =	wrdreg s29  }
.LBB2_1:
0x10: {  	s0 =	rddreg [dreg:$0x4];
	s2 =	simm.s32 $0xF600  }
0x11: {  	[tilespmem:s2], [sflag:$0x1] =	stream.linear.gather [hbm4b:s0+s4], $0x4000, $0x38;
	[tilespmem:$0x1F600] =	vst v63  }
0x12: {  	s30 =	rddreg [dreg:$0x5];
	s31 =	simm.s32 $0x17600;
	s0 =	simm.s32 $0x50  }
0x13: {  	[tilespmem:s31], [sflag:$0x1] =	stream.linear.gather [hbm4b:s30+s4], $0x4000, $0x38;
	[tilespmem:$0x1F600] =	vst v63  }
0x14: {  	[tilespmem:s0+$0xFFFFFFC0] =	vst v0  }
0x15: {  	[tilespmem:s0+$0xFFFFFFD0] =	vst v0  }
0x16: {  	[tilespmem:s0+$0xFFFFFFE0] =	vst v0  }
0x17: {  	[tilespmem:s0+$0xFFFFFFF0] =	vst v0  }
0x18: {  	[tilespmem:s0+$0x0] =	vst v0  }
0x19: {  	[tilespmem:s0+$0x10] =	vst v0  }
0x1a: {  	[tilespmem:s0+$0x20] =	vst v0  }
0x1b: {  	[dreg:$0x8] =	wrdreg s8;
	s8 =	sand.u32 $0xFFE0, s4;
	s2 =	simm.s32 $0xA0;
	[tilespmem:s0+$0xFFFFFFB0] =	vst v0  }
.LBB2_2:
0x1c: {  	p0 =	sne.s32 s2, $0x5D20;
	[tilespmem:s8+$0x80] =	vst v0  }
0x1d: {  	[tilespmem:s0+$0x40] =	vst v0;
	s0 =	sadd.s32 $0xA0, s0  }
0x1e: {  	[tilespmem:s0+$0xFFFFFFC0] =	vst v0  }
0x1f: {  	[tilespmem:s0+$0xFFFFFFD0] =	vst v0  }
0x20: {  	[tilespmem:s0+$0xFFFFFFE0] =	vst v0  }
.Ltmp0:
0x21: {  	[tilespmem:s0+$0xFFFFFFF0] =	vst v0;
	(pc) =	sbr.rel @p0 .LBB2_2-.Ltmp0, $4  }
0x22: {  	[tilespmem:s0+$0x0] =	vst v0  }
0x23: {  	[tilespmem:s0+$0x10] =	vst v0  }
0x24: {  	[tilespmem:s0+$0x20] =	vst v0  }
0x25: {  	s8 =	sand.u32 $0xFFE0, s2;
	s2 =	sadd.s32 $0xA0, s2;
	[tilespmem:s0+$0xFFFFFFB0] =	vst v0  }
0x26: {  	[tilespmem:s8+$0x80] =	vst v0  }
0x27: {  	s21 =	simm.s32 $0x0;
	s22 =	simm.s32 $0x0;
	[tilespmem:s0+$0x40] =	vst v0  }
.LBB2_4:
0x28: {  	s23 =	sshll.u32 s22, $0x6  }
0x29: {  	_ =	swait.ge [sflag:s6], $0x4000;
	s0 =	sadd.s32 s23, s7  }
0x2a: {  	[sflag:s6] =	ssyncset.done $0x0;
	s0 =	sshll.u32 s0, $0x9  }
0x2b: {  	[sflag:s6] =	ssyncadd.s32 $0xFFFFC000;
	s0 =	sadd.s32 s5, s0  }
0x2c: {  	_ =	swait.ge [sflag:s6], $0x4000;
	s0 =	sadd.s32 $0x4000, s0  }
0x2d: {  	[sflag:s6] =	ssyncset.done $0x0;
	s0 =	sshrl.u32 s0, $0x3  }
0x2e: {  	[sflag:s6] =	ssyncadd.s32 $0xFFFFC000;
	s2 =	sadd.s32 s1, s0  }
0x2f: {  	[tilespmem:s11], [sflag:$0x2] =	stream.linear.gather [hbm4b:s2+s21], $0x4000, $0x38;
	[tilespmem:$0x1F600] =	vst v63  }
0x30: {  	s8 =	sand.u32 $0x380, s21;
	s2 =	sand.u32 $0x3000, s21  }
0x31: {  	s0 =	sadd.s32 s3, s0;
	s24 =	sor.u32 s8, s2  }
0x32: {  	[tilespmem:s16], [sflag:$0x2] =	stream.linear.gather [hbm4b:s0+s21], $0x4000, $0x38;
	[tilespmem:$0x1F600] =	vst v63  }
0x33: {  	v2 =	vld [tilespmem:s24+$0x17600];
	_ =	sdelay $0x1  }
0x34: {  	v3 =	vld [tilespmem:s24+$0xF600];
	_ =	sdelay $0x2  }
0x35: {  	v2 =	vmul.u32 $0xA0, v2;
	_ =	sdelay $0x1  }
0x36: {  	v2 =	vadd.s32 v3, v2;
	_ =	sdelay $0x4  }
0x37: {  	[tilespmem:v2+s4+$0x0] =	vst.idx.add.s32.msk $0xffff, v1  }
0x38: {  	v2 =	vld [tilespmem:s24+$0x17610];
	_ =	sdelay $0x1  }
0x39: {  	v3 =	vld [tilespmem:s24+$0xF610];
	_ =	sdelay $0x2  }
0x3a: {  	v2 =	vmul.u32 $0xA0, v2;
	_ =	sdelay $0x1  }
0x3b: {  	v2 =	vadd.s32 v3, v2;
	_ =	sdelay $0x4  }
0x3c: {  	[tilespmem:v2+s4+$0x0] =	vst.idx.add.s32.msk $0xffff, v1  }
0x3d: {  	v2 =	vld [tilespmem:s24+$0x17620];
	_ =	sdelay $0x1  }
0x3e: {  	v3 =	vld [tilespmem:s24+$0xF620];
	_ =	sdelay $0x2  }
0x3f: {  	v2 =	vmul.u32 $0xA0, v2;
	_ =	sdelay $0x1  }
0x40: {  	v2 =	vadd.s32 v3, v2;
	_ =	sdelay $0x4  }
0x41: {  	[tilespmem:v2+s4+$0x0] =	vst.idx.add.s32.msk $0xffff, v1  }
0x42: {  	v2 =	vld [tilespmem:s24+$0x17630];
	_ =	sdelay $0x1  }
0x43: {  	v3 =	vld [tilespmem:s24+$0xF630];
	_ =	sdelay $0x2  }
0x44: {  	v2 =	vmul.u32 $0xA0, v2;
	_ =	sdelay $0x1  }
0x45: {  	v2 =	vadd.s32 v3, v2;
	_ =	sdelay $0x4  }
0x46: {  	[tilespmem:v2+s4+$0x0] =	vst.idx.add.s32.msk $0xffff, v1  }
0x47: {  	v2 =	vld [tilespmem:s24+$0x17640];
	_ =	sdelay $0x1  }
0x48: {  	v3 =	vld [tilespmem:s24+$0xF640];
	_ =	sdelay $0x2  }
0x49: {  	v2 =	vmul.u32 $0xA0, v2;
	_ =	sdelay $0x1  }
0x4a: {  	v2 =	vadd.s32 v3, v2;
	_ =	sdelay $0x4  }
0x4b: {  	[tilespmem:v2+s4+$0x0] =	vst.idx.add.s32.msk $0xffff, v1  }
0x4c: {  	v2 =	vld [tilespmem:s24+$0x17650];
	_ =	sdelay $0x1  }
0x4d: {  	v3 =	vld [tilespmem:s24+$0xF650];
	_ =	sdelay $0x2  }
0x4e: {  	v2 =	vmul.u32 $0xA0, v2;
	_ =	sdelay $0x1  }
0x4f: {  	v2 =	vadd.s32 v3, v2;
	_ =	sdelay $0x4  }
0x50: {  	[tilespmem:v2+s4+$0x0] =	vst.idx.add.s32.msk $0xffff, v1  }
0x51: {  	v2 =	vld [tilespmem:s24+$0x17660];
	_ =	sdelay $0x1  }
0x52: {  	v3 =	vld [tilespmem:s24+$0xF660];
	_ =	sdelay $0x2  }
0x53: {  	v2 =	vmul.u32 $0xA0, v2;
	_ =	sdelay $0x1  }
0x54: {  	v2 =	vadd.s32 v3, v2;
	_ =	sdelay $0x4  }
0x55: {  	[tilespmem:v2+s4+$0x0] =	vst.idx.add.s32.msk $0xffff, v1  }
0x56: {  	v2 =	vld [tilespmem:s24+$0x17670];
	_ =	sdelay $0x1  }
0x57: {  	v3 =	vld [tilespmem:s24+$0xF670];
	_ =	sdelay $0x1  }
0x58: {  	s9 =	simm.s32 $0x80;
	s12 =	simm.s32 $0x200  }
0x59: {  	s2 =	sand.u32 $0x3000, s12;
	s0 =	sand.u32 $0x380, s9;
	v2 =	vmul.u32 $0xA0, v2  }
0x5a: {  	s25 =	sor.u32 s0, s2  }
0x5b: {  	v4 =	vld [tilespmem:s25+$0x17600];
	v2 =	vadd.s32 v3, v2;
	_ =	sdelay $0x1  }
0x5c: {  	v3 =	vld [tilespmem:s25+$0xF600];
	_ =	sdelay $0x2  }
0x5d: {  	v4 =	vmul.u32 $0xA0, v4;
	[tilespmem:v2+s4+$0x0] =	vst.idx.add.s32.msk $0xffff, v1  }
0x5e: {  	v2 =	vld [tilespmem:s24+$0x17A00]  }
0x5f: {  	v3 =	vadd.s32 v3, v4  }
0x60: {  	v4 =	vld [tilespmem:s24+$0xFA00];
	_ =	sdelay $0x2  }
0x61: {  	v2 =	vmul.u32 $0xA0, v2  }
0x62: {  	[tilespmem:v3+s4+$0x0] =	vst.idx.add.s32.msk $0xffff, v1  }
0x63: {  	v3 =	vld [tilespmem:s25+$0x17610];
	v2 =	vadd.s32 v4, v2;
	_ =	sdelay $0x1  }
0x64: {  	v4 =	vld [tilespmem:s25+$0xF610];
	_ =	sdelay $0x2  }
0x65: {  	v3 =	vmul.u32 $0xA0, v3;
	[tilespmem:v2+s4+$0x0] =	vst.idx.add.s32.msk $0xffff, v1  }
0x66: {  	v2 =	vld [tilespmem:s24+$0x17A10]  }
0x67: {  	v3 =	vadd.s32 v4, v3  }
0x68: {  	v4 =	vld [tilespmem:s24+$0xFA10];
	_ =	sdelay $0x2  }
0x69: {  	v2 =	vmul.u32 $0xA0, v2  }
0x6a: {  	[tilespmem:v3+s4+$0x0] =	vst.idx.add.s32.msk $0xffff, v1  }
0x6b: {  	v3 =	vld [tilespmem:s25+$0x17620];
	v2 =	vadd.s32 v4, v2;
	_ =	sdelay $0x1  }
0x6c: {  	v4 =	vld [tilespmem:s25+$0xF620];
	_ =	sdelay $0x2  }
0x6d: {  	v3 =	vmul.u32 $0xA0, v3;
	[tilespmem:v2+s4+$0x0] =	vst.idx.add.s32.msk $0xffff, v1  }
0x6e: {  	v2 =	vld [tilespmem:s24+$0x17A20]  }
0x6f: {  	v3 =	vadd.s32 v4, v3  }
0x70: {  	v4 =	vld [tilespmem:s24+$0xFA20];
	_ =	sdelay $0x2  }
0x71: {  	v2 =	vmul.u32 $0xA0, v2  }
0x72: {  	[tilespmem:v3+s4+$0x0] =	vst.idx.add.s32.msk $0xffff, v1  }
0x73: {  	v3 =	vld [tilespmem:s25+$0x17630];
	v2 =	vadd.s32 v4, v2;
	_ =	sdelay $0x1  }
0x74: {  	v4 =	vld [tilespmem:s25+$0xF630];
	_ =	sdelay $0x2  }
0x75: {  	v3 =	vmul.u32 $0xA0, v3;
	[tilespmem:v2+s4+$0x0] =	vst.idx.add.s32.msk $0xffff, v1  }
0x76: {  	v2 =	vld [tilespmem:s24+$0x17A30]  }
0x77: {  	v3 =	vadd.s32 v4, v3  }
0x78: {  	v4 =	vld [tilespmem:s24+$0xFA30];
	_ =	sdelay $0x2  }
0x79: {  	v2 =	vmul.u32 $0xA0, v2  }
0x7a: {  	[tilespmem:v3+s4+$0x0] =	vst.idx.add.s32.msk $0xffff, v1  }
0x7b: {  	v3 =	vld [tilespmem:s25+$0x17640];
	v2 =	vadd.s32 v4, v2;
	_ =	sdelay $0x1  }
0x7c: {  	v4 =	vld [tilespmem:s25+$0xF640];
	_ =	sdelay $0x2  }
0x7d: {  	v3 =	vmul.u32 $0xA0, v3;
	[tilespmem:v2+s4+$0x0] =	vst.idx.add.s32.msk $0xffff, v1  }
0x7e: {  	v2 =	vld [tilespmem:s24+$0x17A40]  }
0x7f: {  	v3 =	vadd.s32 v4, v3  }
0x80: {  	v4 =	vld [tilespmem:s24+$0xFA40];
	_ =	sdelay $0x2  }
0x81: {  	v2 =	vmul.u32 $0xA0, v2  }
0x82: {  	[tilespmem:v3+s4+$0x0] =	vst.idx.add.s32.msk $0xffff, v1  }
0x83: {  	v3 =	vld [tilespmem:s25+$0x17650];
	v2 =	vadd.s32 v4, v2;
	_ =	sdelay $0x1  }
0x84: {  	v4 =	vld [tilespmem:s25+$0xF650];
	_ =	sdelay $0x2  }
0x85: {  	v3 =	vmul.u32 $0xA0, v3;
	[tilespmem:v2+s4+$0x0] =	vst.idx.add.s32.msk $0xffff, v1  }
0x86: {  	v2 =	vld [tilespmem:s24+$0x17A50]  }
0x87: {  	v3 =	vadd.s32 v4, v3  }
0x88: {  	v4 =	vld [tilespmem:s24+$0xFA50];
	_ =	sdelay $0x2  }
0x89: {  	v2 =	vmul.u32 $0xA0, v2  }
0x8a: {  	[tilespmem:v3+s4+$0x0] =	vst.idx.add.s32.msk $0xffff, v1  }
0x8b: {  	v3 =	vld [tilespmem:s25+$0x17660];
	v2 =	vadd.s32 v4, v2;
	_ =	sdelay $0x1  }
0x8c: {  	v4 =	vld [tilespmem:s25+$0xF660];
	_ =	sdelay $0x2  }
0x8d: {  	v3 =	vmul.u32 $0xA0, v3;
	[tilespmem:v2+s4+$0x0] =	vst.idx.add.s32.msk $0xffff, v1  }
0x8e: {  	v2 =	vld [tilespmem:s24+$0x17A60]  }
0x8f: {  	s13 =	simm.s32 $0x100;
	s14 =	simm.s32 $0x400;
	v3 =	vadd.s32 v4, v3  }
0x90: {  	s2 =	sand.u32 $0x3000, s14;
	s0 =	sand.u32 $0x380, s13;
	v4 =	vld [tilespmem:s24+$0xFA60]  }
0x91: {  	s26 =	sor.u32 s0, s2  }
0x92: {  	v5 =	vld [tilespmem:s26+$0x17600]  }
0x93: {  	v6 =	vld [tilespmem:s26+$0xF600];
	v2 =	vmul.u32 $0xA0, v2  }
0x94: {  	[tilespmem:v3+s4+$0x0] =	vst.idx.add.s32.msk $0xffff, v1  }
0x95: {  	v3 =	vld [tilespmem:s25+$0x17670];
	v2 =	vadd.s32 v4, v2;
	_ =	sdelay $0x1  }
0x96: {  	v4 =	vmul.u32 $0xA0, v5;
	v5 =	vld [tilespmem:s25+$0xF670];
	_ =	sdelay $0x1  }
0x97: {  	v4 =	vadd.s32 v6, v4  }
0x98: {  	v3 =	vmul.u32 $0xA0, v3;
	[tilespmem:v2+s4+$0x0] =	vst.idx.add.s32.msk $0xffff, v1  }
0x99: {  	v2 =	vld [tilespmem:s24+$0x17A70]  }
0x9a: {  	v3 =	vadd.s32 v5, v3  }
0x9b: {  	v5 =	vld [tilespmem:s24+$0xFA70]  }
0x9c: {  	[tilespmem:v4+s4+$0x0] =	vst.idx.add.s32.msk $0xffff, v1  }
0x9d: {  	v4 =	vld [tilespmem:s26+$0x17610]  }
0x9e: {  	v6 =	vld [tilespmem:s26+$0xF610];
	v2 =	vmul.u32 $0xA0, v2  }
0x9f: {  	[tilespmem:v3+s4+$0x0] =	vst.idx.add.s32.msk $0xffff, v1  }
0xa0: {  	v3 =	vld [tilespmem:s25+$0x17A00];
	v2 =	vadd.s32 v5, v2;
	_ =	sdelay $0x1  }
0xa1: {  	v4 =	vmul.u32 $0xA0, v4;
	v5 =	vld [tilespmem:s25+$0xFA00];
	_ =	sdelay $0x1  }
0xa2: {  	v4 =	vadd.s32 v6, v4  }
0xa3: {  	v3 =	vmul.u32 $0xA0, v3;
	[tilespmem:v2+s4+$0x0] =	vst.idx.add.s32.msk $0xffff, v1  }
0xa4: {  	v2 =	vld [tilespmem:s24+$0x17E00]  }
0xa5: {  	v3 =	vadd.s32 v5, v3  }
0xa6: {  	v5 =	vld [tilespmem:s24+$0xFE00]  }
0xa7: {  	[tilespmem:v4+s4+$0x0] =	vst.idx.add.s32.msk $0xffff, v1  }
0xa8: {  	v4 =	vld [tilespmem:s26+$0x17620]  }
0xa9: {  	v6 =	vld [tilespmem:s26+$0xF620];
	v2 =	vmul.u32 $0xA0, v2  }
0xaa: {  	[tilespmem:v3+s4+$0x0] =	vst.idx.add.s32.msk $0xffff, v1  }
0xab: {  	v3 =	vld [tilespmem:s25+$0x17A10];
	v2 =	vadd.s32 v5, v2;
	_ =	sdelay $0x1  }
0xac: {  	v4 =	vmul.u32 $0xA0, v4;
	v5 =	vld [tilespmem:s25+$0xFA10];
	_ =	sdelay $0x1  }
0xad: {  	v4 =	vadd.s32 v6, v4  }
0xae: {  	v3 =	vmul.u32 $0xA0, v3;
	[tilespmem:v2+s4+$0x0] =	vst.idx.add.s32.msk $0xffff, v1  }
0xaf: {  	v2 =	vld [tilespmem:s24+$0x17E10]  }
0xb0: {  	v3 =	vadd.s32 v5, v3  }
0xb1: {  	v5 =	vld [tilespmem:s24+$0xFE10]  }
0xb2: {  	[tilespmem:v4+s4+$0x0] =	vst.idx.add.s32.msk $0xffff, v1  }
0xb3: {  	v4 =	vld [tilespmem:s26+$0x17630]  }
0xb4: {  	v6 =	vld [tilespmem:s26+$0xF630];
	v2 =	vmul.u32 $0xA0, v2  }
0xb5: {  	[tilespmem:v3+s4+$0x0] =	vst.idx.add.s32.msk $0xffff, v1  }
0xb6: {  	v3 =	vld [tilespmem:s25+$0x17A20];
	v2 =	vadd.s32 v5, v2;
	_ =	sdelay $0x1  }
0xb7: {  	v4 =	vmul.u32 $0xA0, v4;
	v5 =	vld [tilespmem:s25+$0xFA20];
	_ =	sdelay $0x1  }
0xb8: {  	v4 =	vadd.s32 v6, v4  }
0xb9: {  	v3 =	vmul.u32 $0xA0, v3;
	[tilespmem:v2+s4+$0x0] =	vst.idx.add.s32.msk $0xffff, v1  }
0xba: {  	v2 =	vld [tilespmem:s24+$0x17E20]  }
0xbb: {  	v3 =	vadd.s32 v5, v3  }
0xbc: {  	v5 =	vld [tilespmem:s24+$0xFE20]  }
0xbd: {  	[tilespmem:v4+s4+$0x0] =	vst.idx.add.s32.msk $0xffff, v1  }
0xbe: {  	v4 =	vld [tilespmem:s26+$0x17640]  }
0xbf: {  	v6 =	vld [tilespmem:s26+$0xF640];
	v2 =	vmul.u32 $0xA0, v2  }
0xc0: {  	[tilespmem:v3+s4+$0x0] =	vst.idx.add.s32.msk $0xffff, v1  }
0xc1: {  	v3 =	vld [tilespmem:s25+$0x17A30];
	v2 =	vadd.s32 v5, v2;
	_ =	sdelay $0x1  }
0xc2: {  	v4 =	vmul.u32 $0xA0, v4;
	v5 =	vld [tilespmem:s25+$0xFA30];
	_ =	sdelay $0x1  }
0xc3: {  	v4 =	vadd.s32 v6, v4  }
0xc4: {  	v3 =	vmul.u32 $0xA0, v3;
	[tilespmem:v2+s4+$0x0] =	vst.idx.add.s32.msk $0xffff, v1  }
0xc5: {  	v2 =	vld [tilespmem:s24+$0x17E30]  }
0xc6: {  	v3 =	vadd.s32 v5, v3  }
0xc7: {  	v5 =	vld [tilespmem:s24+$0xFE30]  }
0xc8: {  	[tilespmem:v4+s4+$0x0] =	vst.idx.add.s32.msk $0xffff, v1  }
0xc9: {  	v4 =	vld [tilespmem:s26+$0x17650]  }
0xca: {  	v6 =	vld [tilespmem:s26+$0xF650];
	v2 =	vmul.u32 $0xA0, v2  }
0xcb: {  	[tilespmem:v3+s4+$0x0] =	vst.idx.add.s32.msk $0xffff, v1  }
0xcc: {  	s15 =	simm.s32 $0x180;
	s18 =	simm.s32 $0x600;
	v3 =	vld [tilespmem:s25+$0x17A40];
	v2 =	vadd.s32 v5, v2  }
0xcd: {  	s2 =	sand.u32 $0x3000, s18;
	s0 =	sand.u32 $0x380, s15  }
0xce: {  	s28 =	sor.u32 s0, s2;
	v4 =	vmul.u32 $0xA0, v4;
	v5 =	vld [tilespmem:s25+$0xFA40]  }
0xcf: {  	v7 =	vld [tilespmem:s28+$0xF600]  }
0xd0: {  	v8 =	vld [tilespmem:s28+$0x17600];
	v4 =	vadd.s32 v6, v4  }
0xd1: {  	v3 =	vmul.u32 $0xA0, v3;
	[tilespmem:v2+s4+$0x0] =	vst.idx.add.s32.msk $0xffff, v1  }
0xd2: {  	v2 =	vld [tilespmem:s24+$0x17E40]  }
0xd3: {  	v3 =	vadd.s32 v5, v3  }
0xd4: {  	v5 =	vld [tilespmem:s24+$0xFE40]  }
0xd5: {  	v6 =	vmul.u32 $0xA0, v8;
	[tilespmem:v4+s4+$0x0] =	vst.idx.add.s32.msk $0xffff, v1  }
0xd6: {  	v4 =	vld [tilespmem:s26+$0x17660]  }
0xd7: {  	v6 =	vadd.s32 v7, v6;
	v7 =	vld [tilespmem:s26+$0xF660];
	v2 =	vmul.u32 $0xA0, v2  }
0xd8: {  	[tilespmem:v3+s4+$0x0] =	vst.idx.add.s32.msk $0xffff, v1  }
0xd9: {  	v3 =	vld [tilespmem:s25+$0x17A50];
	v2 =	vadd.s32 v5, v2;
	_ =	sdelay $0x1  }
0xda: {  	v4 =	vmul.u32 $0xA0, v4;
	v5 =	vld [tilespmem:s25+$0xFA50]  }
0xdb: {  	[tilespmem:v6+s4+$0x0] =	vst.idx.add.s32.msk $0xffff, v1  }
0xdc: {  	v6 =	vld [tilespmem:s28+$0xF610];
	v4 =	vadd.s32 v7, v4  }
0xdd: {  	v3 =	vmul.u32 $0xA0, v3;
	[tilespmem:v2+s4+$0x0] =	vst.idx.add.s32.msk $0xffff, v1  }
0xde: {  	v2 =	vld [tilespmem:s24+$0x17E50]  }
0xdf: {  	v7 =	vld [tilespmem:s28+$0x17610];
	v3 =	vadd.s32 v5, v3  }
0xe0: {  	v5 =	vld [tilespmem:s24+$0xFE50]  }
0xe1: {  	[tilespmem:v4+s4+$0x0] =	vst.idx.add.s32.msk $0xffff, v1  }
0xe2: {  	v4 =	vld [tilespmem:s26+$0x17670]  }
0xe3: {  	v8 =	vld [tilespmem:s26+$0xF670];
	v2 =	vmul.u32 $0xA0, v2  }
0xe4: {  	[tilespmem:v3+s4+$0x0] =	vst.idx.add.s32.msk $0xffff, v1  }
0xe5: {  	v3 =	vmul.u32 $0xA0, v7;
	v7 =	vld [tilespmem:s25+$0x17A60];
	v2 =	vadd.s32 v5, v2;
	_ =	sdelay $0x1  }
0xe6: {  	v3 =	vadd.s32 v6, v3;
	v4 =	vmul.u32 $0xA0, v4;
	v5 =	vld [tilespmem:s25+$0xFA60];
	_ =	sdelay $0x1  }
0xe7: {  	v4 =	vadd.s32 v8, v4  }
0xe8: {  	v6 =	vmul.u32 $0xA0, v7;
	[tilespmem:v2+s4+$0x0] =	vst.idx.add.s32.msk $0xffff, v1  }
0xe9: {  	v2 =	vld [tilespmem:s24+$0x17E60]  }
0xea: {  	[tilespmem:v3+s4+$0x0] =	vst.idx.add.s32.msk $0xffff, v1;
	v3 =	vadd.s32 v5, v6  }
0xeb: {  	v5 =	vld [tilespmem:s24+$0xFE60]  }
0xec: {  	[tilespmem:v4+s4+$0x0] =	vst.idx.add.s32.msk $0xffff, v1  }
0xed: {  	v4 =	vld [tilespmem:s26+$0x17A00]  }
0xee: {  	v6 =	vld [tilespmem:s26+$0xFA00];
	v2 =	vmul.u32 $0xA0, v2  }
0xef: {  	[tilespmem:v3+s4+$0x0] =	vst.idx.add.s32.msk $0xffff, v1  }
0xf0: {  	v3 =	vld [tilespmem:s25+$0x17A70];
	v2 =	vadd.s32 v5, v2  }
0xf1: {  	v7 =	vld [tilespmem:s25+$0xFA70]  }
0xf2: {  	v5 =	vld [tilespmem:s28+$0x17620];
	v4 =	vmul.u32 $0xA0, v4;
	_ =	sdelay $0x1  }
0xf3: {  	v8 =	vld [tilespmem:s28+$0xF620];
	v4 =	vadd.s32 v6, v4  }
0xf4: {  	v3 =	vmul.u32 $0xA0, v3;
	[tilespmem:v2+s4+$0x0] =	vst.idx.add.s32.msk $0xffff, v1  }
0xf5: {  	v2 =	vld [tilespmem:s24+$0x17E70]  }
0xf6: {  	v5 =	vmul.u32 $0xA0, v5;
	v3 =	vadd.s32 v7, v3  }
0xf7: {  	v6 =	vld [tilespmem:s24+$0xFE70]  }
0xf8: {  	v5 =	vadd.s32 v8, v5;
	[tilespmem:v4+s4+$0x0] =	vst.idx.add.s32.msk $0xffff, v1  }
0xf9: {  	v4 =	vld [tilespmem:s26+$0x17A10]  }
0xfa: {  	v7 =	vld [tilespmem:s26+$0xFA10];
	v2 =	vmul.u32 $0xA0, v2  }
0xfb: {  	[tilespmem:v3+s4+$0x0] =	vst.idx.add.s32.msk $0xffff, v1  }
0xfc: {  	v3 =	vld [tilespmem:s25+$0x17E00];
	v2 =	vadd.s32 v6, v2  }
0xfd: {  	[tilespmem:v5+s4+$0x0] =	vst.idx.add.s32.msk $0xffff, v1  }
0xfe: {  	v5 =	vld [tilespmem:s25+$0xFE00];
	v4 =	vmul.u32 $0xA0, v4  }
0xff: {  	v6 =	vld [tilespmem:s28+$0xF630]  }
0x100: {  	s19 =	simm.s32 $0x200;
	s20 =	simm.s32 $0x800;
	v4 =	vadd.s32 v7, v4;
	v7 =	vld [tilespmem:s28+$0x17630]  }
0x101: {  	s2 =	sand.u32 $0x3000, s20;
	s0 =	sand.u32 $0x380, s19;
	v3 =	vmul.u32 $0xA0, v3;
	[tilespmem:v2+s4+$0x0] =	vst.idx.add.s32.msk $0xffff, v1  }
0x102: {  	s29 =	sor.u32 s0, s2;
	v2 =	vld [tilespmem:s24+$0x18200]  }
0x103: {  	v8 =	vld [tilespmem:s29+$0xF600];
	v3 =	vadd.s32 v5, v3  }
0x104: {  	v5 =	vld [tilespmem:s24+$0x10200]  }
0x105: {  	[tilespmem:v4+s4+$0x0] =	vst.idx.add.s32.msk $0xffff, v1;
	v4 =	vmul.u32 $0xA0, v7  }
0x106: {  	v7 =	vld [tilespmem:s26+$0x17A20]  }
0x107: {  	v9 =	vld [tilespmem:s26+$0xFA20];
	v4 =	vadd.s32 v6, v4;
	v2 =	vmul.u32 $0xA0, v2  }
0x108: {  	[tilespmem:v3+s4+$0x0] =	vst.idx.add.s32.msk $0xffff, v1  }
0x109: {  	v3 =	vld [tilespmem:s25+$0x17E10];
	v2 =	vadd.s32 v5, v2  }
0x10a: {  	v5 =	vld [tilespmem:s29+$0x17600]  }
0x10b: {  	v6 =	vmul.u32 $0xA0, v7;
	v7 =	vld [tilespmem:s25+$0xFE10]  }
0x10c: {  	[tilespmem:v4+s4+$0x0] =	vst.idx.add.s32.msk $0xffff, v1  }
0x10d: {  	v4 =	vld [tilespmem:s28+$0x17640];
	v6 =	vadd.s32 v9, v6  }
0x10e: {  	v3 =	vmul.u32 $0xA0, v3;
	[tilespmem:v2+s4+$0x0] =	vst.idx.add.s32.msk $0xffff, v1  }
0x10f: {  	v2 =	vld [tilespmem:s24+$0x18210]  }
0x110: {  	v60 =	vld [tilespmem:s28+$0xF640];
	v3 =	vadd.s32 v7, v3  }
0x111: {  	v7 =	vld [tilespmem:s24+$0x10210]  }
0x112: {  	v5 =	vmul.u32 $0xA0, v5;
	[tilespmem:v6+s4+$0x0] =	vst.idx.add.s32.msk $0xffff, v1  }
0x113: {  	v4 =	vmul.u32 $0xA0, v4;
	v6 =	vld [tilespmem:s26+$0xFA30]  }
0x114: {  	v5 =	vadd.s32 v8, v5;
	v8 =	vld [tilespmem:s26+$0x17A30];
	v2 =	vmul.u32 $0xA0, v2  }
0x115: {  	v4 =	vadd.s32 v60, v4;
	[tilespmem:v3+s4+$0x0] =	vst.idx.add.s32.msk $0xffff, v1  }
0x116: {  	v3 =	vld [tilespmem:s25+$0x17E20];
	v2 =	vadd.s32 v7, v2;
	_ =	sdelay $0x1  }
0x117: {  	v7 =	vld [tilespmem:s25+$0xFE20]  }
0x118: {  	[tilespmem:v5+s4+$0x0] =	vst.idx.add.s32.msk $0xffff, v1;
	v5 =	vmul.u32 $0xA0, v8  }
0x119: {  	[tilespmem:v4+s4+$0x0] =	vst.idx.add.s32.msk $0xffff, v1  }
0x11a: {  	v4 =	vadd.s32 v6, v5;
	v3 =	vmul.u32 $0xA0, v3;
	[tilespmem:v2+s4+$0x0] =	vst.idx.add.s32.msk $0xffff, v1  }
0x11b: {  	v2 =	vld [tilespmem:s24+$0x18220]  }
0x11c: {  	v5 =	vld [tilespmem:s28+$0x17650];
	v3 =	vadd.s32 v7, v3  }
0x11d: {  	v6 =	vld [tilespmem:s24+$0x10220]  }
0x11e: {  	v7 =	vld [tilespmem:s28+$0xF650]  }
0x11f: {  	[tilespmem:v4+s4+$0x0] =	vst.idx.add.s32.msk $0xffff, v1  }
0x120: {  	v4 =	vld [tilespmem:s26+$0x17A40];
	v2 =	vmul.u32 $0xA0, v2  }
0x121: {  	[tilespmem:v3+s4+$0x0] =	vst.idx.add.s32.msk $0xffff, v1  }
0x122: {  	v3 =	vmul.u32 $0xA0, v5;
	v5 =	vld [tilespmem:s25+$0x17E30];
	v2 =	vadd.s32 v6, v2  }
0x123: {  	v6 =	vld [tilespmem:s26+$0xFA40]  }
0x124: {  	v3 =	vadd.s32 v7, v3;
	v7 =	vld [tilespmem:s25+$0xFE30]  }
0x125: {  	v8 =	vld [tilespmem:s29+$0xF610]  }
0x126: {  	v61 =	vld [tilespmem:s29+$0x17610];
	v4 =	vmul.u32 $0xA0, v4  }
0x127: {  	v5 =	vmul.u32 $0xA0, v5;
	[tilespmem:v2+s4+$0x0] =	vst.idx.add.s32.msk $0xffff, v1  }
0x128: {  	v2 =	vadd.s32 v6, v4;
	v4 =	vld [tilespmem:s24+$0x18230]  }
0x129: {  	[tilespmem:v3+s4+$0x0] =	vst.idx.add.s32.msk $0xffff, v1;
	v3 =	vadd.s32 v7, v5  }
0x12a: {  	v5 =	vld [tilespmem:s24+$0x10230]  }
0x12b: {  	v6 =	vld [tilespmem:s28+$0xF660]  }
0x12c: {  	v7 =	vld [tilespmem:s28+$0x17660]  }
0x12d: {  	[tilespmem:v2+s4+$0x0] =	vst.idx.add.s32.msk $0xffff, v1;
	v2 =	vmul.u32 $0xA0, v4  }
0x12e: {  	[tilespmem:v3+s4+$0x0] =	vst.idx.add.s32.msk $0xffff, v1;
	v3 =	vmul.u32 $0xA0, v61  }
0x12f: {  	v4 =	vld [tilespmem:s25+$0x17E40];
	v2 =	vadd.s32 v5, v2  }
0x130: {  	v3 =	vadd.s32 v8, v3;
	v8 =	vld [tilespmem:s25+$0xFE40]  }
0x131: {  	v7 =	vmul.u32 $0xA0, v7;
	v5 =	vld [tilespmem:s26+$0x17A50];
	_ =	sdelay $0x1  }
0x132: {  	v6 =	vadd.s32 v6, v7;
	v7 =	vld [tilespmem:s26+$0xFA50]  }
0x133: {  	v4 =	vmul.u32 $0xA0, v4;
	[tilespmem:v2+s4+$0x0] =	vst.idx.add.s32.msk $0xffff, v1  }
0x134: {  	v2 =	vld [tilespmem:s24+$0x18240]  }
0x135: {  	[tilespmem:v3+s4+$0x0] =	vst.idx.add.s32.msk $0xffff, v1;
	v3 =	vmul.u32 $0xA0, v5;
	v4 =	vadd.s32 v8, v4  }
0x136: {  	v5 =	vld [tilespmem:s24+$0x10240]  }
0x137: {  	[tilespmem:v6+s4+$0x0] =	vst.idx.add.s32.msk $0xffff, v1;
	v3 =	vadd.s32 v7, v3  }
0x138: {  	v6 =	vld [tilespmem:s28+$0xF670]  }
0x139: {  	v7 =	vld [tilespmem:s28+$0x17670];
	v2 =	vmul.u32 $0xA0, v2  }
0x13a: {  	[tilespmem:v4+s4+$0x0] =	vst.idx.add.s32.msk $0xffff, v1  }
0x13b: {  	v4 =	vld [tilespmem:s25+$0x17E50];
	v2 =	vadd.s32 v5, v2  }
0x13c: {  	[tilespmem:v3+s4+$0x0] =	vst.idx.add.s32.msk $0xffff, v1  }
0x13d: {  	v3 =	vld [tilespmem:s25+$0xFE50]  }
0x13e: {  	v5 =	vmul.u32 $0xA0, v7;
	v7 =	vld [tilespmem:s26+$0xFA60]  }
0x13f: {  	v8 =	vld [tilespmem:s26+$0x17A60]  }
0x140: {  	v5 =	vadd.s32 v6, v5;
	v4 =	vmul.u32 $0xA0, v4;
	[tilespmem:v2+s4+$0x0] =	vst.idx.add.s32.msk $0xffff, v1  }
0x141: {  	v2 =	vld [tilespmem:s24+$0x18250]  }
0x142: {  	v62 =	vld [tilespmem:s29+$0x17620];
	v3 =	vadd.s32 v3, v4  }
0x143: {  	v4 =	vld [tilespmem:s24+$0x10250]  }
0x144: {  	v6 =	vld [tilespmem:s29+$0xF620];
	v8 =	vmul.u32 $0xA0, v8  }
0x145: {  	[tilespmem:v5+s4+$0x0] =	vst.idx.add.s32.msk $0xffff, v1  }
0x146: {  	v7 =	vadd.s32 v7, v8;
	v5 =	vld [tilespmem:s28+$0x17A00];
	v2 =	vmul.u32 $0xA0, v2  }
0x147: {  	[tilespmem:v3+s4+$0x0] =	vst.idx.add.s32.msk $0xffff, v1  }
0x148: {  	v8 =	vld [tilespmem:s25+$0x17E60];
	v2 =	vadd.s32 v4, v2  }
0x149: {  	v10 =	vld [tilespmem:s28+$0xFA00]  }
0x14a: {  	v3 =	vld [tilespmem:s25+$0xFE60]  }
0x14b: {  	[tilespmem:v7+s4+$0x0] =	vst.idx.add.s32.msk $0xffff, v1;
	v4 =	vmul.u32 $0xA0, v62  }
0x14c: {  	v63 =	vmul.u32 $0xA0, v5;
	v5 =	vld [tilespmem:s26+$0x17A70]  }
0x14d: {  	v7 =	vadd.s32 v6, v4;
	v4 =	vmul.u32 $0xA0, v8;
	[tilespmem:v2+s4+$0x0] =	vst.idx.add.s32.msk $0xffff, v1  }
0x14e: {  	s30 =	simm.s32 $0x280;
	s31 =	simm.s32 $0xA00;
	v6 =	vadd.s32 v10, v63;
	v2 =	vld [tilespmem:s24+$0x18260]  }
.LBB2_5:
0x14f: {  	s0 =	sand.u32 $0x3000, s31;
	s2 =	sand.u32 $0x380, s30;
	p0 =	sne.s32 s31, $0x3E00;
	v8 =	vld [tilespmem:s26+$0xFA70];
	v3 =	vadd.s32 v3, v4  }
0x150: {  	s0 =	sor.u32 s2, s0;
	v4 =	vld [tilespmem:s24+$0x10260]  }
0x151: {  	v9 =	vld [tilespmem:s0+$0xF600]  }
0x152: {  	v5 =	vmul.u32 $0xA0, v5;
	[tilespmem:v7+s4+$0x0] =	vst.idx.add.s32.msk $0xffff, v1  }
0x153: {  	[tilespmem:v6+s4+$0x0] =	vst.idx.add.s32.msk $0xffff, v1;
	v2 =	vmul.u32 $0xA0, v2  }
0x154: {  	v5 =	vadd.s32 v8, v5;
	[tilespmem:v3+s4+$0x0] =	vst.idx.add.s32.msk $0xffff, v1  }
0x155: {  	v3 =	vld [tilespmem:s25+$0x17E70];
	v2 =	vadd.s32 v4, v2  }
0x156: {  	v4 =	vld [tilespmem:s28+$0x17A10]  }
0x157: {  	v6 =	vld [tilespmem:s25+$0xFE70]  }
0x158: {  	v7 =	vld [tilespmem:s28+$0xFA10]  }
0x159: {  	[tilespmem:v5+s4+$0x0] =	vst.idx.add.s32.msk $0xffff, v1  }
0x15a: {  	v3 =	vmul.u32 $0xA0, v3;
	[tilespmem:v2+s4+$0x0] =	vst.idx.add.s32.msk $0xffff, v1  }
0x15b: {  	v2 =	vld [tilespmem:s24+$0x18270]  }
0x15c: {  	v4 =	vmul.u32 $0xA0, v4;
	v5 =	vld [tilespmem:s26+$0x17E00];
	v3 =	vadd.s32 v6, v3  }
0x15d: {  	v6 =	vld [tilespmem:s24+$0x10270];
	s24 =	smov.u32 s25;
	s25 =	smov.u32 s26;
	s26 =	smov.u32 s28  }
0x15e: {  	v4 =	vadd.s32 v7, v4;
	s28 =	smov.u32 s29;
	s29 =	smov.u32 s0;
	v7 =	vld [tilespmem:s25+$0xFE00]  }
0x15f: {  	v8 =	vld [tilespmem:s28+$0xF630]  }
0x160: {  	v10 =	vld [tilespmem:s28+$0x17630];
	v2 =	vmul.u32 $0xA0, v2  }
0x161: {  	v5 =	vmul.u32 $0xA0, v5;
	[tilespmem:v3+s4+$0x0] =	vst.idx.add.s32.msk $0xffff, v1  }
0x162: {  	v3 =	vld [tilespmem:s24+$0x18200];
	v2 =	vadd.s32 v6, v2  }
0x163: {  	[tilespmem:v4+s4+$0x0] =	vst.idx.add.s32.msk $0xffff, v1;
	v4 =	vadd.s32 v7, v5  }
0x164: {  	v5 =	vld [tilespmem:s24+$0x10200]  }
0x165: {  	v6 =	vmul.u32 $0xA0, v10;
	v7 =	vld [tilespmem:s26+$0xFA20]  }
0x166: {  	v10 =	vld [tilespmem:s26+$0x17A20]  }
0x167: {  	v6 =	vadd.s32 v8, v6;
	v3 =	vmul.u32 $0xA0, v3;
	[tilespmem:v2+s4+$0x0] =	vst.idx.add.s32.msk $0xffff, v1  }
0x168: {  	[tilespmem:v4+s4+$0x0] =	vst.idx.add.s32.msk $0xffff, v1  }
0x169: {  	v2 =	vld [tilespmem:s25+$0x17E10];
	v3 =	vadd.s32 v5, v3  }
0x16a: {  	v4 =	vld [tilespmem:s29+$0x17600]  }
0x16b: {  	v5 =	vmul.u32 $0xA0, v10;
	v8 =	vld [tilespmem:s25+$0xFE10]  }
0x16c: {  	[tilespmem:v6+s4+$0x0] =	vst.idx.add.s32.msk $0xffff, v1  }
0x16d: {  	v6 =	vld [tilespmem:s28+$0x17640];
	v5 =	vadd.s32 v7, v5  }
0x16e: {  	v2 =	vmul.u32 $0xA0, v2;
	[tilespmem:v3+s4+$0x0] =	vst.idx.add.s32.msk $0xffff, v1  }
0x16f: {  	v3 =	vld [tilespmem:s24+$0x18210]  }
0x170: {  	v7 =	vld [tilespmem:s28+$0xF640];
	v2 =	vadd.s32 v8, v2  }
0x171: {  	v8 =	vld [tilespmem:s24+$0x10210]  }
0x172: {  	v4 =	vmul.u32 $0xA0, v4;
	[tilespmem:v5+s4+$0x0] =	vst.idx.add.s32.msk $0xffff, v1  }
0x173: {  	v5 =	vmul.u32 $0xA0, v6;
	v6 =	vld [tilespmem:s26+$0xFA30]  }
0x174: {  	v4 =	vadd.s32 v9, v4;
	v9 =	vld [tilespmem:s26+$0x17A30];
	v3 =	vmul.u32 $0xA0, v3  }
0x175: {  	v5 =	vadd.s32 v7, v5;
	[tilespmem:v2+s4+$0x0] =	vst.idx.add.s32.msk $0xffff, v1  }
0x176: {  	v2 =	vld [tilespmem:s25+$0x17E20];
	v3 =	vadd.s32 v8, v3;
	_ =	sdelay $0x1  }
0x177: {  	v7 =	vld [tilespmem:s25+$0xFE20]  }
0x178: {  	[tilespmem:v4+s4+$0x0] =	vst.idx.add.s32.msk $0xffff, v1;
	v4 =	vmul.u32 $0xA0, v9  }
0x179: {  	[tilespmem:v5+s4+$0x0] =	vst.idx.add.s32.msk $0xffff, v1  }
0x17a: {  	v4 =	vadd.s32 v6, v4;
	v2 =	vmul.u32 $0xA0, v2;
	[tilespmem:v3+s4+$0x0] =	vst.idx.add.s32.msk $0xffff, v1  }
0x17b: {  	v3 =	vld [tilespmem:s24+$0x18220]  }
0x17c: {  	v5 =	vld [tilespmem:s28+$0x17650];
	v2 =	vadd.s32 v7, v2  }
0x17d: {  	v6 =	vld [tilespmem:s24+$0x10220]  }
0x17e: {  	v7 =	vld [tilespmem:s28+$0xF650]  }
0x17f: {  	[tilespmem:v4+s4+$0x0] =	vst.idx.add.s32.msk $0xffff, v1  }
0x180: {  	v4 =	vld [tilespmem:s26+$0x17A40];
	v3 =	vmul.u32 $0xA0, v3  }
0x181: {  	[tilespmem:v2+s4+$0x0] =	vst.idx.add.s32.msk $0xffff, v1  }
0x182: {  	v2 =	vmul.u32 $0xA0, v5;
	v5 =	vld [tilespmem:s25+$0x17E30];
	v3 =	vadd.s32 v6, v3  }
0x183: {  	v6 =	vld [tilespmem:s26+$0xFA40]  }
0x184: {  	v2 =	vadd.s32 v7, v2;
	v7 =	vld [tilespmem:s25+$0xFE30]  }
0x185: {  	v8 =	vld [tilespmem:s29+$0xF610]  }
0x186: {  	v4 =	vmul.u32 $0xA0, v4;
	v9 =	vld [tilespmem:s29+$0x17610]  }
0x187: {  	v5 =	vmul.u32 $0xA0, v5;
	[tilespmem:v3+s4+$0x0] =	vst.idx.add.s32.msk $0xffff, v1  }
0x188: {  	v3 =	vadd.s32 v6, v4;
	v4 =	vld [tilespmem:s24+$0x18230]  }
0x189: {  	[tilespmem:v2+s4+$0x0] =	vst.idx.add.s32.msk $0xffff, v1;
	v2 =	vadd.s32 v7, v5  }
0x18a: {  	v5 =	vld [tilespmem:s24+$0x10230]  }
0x18b: {  	v6 =	vld [tilespmem:s28+$0xF660]  }
0x18c: {  	v7 =	vld [tilespmem:s28+$0x17660]  }
0x18d: {  	[tilespmem:v3+s4+$0x0] =	vst.idx.add.s32.msk $0xffff, v1;
	v3 =	vmul.u32 $0xA0, v4  }
0x18e: {  	[tilespmem:v2+s4+$0x0] =	vst.idx.add.s32.msk $0xffff, v1  }
0x18f: {  	v2 =	vmul.u32 $0xA0, v9;
	v4 =	vld [tilespmem:s25+$0x17E40];
	v3 =	vadd.s32 v5, v3  }
0x190: {  	v5 =	vld [tilespmem:s26+$0x17A50]  }
0x191: {  	v2 =	vadd.s32 v8, v2;
	v7 =	vmul.u32 $0xA0, v7;
	v8 =	vld [tilespmem:s25+$0xFE40];
	_ =	sdelay $0x1  }
0x192: {  	v6 =	vadd.s32 v6, v7;
	v7 =	vld [tilespmem:s26+$0xFA50]  }
0x193: {  	v4 =	vmul.u32 $0xA0, v4;
	[tilespmem:v3+s4+$0x0] =	vst.idx.add.s32.msk $0xffff, v1  }
0x194: {  	v3 =	vld [tilespmem:s24+$0x18240]  }
0x195: {  	[tilespmem:v2+s4+$0x0] =	vst.idx.add.s32.msk $0xffff, v1;
	v2 =	vmul.u32 $0xA0, v5;
	v4 =	vadd.s32 v8, v4  }
0x196: {  	v5 =	vld [tilespmem:s24+$0x10240]  }
0x197: {  	[tilespmem:v6+s4+$0x0] =	vst.idx.add.s32.msk $0xffff, v1;
	v2 =	vadd.s32 v7, v2  }
0x198: {  	v6 =	vld [tilespmem:s28+$0xF670]  }
0x199: {  	v7 =	vld [tilespmem:s28+$0x17670];
	v3 =	vmul.u32 $0xA0, v3  }
0x19a: {  	[tilespmem:v4+s4+$0x0] =	vst.idx.add.s32.msk $0xffff, v1  }
0x19b: {  	v4 =	vld [tilespmem:s25+$0x17E50];
	v3 =	vadd.s32 v5, v3  }
0x19c: {  	[tilespmem:v2+s4+$0x0] =	vst.idx.add.s32.msk $0xffff, v1  }
0x19d: {  	v2 =	vld [tilespmem:s25+$0xFE50]  }
0x19e: {  	v5 =	vmul.u32 $0xA0, v7;
	v7 =	vld [tilespmem:s26+$0xFA60]  }
0x19f: {  	v8 =	vld [tilespmem:s26+$0x17A60]  }
0x1a0: {  	v5 =	vadd.s32 v6, v5;
	v4 =	vmul.u32 $0xA0, v4;
	[tilespmem:v3+s4+$0x0] =	vst.idx.add.s32.msk $0xffff, v1  }
0x1a1: {  	v3 =	vld [tilespmem:s24+$0x18250]  }
0x1a2: {  	v6 =	vld [tilespmem:s29+$0xF620];
	v2 =	vadd.s32 v2, v4  }
0x1a3: {  	v4 =	vld [tilespmem:s24+$0x10250]  }
0x1a4: {  	v9 =	vld [tilespmem:s29+$0x17620];
	v8 =	vmul.u32 $0xA0, v8  }
0x1a5: {  	[tilespmem:v5+s4+$0x0] =	vst.idx.add.s32.msk $0xffff, v1  }
0x1a6: {  	v5 =	vld [tilespmem:s28+$0x17A00];
	v7 =	vadd.s32 v7, v8;
	v3 =	vmul.u32 $0xA0, v3  }
0x1a7: {  	[tilespmem:v2+s4+$0x0] =	vst.idx.add.s32.msk $0xffff, v1  }
0x1a8: {  	v2 =	vld [tilespmem:s25+$0x17E60];
	v8 =	vadd.s32 v4, v3  }
0x1a9: {  	v10 =	vld [tilespmem:s28+$0xFA00]  }
.Ltmp1:
0x1aa: {  	v3 =	vld [tilespmem:s25+$0xFE60];
	(pc) =	sbr.rel @p0 .LBB2_5-.Ltmp1, $4  }
0x1ab: {  	v4 =	vmul.u32 $0xA0, v9;
	[tilespmem:v7+s4+$0x0] =	vst.idx.add.s32.msk $0xffff, v1  }
0x1ac: {  	v9 =	vmul.u32 $0xA0, v5;
	v5 =	vld [tilespmem:s26+$0x17A70]  }
0x1ad: {  	v7 =	vadd.s32 v6, v4;
	v4 =	vmul.u32 $0xA0, v2;
	[tilespmem:v8+s4+$0x0] =	vst.idx.add.s32.msk $0xffff, v1  }
0x1ae: {  	s30 =	sadd.s32 $0x80, s30;
	s31 =	sadd.s32 $0x200, s31;
	v6 =	vadd.s32 v10, v9;
	v2 =	vld [tilespmem:s24+$0x18260]  }
0x1af: {  	_ =	sdelay $0x3  }
0x1b0: {  	[tilespmem:v7+s4+$0x0] =	vst.idx.add.s32.msk $0xffff, v1  }
0x1b1: {  	v7 =	vld [tilespmem:s29+$0x17630];
	_ =	sdelay $0x1  }
0x1b2: {  	v8 =	vld [tilespmem:s29+$0xF630];
	_ =	sdelay $0x2  }
0x1b3: {  	v7 =	vmul.u32 $0xA0, v7;
	_ =	sdelay $0x1  }
0x1b4: {  	v7 =	vadd.s32 v8, v7;
	_ =	sdelay $0x4  }
0x1b5: {  	[tilespmem:v7+s4+$0x0] =	vst.idx.add.s32.msk $0xffff, v1  }
0x1b6: {  	v7 =	vld [tilespmem:s29+$0x17640];
	_ =	sdelay $0x1  }
0x1b7: {  	v8 =	vld [tilespmem:s29+$0xF640];
	_ =	sdelay $0x2  }
0x1b8: {  	v7 =	vmul.u32 $0xA0, v7;
	_ =	sdelay $0x1  }
0x1b9: {  	v7 =	vadd.s32 v8, v7;
	_ =	sdelay $0x4  }
0x1ba: {  	[tilespmem:v7+s4+$0x0] =	vst.idx.add.s32.msk $0xffff, v1  }
0x1bb: {  	v7 =	vld [tilespmem:s29+$0x17650];
	_ =	sdelay $0x1  }
0x1bc: {  	v8 =	vld [tilespmem:s29+$0xF650];
	_ =	sdelay $0x2  }
0x1bd: {  	v7 =	vmul.u32 $0xA0, v7;
	_ =	sdelay $0x1  }
0x1be: {  	v7 =	vadd.s32 v8, v7;
	_ =	sdelay $0x4  }
0x1bf: {  	[tilespmem:v7+s4+$0x0] =	vst.idx.add.s32.msk $0xffff, v1  }
0x1c0: {  	v7 =	vld [tilespmem:s29+$0x17660];
	_ =	sdelay $0x1  }
0x1c1: {  	v8 =	vld [tilespmem:s29+$0xF660];
	_ =	sdelay $0x2  }
0x1c2: {  	v7 =	vmul.u32 $0xA0, v7;
	_ =	sdelay $0x1  }
0x1c3: {  	v7 =	vadd.s32 v8, v7;
	_ =	sdelay $0x4  }
0x1c4: {  	[tilespmem:v7+s4+$0x0] =	vst.idx.add.s32.msk $0xffff, v1  }
0x1c5: {  	v7 =	vld [tilespmem:s29+$0x17670];
	_ =	sdelay $0x1  }
0x1c6: {  	v8 =	vld [tilespmem:s29+$0xF670];
	_ =	sdelay $0x2  }
0x1c7: {  	v7 =	vmul.u32 $0xA0, v7;
	_ =	sdelay $0x1  }
0x1c8: {  	v7 =	vadd.s32 v8, v7;
	_ =	sdelay $0x4  }
0x1c9: {  	[tilespmem:v7+s4+$0x0] =	vst.idx.add.s32.msk $0xffff, v1  }
0x1ca: {  	v7 =	vld [tilespmem:s29+$0x17A00];
	_ =	sdelay $0x1  }
0x1cb: {  	v8 =	vld [tilespmem:s29+$0xFA00];
	_ =	sdelay $0x2  }
0x1cc: {  	[tilespmem:v6+s4+$0x0] =	vst.idx.add.s32.msk $0xffff, v1;
	v7 =	vmul.u32 $0xA0, v7  }
0x1cd: {  	v6 =	vld [tilespmem:s28+$0x17A10]  }
0x1ce: {  	v7 =	vadd.s32 v8, v7  }
0x1cf: {  	v8 =	vld [tilespmem:s28+$0xFA10];
	_ =	sdelay $0x2  }
0x1d0: {  	v6 =	vmul.u32 $0xA0, v6  }
0x1d1: {  	[tilespmem:v7+s4+$0x0] =	vst.idx.add.s32.msk $0xffff, v1  }
0x1d2: {  	v6 =	vadd.s32 v8, v6;
	v7 =	vld [tilespmem:s29+$0x17A10];
	_ =	sdelay $0x1  }
0x1d3: {  	v9 =	vld [tilespmem:s29+$0xFA10];
	_ =	sdelay $0x2  }
0x1d4: {  	[tilespmem:v6+s4+$0x0] =	vst.idx.add.s32.msk $0xffff, v1;
	v7 =	vmul.u32 $0xA0, v7  }
0x1d5: {  	v6 =	vld [tilespmem:s28+$0x17A20]  }
0x1d6: {  	v7 =	vadd.s32 v9, v7  }
0x1d7: {  	v8 =	vld [tilespmem:s28+$0xFA20];
	_ =	sdelay $0x2  }
0x1d8: {  	v6 =	vmul.u32 $0xA0, v6  }
0x1d9: {  	[tilespmem:v7+s4+$0x0] =	vst.idx.add.s32.msk $0xffff, v1  }
0x1da: {  	v6 =	vadd.s32 v8, v6;
	v7 =	vld [tilespmem:s29+$0x17A20];
	_ =	sdelay $0x1  }
0x1db: {  	v44 =	vld [tilespmem:s29+$0xFA20];
	_ =	sdelay $0x2  }
0x1dc: {  	[tilespmem:v6+s4+$0x0] =	vst.idx.add.s32.msk $0xffff, v1;
	v7 =	vmul.u32 $0xA0, v7  }
0x1dd: {  	v6 =	vld [tilespmem:s28+$0x17A30]  }
0x1de: {  	v7 =	vadd.s32 v44, v7  }
0x1df: {  	v8 =	vld [tilespmem:s28+$0xFA30];
	_ =	sdelay $0x2  }
0x1e0: {  	v6 =	vmul.u32 $0xA0, v6  }
0x1e1: {  	[tilespmem:v7+s4+$0x0] =	vst.idx.add.s32.msk $0xffff, v1  }
0x1e2: {  	v6 =	vadd.s32 v8, v6;
	v7 =	vld [tilespmem:s29+$0x17A30];
	_ =	sdelay $0x1  }
0x1e3: {  	v45 =	vld [tilespmem:s29+$0xFA30];
	_ =	sdelay $0x2  }
0x1e4: {  	[tilespmem:v6+s4+$0x0] =	vst.idx.add.s32.msk $0xffff, v1;
	v7 =	vmul.u32 $0xA0, v7  }
0x1e5: {  	v6 =	vld [tilespmem:s28+$0x17A40]  }
0x1e6: {  	v7 =	vadd.s32 v45, v7  }
0x1e7: {  	v8 =	vld [tilespmem:s28+$0xFA40];
	_ =	sdelay $0x2  }
0x1e8: {  	v6 =	vmul.u32 $0xA0, v6  }
0x1e9: {  	[tilespmem:v7+s4+$0x0] =	vst.idx.add.s32.msk $0xffff, v1  }
0x1ea: {  	v6 =	vadd.s32 v8, v6;
	v7 =	vld [tilespmem:s29+$0x17A40];
	_ =	sdelay $0x1  }
0x1eb: {  	v46 =	vld [tilespmem:s29+$0xFA40];
	_ =	sdelay $0x2  }
0x1ec: {  	[tilespmem:v6+s4+$0x0] =	vst.idx.add.s32.msk $0xffff, v1;
	v7 =	vmul.u32 $0xA0, v7  }
0x1ed: {  	v6 =	vld [tilespmem:s28+$0x17A50]  }
0x1ee: {  	v7 =	vadd.s32 v46, v7  }
0x1ef: {  	v8 =	vld [tilespmem:s28+$0xFA50];
	_ =	sdelay $0x2  }
0x1f0: {  	v6 =	vmul.u32 $0xA0, v6  }
0x1f1: {  	[tilespmem:v7+s4+$0x0] =	vst.idx.add.s32.msk $0xffff, v1  }
0x1f2: {  	v6 =	vadd.s32 v8, v6;
	v7 =	vld [tilespmem:s29+$0x17A50];
	_ =	sdelay $0x1  }
0x1f3: {  	v47 =	vld [tilespmem:s29+$0xFA50];
	_ =	sdelay $0x2  }
0x1f4: {  	[tilespmem:v6+s4+$0x0] =	vst.idx.add.s32.msk $0xffff, v1;
	v7 =	vmul.u32 $0xA0, v7  }
0x1f5: {  	v6 =	vld [tilespmem:s28+$0x17A60]  }
0x1f6: {  	v7 =	vadd.s32 v47, v7  }
0x1f7: {  	v8 =	vld [tilespmem:s28+$0xFA60];
	_ =	sdelay $0x2  }
0x1f8: {  	v6 =	vmul.u32 $0xA0, v6  }
0x1f9: {  	[tilespmem:v7+s4+$0x0] =	vst.idx.add.s32.msk $0xffff, v1  }
0x1fa: {  	v6 =	vadd.s32 v8, v6;
	v7 =	vld [tilespmem:s29+$0x17A60];
	_ =	sdelay $0x1  }
0x1fb: {  	v48 =	vld [tilespmem:s29+$0xFA60];
	_ =	sdelay $0x1  }
0x1fc: {  	v8 =	vld [tilespmem:s26+$0xFA70]  }
0x1fd: {  	[tilespmem:v6+s4+$0x0] =	vst.idx.add.s32.msk $0xffff, v1;
	v7 =	vmul.u32 $0xA0, v7  }
0x1fe: {  	v6 =	vld [tilespmem:s28+$0x17A70]  }
0x1ff: {  	v7 =	vadd.s32 v48, v7  }
0x200: {  	v49 =	vld [tilespmem:s28+$0xFA70]  }
0x201: {  	v5 =	vmul.u32 $0xA0, v5;
	_ =	sdelay $0x1  }
0x202: {  	v5 =	vadd.s32 v8, v5;
	v6 =	vmul.u32 $0xA0, v6  }
0x203: {  	[tilespmem:v7+s4+$0x0] =	vst.idx.add.s32.msk $0xffff, v1  }
0x204: {  	v6 =	vadd.s32 v49, v6;
	v7 =	vld [tilespmem:s29+$0x17A70];
	_ =	sdelay $0x1  }
0x205: {  	v8 =	vld [tilespmem:s29+$0xFA70]  }
0x206: {  	[tilespmem:v5+s4+$0x0] =	vst.idx.add.s32.msk $0xffff, v1  }
0x207: {  	v5 =	vld [tilespmem:s26+$0x17E00]  }
0x208: {  	[tilespmem:v6+s4+$0x0] =	vst.idx.add.s32.msk $0xffff, v1;
	v7 =	vmul.u32 $0xA0, v7  }
0x209: {  	v6 =	vld [tilespmem:s28+$0x17E00]  }
0x20a: {  	v7 =	vadd.s32 v8, v7;
	v8 =	vld [tilespmem:s26+$0xFE00]  }
0x20b: {  	v50 =	vld [tilespmem:s28+$0xFE00];
	_ =	sdelay $0x1  }
0x20c: {  	v5 =	vmul.u32 $0xA0, v5  }
0x20d: {  	v6 =	vmul.u32 $0xA0, v6  }
0x20e: {  	v5 =	vadd.s32 v8, v5  }
0x20f: {  	[tilespmem:v7+s4+$0x0] =	vst.idx.add.s32.msk $0xffff, v1;
	v6 =	vadd.s32 v50, v6  }
0x210: {  	v7 =	vld [tilespmem:s29+$0x17E00];
	_ =	sdelay $0x1  }
0x211: {  	v8 =	vld [tilespmem:s29+$0xFE00]  }
0x212: {  	[tilespmem:v5+s4+$0x0] =	vst.idx.add.s32.msk $0xffff, v1  }
0x213: {  	[tilespmem:v6+s4+$0x0] =	vst.idx.add.s32.msk $0xffff, v1  }
0x214: {  	v7 =	vmul.u32 $0xA0, v7;
	v5 =	vld [tilespmem:s26+$0x17E10]  }
0x215: {  	v6 =	vld [tilespmem:s28+$0x17E10]  }
0x216: {  	v7 =	vadd.s32 v8, v7;
	v8 =	vld [tilespmem:s26+$0xFE10]  }
0x217: {  	v51 =	vld [tilespmem:s28+$0xFE10];
	_ =	sdelay $0x1  }
0x218: {  	v5 =	vmul.u32 $0xA0, v5  }
0x219: {  	v6 =	vmul.u32 $0xA0, v6  }
0x21a: {  	v5 =	vadd.s32 v8, v5  }
0x21b: {  	[tilespmem:v7+s4+$0x0] =	vst.idx.add.s32.msk $0xffff, v1;
	v6 =	vadd.s32 v51, v6  }
0x21c: {  	v7 =	vld [tilespmem:s29+$0x17E10];
	_ =	sdelay $0x1  }
0x21d: {  	v8 =	vld [tilespmem:s29+$0xFE10]  }
0x21e: {  	[tilespmem:v5+s4+$0x0] =	vst.idx.add.s32.msk $0xffff, v1  }
0x21f: {  	[tilespmem:v6+s4+$0x0] =	vst.idx.add.s32.msk $0xffff, v1  }
0x220: {  	v7 =	vmul.u32 $0xA0, v7;
	v5 =	vld [tilespmem:s26+$0x17E20]  }
0x221: {  	v6 =	vld [tilespmem:s28+$0x17E20]  }
0x222: {  	v7 =	vadd.s32 v8, v7;
	v8 =	vld [tilespmem:s26+$0xFE20]  }
0x223: {  	v52 =	vld [tilespmem:s28+$0xFE20];
	_ =	sdelay $0x1  }
0x224: {  	v5 =	vmul.u32 $0xA0, v5  }
0x225: {  	v6 =	vmul.u32 $0xA0, v6  }
0x226: {  	v5 =	vadd.s32 v8, v5  }
0x227: {  	[tilespmem:v7+s4+$0x0] =	vst.idx.add.s32.msk $0xffff, v1;
	v6 =	vadd.s32 v52, v6  }
0x228: {  	v7 =	vld [tilespmem:s29+$0x17E20];
	_ =	sdelay $0x1  }
0x229: {  	v8 =	vld [tilespmem:s29+$0xFE20]  }
0x22a: {  	[tilespmem:v5+s4+$0x0] =	vst.idx.add.s32.msk $0xffff, v1  }
0x22b: {  	[tilespmem:v6+s4+$0x0] =	vst.idx.add.s32.msk $0xffff, v1  }
0x22c: {  	v7 =	vmul.u32 $0xA0, v7;
	v5 =	vld [tilespmem:s26+$0x17E30]  }
0x22d: {  	v6 =	vld [tilespmem:s28+$0x17E30]  }
0x22e: {  	v7 =	vadd.s32 v8, v7;
	v8 =	vld [tilespmem:s26+$0xFE30]  }
0x22f: {  	v53 =	vld [tilespmem:s28+$0xFE30];
	_ =	sdelay $0x1  }
0x230: {  	v5 =	vmul.u32 $0xA0, v5  }
0x231: {  	v6 =	vmul.u32 $0xA0, v6  }
0x232: {  	v5 =	vadd.s32 v8, v5  }
0x233: {  	[tilespmem:v7+s4+$0x0] =	vst.idx.add.s32.msk $0xffff, v1;
	v6 =	vadd.s32 v53, v6  }
0x234: {  	v7 =	vld [tilespmem:s29+$0x17E30];
	_ =	sdelay $0x1  }
0x235: {  	v8 =	vld [tilespmem:s29+$0xFE30]  }
0x236: {  	[tilespmem:v5+s4+$0x0] =	vst.idx.add.s32.msk $0xffff, v1  }
0x237: {  	[tilespmem:v6+s4+$0x0] =	vst.idx.add.s32.msk $0xffff, v1  }
0x238: {  	v7 =	vmul.u32 $0xA0, v7;
	v5 =	vld [tilespmem:s26+$0x17E40]  }
0x239: {  	v6 =	vld [tilespmem:s28+$0x17E40]  }
0x23a: {  	v7 =	vadd.s32 v8, v7;
	v8 =	vld [tilespmem:s26+$0xFE40]  }
0x23b: {  	v54 =	vld [tilespmem:s28+$0xFE40];
	_ =	sdelay $0x1  }
0x23c: {  	v5 =	vmul.u32 $0xA0, v5  }
0x23d: {  	v6 =	vmul.u32 $0xA0, v6  }
0x23e: {  	v5 =	vadd.s32 v8, v5  }
0x23f: {  	[tilespmem:v7+s4+$0x0] =	vst.idx.add.s32.msk $0xffff, v1;
	v6 =	vadd.s32 v54, v6  }
0x240: {  	v7 =	vld [tilespmem:s29+$0x17E40];
	_ =	sdelay $0x1  }
0x241: {  	v8 =	vld [tilespmem:s29+$0xFE40]  }
0x242: {  	[tilespmem:v5+s4+$0x0] =	vst.idx.add.s32.msk $0xffff, v1  }
0x243: {  	[tilespmem:v6+s4+$0x0] =	vst.idx.add.s32.msk $0xffff, v1  }
0x244: {  	v7 =	vmul.u32 $0xA0, v7;
	v5 =	vld [tilespmem:s26+$0x17E50]  }
0x245: {  	v6 =	vld [tilespmem:s28+$0x17E50]  }
0x246: {  	v7 =	vadd.s32 v8, v7;
	v8 =	vld [tilespmem:s26+$0xFE50]  }
0x247: {  	v55 =	vld [tilespmem:s28+$0xFE50];
	_ =	sdelay $0x1  }
0x248: {  	v5 =	vmul.u32 $0xA0, v5  }
0x249: {  	v6 =	vmul.u32 $0xA0, v6  }
0x24a: {  	v5 =	vadd.s32 v8, v5  }
0x24b: {  	[tilespmem:v7+s4+$0x0] =	vst.idx.add.s32.msk $0xffff, v1;
	v6 =	vadd.s32 v55, v6  }
0x24c: {  	v7 =	vld [tilespmem:s29+$0x17E50];
	_ =	sdelay $0x1  }
0x24d: {  	v8 =	vld [tilespmem:s29+$0xFE50]  }
0x24e: {  	[tilespmem:v5+s4+$0x0] =	vst.idx.add.s32.msk $0xffff, v1  }
0x24f: {  	[tilespmem:v6+s4+$0x0] =	vst.idx.add.s32.msk $0xffff, v1  }
0x250: {  	v7 =	vmul.u32 $0xA0, v7;
	v5 =	vld [tilespmem:s26+$0x17E60]  }
0x251: {  	v3 =	vadd.s32 v3, v4;
	v6 =	vld [tilespmem:s28+$0x17E60]  }
0x252: {  	v7 =	vadd.s32 v8, v7;
	v8 =	vld [tilespmem:s26+$0xFE60]  }
0x253: {  	v4 =	vld [tilespmem:s28+$0xFE60];
	_ =	sdelay $0x1  }
0x254: {  	v5 =	vmul.u32 $0xA0, v5  }
0x255: {  	[tilespmem:v3+s4+$0x0] =	vst.idx.add.s32.msk $0xffff, v1;
	v6 =	vmul.u32 $0xA0, v6  }
0x256: {  	v3 =	vld [tilespmem:s25+$0x17E70];
	v5 =	vadd.s32 v8, v5  }
0x257: {  	[tilespmem:v7+s4+$0x0] =	vst.idx.add.s32.msk $0xffff, v1;
	v4 =	vadd.s32 v4, v6  }
0x258: {  	v7 =	vld [tilespmem:s29+$0x17E60]  }
0x259: {  	v6 =	vld [tilespmem:s25+$0xFE70]  }
0x25a: {  	v8 =	vld [tilespmem:s29+$0xFE60]  }
0x25b: {  	[tilespmem:v5+s4+$0x0] =	vst.idx.add.s32.msk $0xffff, v1  }
0x25c: {  	v3 =	vmul.u32 $0xA0, v3;
	[tilespmem:v4+s4+$0x0] =	vst.idx.add.s32.msk $0xffff, v1  }
0x25d: {  	v7 =	vmul.u32 $0xA0, v7;
	v5 =	vld [tilespmem:s26+$0x17E70]  }
0x25e: {  	v3 =	vadd.s32 v6, v3;
	v4 =	vld [tilespmem:s28+$0x17E70]  }
0x25f: {  	v7 =	vadd.s32 v8, v7;
	v8 =	vld [tilespmem:s26+$0xFE70]  }
0x260: {  	v6 =	vld [tilespmem:s28+$0xFE70];
	_ =	sdelay $0x1  }
0x261: {  	v5 =	vmul.u32 $0xA0, v5  }
0x262: {  	[tilespmem:v3+s4+$0x0] =	vst.idx.add.s32.msk $0xffff, v1;
	v4 =	vmul.u32 $0xA0, v4  }
0x263: {  	v3 =	vld [tilespmem:s25+$0x18200];
	v5 =	vadd.s32 v8, v5  }
0x264: {  	[tilespmem:v7+s4+$0x0] =	vst.idx.add.s32.msk $0xffff, v1;
	v4 =	vadd.s32 v6, v4  }
0x265: {  	v7 =	vld [tilespmem:s29+$0x17E70]  }
0x266: {  	v6 =	vld [tilespmem:s25+$0x10200]  }
0x267: {  	v8 =	vld [tilespmem:s29+$0xFE70]  }
0x268: {  	[tilespmem:v5+s4+$0x0] =	vst.idx.add.s32.msk $0xffff, v1  }
0x269: {  	v3 =	vmul.u32 $0xA0, v3;
	[tilespmem:v4+s4+$0x0] =	vst.idx.add.s32.msk $0xffff, v1  }
0x26a: {  	v7 =	vmul.u32 $0xA0, v7;
	v5 =	vld [tilespmem:s26+$0x18200]  }
0x26b: {  	v3 =	vadd.s32 v6, v3;
	v4 =	vld [tilespmem:s28+$0x18200]  }
0x26c: {  	v7 =	vadd.s32 v8, v7;
	v8 =	vld [tilespmem:s26+$0x10200]  }
0x26d: {  	v6 =	vld [tilespmem:s28+$0x10200];
	_ =	sdelay $0x1  }
0x26e: {  	v5 =	vmul.u32 $0xA0, v5  }
0x26f: {  	[tilespmem:v3+s4+$0x0] =	vst.idx.add.s32.msk $0xffff, v1;
	v4 =	vmul.u32 $0xA0, v4  }
0x270: {  	v3 =	vld [tilespmem:s25+$0x18210];
	v5 =	vadd.s32 v8, v5  }
0x271: {  	[tilespmem:v7+s4+$0x0] =	vst.idx.add.s32.msk $0xffff, v1;
	v4 =	vadd.s32 v6, v4  }
0x272: {  	v7 =	vld [tilespmem:s29+$0x18200]  }
0x273: {  	v6 =	vld [tilespmem:s25+$0x10210]  }
0x274: {  	v8 =	vld [tilespmem:s29+$0x10200]  }
0x275: {  	[tilespmem:v5+s4+$0x0] =	vst.idx.add.s32.msk $0xffff, v1  }
0x276: {  	v3 =	vmul.u32 $0xA0, v3;
	[tilespmem:v4+s4+$0x0] =	vst.idx.add.s32.msk $0xffff, v1  }
0x277: {  	v7 =	vmul.u32 $0xA0, v7;
	v5 =	vld [tilespmem:s26+$0x18210]  }
0x278: {  	v3 =	vadd.s32 v6, v3;
	v4 =	vld [tilespmem:s28+$0x18210]  }
0x279: {  	v7 =	vadd.s32 v8, v7;
	v8 =	vld [tilespmem:s26+$0x10210]  }
0x27a: {  	v6 =	vld [tilespmem:s28+$0x10210];
	_ =	sdelay $0x1  }
0x27b: {  	v5 =	vmul.u32 $0xA0, v5  }
0x27c: {  	[tilespmem:v3+s4+$0x0] =	vst.idx.add.s32.msk $0xffff, v1;
	v4 =	vmul.u32 $0xA0, v4  }
0x27d: {  	v3 =	vld [tilespmem:s25+$0x18220];
	v5 =	vadd.s32 v8, v5  }
0x27e: {  	[tilespmem:v7+s4+$0x0] =	vst.idx.add.s32.msk $0xffff, v1;
	v4 =	vadd.s32 v6, v4  }
0x27f: {  	v7 =	vld [tilespmem:s29+$0x18210]  }
0x280: {  	v6 =	vld [tilespmem:s25+$0x10220]  }
0x281: {  	v8 =	vld [tilespmem:s29+$0x10210]  }
0x282: {  	[tilespmem:v5+s4+$0x0] =	vst.idx.add.s32.msk $0xffff, v1  }
0x283: {  	v3 =	vmul.u32 $0xA0, v3;
	[tilespmem:v4+s4+$0x0] =	vst.idx.add.s32.msk $0xffff, v1  }
0x284: {  	v7 =	vmul.u32 $0xA0, v7;
	v5 =	vld [tilespmem:s26+$0x18220]  }
0x285: {  	v3 =	vadd.s32 v6, v3;
	v4 =	vld [tilespmem:s28+$0x18220]  }
0x286: {  	v7 =	vadd.s32 v8, v7;
	v8 =	vld [tilespmem:s26+$0x10220]  }
0x287: {  	v6 =	vld [tilespmem:s28+$0x10220];
	_ =	sdelay $0x1  }
0x288: {  	v5 =	vmul.u32 $0xA0, v5  }
0x289: {  	[tilespmem:v3+s4+$0x0] =	vst.idx.add.s32.msk $0xffff, v1;
	v4 =	vmul.u32 $0xA0, v4  }
0x28a: {  	v3 =	vld [tilespmem:s25+$0x18230];
	v5 =	vadd.s32 v8, v5  }
0x28b: {  	[tilespmem:v7+s4+$0x0] =	vst.idx.add.s32.msk $0xffff, v1;
	v4 =	vadd.s32 v6, v4  }
0x28c: {  	v7 =	vld [tilespmem:s29+$0x18220]  }
0x28d: {  	v6 =	vld [tilespmem:s25+$0x10230]  }
0x28e: {  	v8 =	vld [tilespmem:s29+$0x10220]  }
0x28f: {  	[tilespmem:v5+s4+$0x0] =	vst.idx.add.s32.msk $0xffff, v1  }
0x290: {  	v3 =	vmul.u32 $0xA0, v3;
	[tilespmem:v4+s4+$0x0] =	vst.idx.add.s32.msk $0xffff, v1  }
0x291: {  	v7 =	vmul.u32 $0xA0, v7;
	v5 =	vld [tilespmem:s26+$0x18230]  }
0x292: {  	v3 =	vadd.s32 v6, v3;
	v4 =	vld [tilespmem:s28+$0x18230]  }
0x293: {  	v7 =	vadd.s32 v8, v7;
	v8 =	vld [tilespmem:s26+$0x10230]  }
0x294: {  	v6 =	vld [tilespmem:s28+$0x10230];
	_ =	sdelay $0x1  }
0x295: {  	v5 =	vmul.u32 $0xA0, v5  }
0x296: {  	[tilespmem:v3+s4+$0x0] =	vst.idx.add.s32.msk $0xffff, v1;
	v4 =	vmul.u32 $0xA0, v4  }
0x297: {  	[tilespmem:v7+s4+$0x0] =	vst.idx.add.s32.msk $0xffff, v1;
	v5 =	vadd.s32 v8, v5  }
0x298: {  	v4 =	vadd.s32 v6, v4;
	v7 =	vld [tilespmem:s29+$0x18230]  }
0x299: {  	v3 =	vld [tilespmem:s25+$0x18240]  }
0x29a: {  	v8 =	vld [tilespmem:s29+$0x10230]  }
0x29b: {  	v6 =	vld [tilespmem:s25+$0x10240]  }
0x29c: {  	[tilespmem:v5+s4+$0x0] =	vst.idx.add.s32.msk $0xffff, v1  }
0x29d: {  	[tilespmem:v4+s4+$0x0] =	vst.idx.add.s32.msk $0xffff, v1;
	v7 =	vmul.u32 $0xA0, v7  }
0x29e: {  	v5 =	vld [tilespmem:s26+$0x18240]  }
0x29f: {  	v3 =	vmul.u32 $0xA0, v3;
	v4 =	vld [tilespmem:s28+$0x18240];
	v7 =	vadd.s32 v8, v7  }
0x2a0: {  	v8 =	vld [tilespmem:s26+$0x10240]  }
0x2a1: {  	v3 =	vadd.s32 v6, v3;
	v6 =	vld [tilespmem:s28+$0x10240];
	_ =	sdelay $0x1  }
0x2a2: {  	v56 =	vld [tilespmem:s24+$0x10260];
	v5 =	vmul.u32 $0xA0, v5  }
0x2a3: {  	v4 =	vmul.u32 $0xA0, v4;
	[tilespmem:v7+s4+$0x0] =	vst.idx.add.s32.msk $0xffff, v1  }
0x2a4: {  	v5 =	vadd.s32 v8, v5;
	v7 =	vld [tilespmem:s29+$0x18240]  }
0x2a5: {  	[tilespmem:v3+s4+$0x0] =	vst.idx.add.s32.msk $0xffff, v1;
	v4 =	vadd.s32 v6, v4  }
0x2a6: {  	v8 =	vld [tilespmem:s29+$0x10240]  }
0x2a7: {  	v3 =	vld [tilespmem:s25+$0x18250]  }
0x2a8: {  	v6 =	vld [tilespmem:s25+$0x10250]  }
0x2a9: {  	[tilespmem:v5+s4+$0x0] =	vst.idx.add.s32.msk $0xffff, v1;
	v7 =	vmul.u32 $0xA0, v7  }
0x2aa: {  	[tilespmem:v4+s4+$0x0] =	vst.idx.add.s32.msk $0xffff, v1  }
0x2ab: {  	v2 =	vmul.u32 $0xA0, v2;
	v5 =	vld [tilespmem:s26+$0x18250];
	v7 =	vadd.s32 v8, v7  }
0x2ac: {  	v3 =	vmul.u32 $0xA0, v3;
	v4 =	vld [tilespmem:s28+$0x18250]  }
0x2ad: {  	v2 =	vadd.s32 v56, v2;
	v8 =	vld [tilespmem:s26+$0x10250]  }
0x2ae: {  	v3 =	vadd.s32 v6, v3;
	v6 =	vld [tilespmem:s28+$0x10250];
	_ =	sdelay $0x1  }
0x2af: {  	v5 =	vmul.u32 $0xA0, v5;
	[tilespmem:v7+s4+$0x0] =	vst.idx.add.s32.msk $0xffff, v1  }
0x2b0: {  	v4 =	vmul.u32 $0xA0, v4;
	v7 =	vld [tilespmem:s29+$0x18250]  }
0x2b1: {  	[tilespmem:v2+s4+$0x0] =	vst.idx.add.s32.msk $0xffff, v1;
	v2 =	vadd.s32 v8, v5  }
0x2b2: {  	v4 =	vadd.s32 v6, v4;
	v5 =	vld [tilespmem:s29+$0x10250]  }
0x2b3: {  	[tilespmem:v3+s4+$0x0] =	vst.idx.add.s32.msk $0xffff, v1  }
0x2b4: {  	v3 =	vld [tilespmem:s25+$0x18260]  }
0x2b5: {  	v6 =	vld [tilespmem:s25+$0x10260];
	v7 =	vmul.u32 $0xA0, v7  }
0x2b6: {  	[tilespmem:v2+s4+$0x0] =	vst.idx.add.s32.msk $0xffff, v1  }
0x2b7: {  	[tilespmem:v4+s4+$0x0] =	vst.idx.add.s32.msk $0xffff, v1;
	v5 =	vadd.s32 v5, v7  }
0x2b8: {  	v2 =	vld [tilespmem:s26+$0x18260]  }
0x2b9: {  	v4 =	vld [tilespmem:s28+$0x18260]  }
0x2ba: {  	v3 =	vmul.u32 $0xA0, v3;
	v7 =	vld [tilespmem:s26+$0x10260]  }
0x2bb: {  	v8 =	vld [tilespmem:s28+$0x10260]  }
0x2bc: {  	v3 =	vadd.s32 v6, v3;
	[tilespmem:v5+s4+$0x0] =	vst.idx.add.s32.msk $0xffff, v1  }
0x2bd: {  	v2 =	vmul.u32 $0xA0, v2;
	v5 =	vld [tilespmem:s29+$0x18260]  }
0x2be: {  	v57 =	vld [tilespmem:s24+$0x10270];
	v4 =	vmul.u32 $0xA0, v4  }
0x2bf: {  	v2 =	vadd.s32 v7, v2;
	v7 =	vld [tilespmem:s29+$0x10260]  }
0x2c0: {  	v6 =	vld [tilespmem:s24+$0x18270];
	v4 =	vadd.s32 v8, v4  }
0x2c1: {  	[tilespmem:v3+s4+$0x0] =	vst.idx.add.s32.msk $0xffff, v1  }
0x2c2: {  	v3 =	vld [tilespmem:s25+$0x18270];
	v5 =	vmul.u32 $0xA0, v5  }
0x2c3: {  	v8 =	vld [tilespmem:s25+$0x10270]  }
0x2c4: {  	[tilespmem:v2+s4+$0x0] =	vst.idx.add.s32.msk $0xffff, v1;
	v2 =	vadd.s32 v7, v5  }
0x2c5: {  	[tilespmem:v4+s4+$0x0] =	vst.idx.add.s32.msk $0xffff, v1  }
0x2c6: {  	v4 =	vld [tilespmem:s28+$0x18270]  }
0x2c7: {  	v10 =	vld [tilespmem:s28+$0x10270]  }
0x2c8: {  	v5 =	vld [tilespmem:s26+$0x18270]  }
0x2c9: {  	[tilespmem:v2+s4+$0x0] =	vst.idx.add.s32.msk $0xffff, v1  }
0x2ca: {  	v2 =	vld [tilespmem:s29+$0x18270]  }
0x2cb: {  	v6 =	vmul.u32 $0xA0, v6;
	v7 =	vld [tilespmem:s26+$0x10270]  }
0x2cc: {  	v3 =	vmul.u32 $0xA0, v3;
	v11 =	vld [tilespmem:s29+$0x10270]  }
0x2cd: {  	v6 =	vadd.s32 v57, v6;
	v4 =	vmul.u32 $0xA0, v4  }
0x2ce: {  	v3 =	vadd.s32 v8, v3;
	v5 =	vmul.u32 $0xA0, v5  }
0x2cf: {  	v4 =	vadd.s32 v10, v4;
	v2 =	vmul.u32 $0xA0, v2  }
0x2d0: {  	v5 =	vadd.s32 v7, v5  }
0x2d1: {  	v2 =	vadd.s32 v11, v2  }
0x2d2: {  	[tilespmem:v6+s4+$0x0] =	vst.idx.add.s32.msk $0xffff, v1  }
0x2d3: {  	[tilespmem:v3+s4+$0x0] =	vst.idx.add.s32.msk $0xffff, v1  }
0x2d4: {  	[tilespmem:v4+s4+$0x0] =	vst.idx.add.s32.msk $0xffff, v1  }
0x2d5: {  	[tilespmem:v5+s4+$0x0] =	vst.idx.add.s32.msk $0xffff, v1  }
0x2d6: {  	[tilespmem:v2+s4+$0x0] =	vst.idx.add.s32.msk $0xffff, v1  }
0x2d7: {  	p0 =	seq.s32 s22, $0x3;
	_ =	swait.ge [sflag:s17], $0x4000  }
0x2d8: {  	s0 =	sadd.s32 @!p0 s23, s10;
	[sflag:s17] =	ssyncset.done $0x0  }
0x2d9: {  	s0 =	sshll.u32 @!p0 s0, $0x9;
	[sflag:s17] =	ssyncadd.s32 $0xFFFFC000  }
0x2da: {  	s0 =	sadd.s32 @!p0 s5, s0;
	_ =	swait.ge [sflag:s17], $0x4000  }
0x2db: {  	s8 =	simm.s32 @!p0 $0x0;
	s0 =	sshrl.u32 @!p0 s0, $0x3;
	[sflag:s17] =	ssyncset.done $0x0  }
0x2dc: {  	s9 =	simm.s32 @!p0 $0xF600;
	s2 =	sadd.s32 @!p0 s1, s0;
	[sflag:s17] =	ssyncadd.s32 $0xFFFFC000  }
0x2dd: {  	[tilespmem:s9], [sflag:$0x1] =	stream.linear.gather @!p0 [hbm4b:s2+s8], $0x4000, $0x38;
	[tilespmem:$0x1F600] =	vst v63  }
0x2de: {  	s0 =	sadd.s32 @!p0 s3, s0;
	s2 =	simm.s32 @!p0 $0x17600  }
0x2df: {  	[tilespmem:s2], [sflag:$0x1] =	stream.linear.gather @!p0 [hbm4b:s0+s8], $0x4000, $0x38;
	[tilespmem:$0x1F600] =	vst v63  }
0x2e0: {  	s8 =	simm.s32 $0x0  }
0x2e1: {  	s9 =	sand.u32 $0x3000, s8;
	s0 =	sand.u32 $0x380, s8  }
0x2e2: {  	s23 =	sor.u32 s0, s9  }
0x2e3: {  	v2 =	vld [tilespmem:s23+$0x1B600];
	_ =	sdelay $0x1  }
0x2e4: {  	v3 =	vld [tilespmem:s23+$0x13600];
	_ =	sdelay $0x2  }
0x2e5: {  	v2 =	vmul.u32 $0xA0, v2;
	_ =	sdelay $0x1  }
0x2e6: {  	v2 =	vadd.s32 v3, v2;
	_ =	sdelay $0x4  }
0x2e7: {  	[tilespmem:v2+s4+$0x0] =	vst.idx.add.s32.msk $0xffff, v1  }
0x2e8: {  	v2 =	vld [tilespmem:s23+$0x1B610];
	_ =	sdelay $0x1  }
0x2e9: {  	v3 =	vld [tilespmem:s23+$0x13610];
	_ =	sdelay $0x2  }
0x2ea: {  	v2 =	vmul.u32 $0xA0, v2;
	_ =	sdelay $0x1  }
0x2eb: {  	v2 =	vadd.s32 v3, v2;
	_ =	sdelay $0x4  }
0x2ec: {  	[tilespmem:v2+s4+$0x0] =	vst.idx.add.s32.msk $0xffff, v1  }
0x2ed: {  	v2 =	vld [tilespmem:s23+$0x1B620];
	_ =	sdelay $0x1  }
0x2ee: {  	v3 =	vld [tilespmem:s23+$0x13620];
	_ =	sdelay $0x2  }
0x2ef: {  	v2 =	vmul.u32 $0xA0, v2;
	_ =	sdelay $0x1  }
0x2f0: {  	v2 =	vadd.s32 v3, v2;
	_ =	sdelay $0x4  }
0x2f1: {  	[tilespmem:v2+s4+$0x0] =	vst.idx.add.s32.msk $0xffff, v1  }
0x2f2: {  	v2 =	vld [tilespmem:s23+$0x1B630];
	_ =	sdelay $0x1  }
0x2f3: {  	v3 =	vld [tilespmem:s23+$0x13630];
	_ =	sdelay $0x2  }
0x2f4: {  	v2 =	vmul.u32 $0xA0, v2;
	_ =	sdelay $0x1  }
0x2f5: {  	v2 =	vadd.s32 v3, v2;
	_ =	sdelay $0x4  }
0x2f6: {  	[tilespmem:v2+s4+$0x0] =	vst.idx.add.s32.msk $0xffff, v1  }
0x2f7: {  	v2 =	vld [tilespmem:s23+$0x1B640];
	_ =	sdelay $0x1  }
0x2f8: {  	v3 =	vld [tilespmem:s23+$0x13640];
	_ =	sdelay $0x2  }
0x2f9: {  	v2 =	vmul.u32 $0xA0, v2;
	_ =	sdelay $0x1  }
0x2fa: {  	v2 =	vadd.s32 v3, v2;
	_ =	sdelay $0x4  }
0x2fb: {  	[tilespmem:v2+s4+$0x0] =	vst.idx.add.s32.msk $0xffff, v1  }
0x2fc: {  	v2 =	vld [tilespmem:s23+$0x1B650];
	_ =	sdelay $0x1  }
0x2fd: {  	v3 =	vld [tilespmem:s23+$0x13650];
	_ =	sdelay $0x2  }
0x2fe: {  	v2 =	vmul.u32 $0xA0, v2;
	_ =	sdelay $0x1  }
0x2ff: {  	v2 =	vadd.s32 v3, v2;
	_ =	sdelay $0x4  }
0x300: {  	[tilespmem:v2+s4+$0x0] =	vst.idx.add.s32.msk $0xffff, v1  }
0x301: {  	v2 =	vld [tilespmem:s23+$0x1B660];
	_ =	sdelay $0x1  }
0x302: {  	v3 =	vld [tilespmem:s23+$0x13660];
	_ =	sdelay $0x2  }
0x303: {  	v2 =	vmul.u32 $0xA0, v2;
	_ =	sdelay $0x1  }
0x304: {  	v2 =	vadd.s32 v3, v2;
	_ =	sdelay $0x4  }
0x305: {  	[tilespmem:v2+s4+$0x0] =	vst.idx.add.s32.msk $0xffff, v1  }
0x306: {  	v2 =	vld [tilespmem:s23+$0x1B670];
	_ =	sdelay $0x1  }
0x307: {  	v3 =	vld [tilespmem:s23+$0x13670];
	_ =	sdelay $0x1  }
0x308: {  	s12 =	simm.s32 $0x80;
	s13 =	simm.s32 $0x200  }
0x309: {  	s2 =	sand.u32 $0x3000, s13;
	s0 =	sand.u32 $0x380, s12;
	v2 =	vmul.u32 $0xA0, v2  }
0x30a: {  	s24 =	sor.u32 s0, s2  }
0x30b: {  	v4 =	vld [tilespmem:s24+$0x1B600];
	v2 =	vadd.s32 v3, v2;
	_ =	sdelay $0x1  }
0x30c: {  	v3 =	vld [tilespmem:s24+$0x13600];
	_ =	sdelay $0x2  }
0x30d: {  	v4 =	vmul.u32 $0xA0, v4;
	[tilespmem:v2+s4+$0x0] =	vst.idx.add.s32.msk $0xffff, v1  }
0x30e: {  	v2 =	vld [tilespmem:s23+$0x1BA00]  }
0x30f: {  	v3 =	vadd.s32 v3, v4  }
0x310: {  	v4 =	vld [tilespmem:s23+$0x13A00];
	_ =	sdelay $0x2  }
0x311: {  	v2 =	vmul.u32 $0xA0, v2  }
0x312: {  	[tilespmem:v3+s4+$0x0] =	vst.idx.add.s32.msk $0xffff, v1  }
0x313: {  	v3 =	vld [tilespmem:s24+$0x1B610];
	v2 =	vadd.s32 v4, v2;
	_ =	sdelay $0x1  }
0x314: {  	v4 =	vld [tilespmem:s24+$0x13610];
	_ =	sdelay $0x2  }
0x315: {  	v3 =	vmul.u32 $0xA0, v3;
	[tilespmem:v2+s4+$0x0] =	vst.idx.add.s32.msk $0xffff, v1  }
0x316: {  	v2 =	vld [tilespmem:s23+$0x1BA10]  }
0x317: {  	v3 =	vadd.s32 v4, v3  }
0x318: {  	v4 =	vld [tilespmem:s23+$0x13A10];
	_ =	sdelay $0x2  }
0x319: {  	v2 =	vmul.u32 $0xA0, v2  }
0x31a: {  	[tilespmem:v3+s4+$0x0] =	vst.idx.add.s32.msk $0xffff, v1  }
0x31b: {  	v3 =	vld [tilespmem:s24+$0x1B620];
	v2 =	vadd.s32 v4, v2;
	_ =	sdelay $0x1  }
0x31c: {  	v4 =	vld [tilespmem:s24+$0x13620];
	_ =	sdelay $0x2  }
0x31d: {  	v3 =	vmul.u32 $0xA0, v3;
	[tilespmem:v2+s4+$0x0] =	vst.idx.add.s32.msk $0xffff, v1  }
0x31e: {  	v2 =	vld [tilespmem:s23+$0x1BA20]  }
0x31f: {  	v3 =	vadd.s32 v4, v3  }
0x320: {  	v4 =	vld [tilespmem:s23+$0x13A20];
	_ =	sdelay $0x2  }
0x321: {  	v2 =	vmul.u32 $0xA0, v2  }
0x322: {  	[tilespmem:v3+s4+$0x0] =	vst.idx.add.s32.msk $0xffff, v1  }
0x323: {  	v3 =	vld [tilespmem:s24+$0x1B630];
	v2 =	vadd.s32 v4, v2;
	_ =	sdelay $0x1  }
0x324: {  	v4 =	vld [tilespmem:s24+$0x13630];
	_ =	sdelay $0x2  }
0x325: {  	v3 =	vmul.u32 $0xA0, v3;
	[tilespmem:v2+s4+$0x0] =	vst.idx.add.s32.msk $0xffff, v1  }
0x326: {  	v2 =	vld [tilespmem:s23+$0x1BA30]  }
0x327: {  	v3 =	vadd.s32 v4, v3  }
0x328: {  	v4 =	vld [tilespmem:s23+$0x13A30];
	_ =	sdelay $0x2  }
0x329: {  	v2 =	vmul.u32 $0xA0, v2  }
0x32a: {  	[tilespmem:v3+s4+$0x0] =	vst.idx.add.s32.msk $0xffff, v1  }
0x32b: {  	v3 =	vld [tilespmem:s24+$0x1B640];
	v2 =	vadd.s32 v4, v2;
	_ =	sdelay $0x1  }
0x32c: {  	v4 =	vld [tilespmem:s24+$0x13640];
	_ =	sdelay $0x2  }
0x32d: {  	v3 =	vmul.u32 $0xA0, v3;
	[tilespmem:v2+s4+$0x0] =	vst.idx.add.s32.msk $0xffff, v1  }
0x32e: {  	v2 =	vld [tilespmem:s23+$0x1BA40]  }
0x32f: {  	v3 =	vadd.s32 v4, v3  }
0x330: {  	v4 =	vld [tilespmem:s23+$0x13A40];
	_ =	sdelay $0x2  }
0x331: {  	v2 =	vmul.u32 $0xA0, v2  }
0x332: {  	[tilespmem:v3+s4+$0x0] =	vst.idx.add.s32.msk $0xffff, v1  }
0x333: {  	v3 =	vld [tilespmem:s24+$0x1B650];
	v2 =	vadd.s32 v4, v2;
	_ =	sdelay $0x1  }
0x334: {  	v4 =	vld [tilespmem:s24+$0x13650];
	_ =	sdelay $0x2  }
0x335: {  	v3 =	vmul.u32 $0xA0, v3;
	[tilespmem:v2+s4+$0x0] =	vst.idx.add.s32.msk $0xffff, v1  }
0x336: {  	v2 =	vld [tilespmem:s23+$0x1BA50]  }
0x337: {  	v3 =	vadd.s32 v4, v3  }
0x338: {  	v4 =	vld [tilespmem:s23+$0x13A50];
	_ =	sdelay $0x2  }
0x339: {  	v2 =	vmul.u32 $0xA0, v2  }
0x33a: {  	[tilespmem:v3+s4+$0x0] =	vst.idx.add.s32.msk $0xffff, v1  }
0x33b: {  	v3 =	vld [tilespmem:s24+$0x1B660];
	v2 =	vadd.s32 v4, v2;
	_ =	sdelay $0x1  }
0x33c: {  	v4 =	vld [tilespmem:s24+$0x13660];
	_ =	sdelay $0x2  }
0x33d: {  	v3 =	vmul.u32 $0xA0, v3;
	[tilespmem:v2+s4+$0x0] =	vst.idx.add.s32.msk $0xffff, v1  }
0x33e: {  	v2 =	vld [tilespmem:s23+$0x1BA60]  }
0x33f: {  	s14 =	simm.s32 $0x100;
	s15 =	simm.s32 $0x400;
	v3 =	vadd.s32 v4, v3  }
0x340: {  	s2 =	sand.u32 $0x3000, s15;
	s0 =	sand.u32 $0x380, s14;
	v4 =	vld [tilespmem:s23+$0x13A60]  }
0x341: {  	s25 =	sor.u32 s0, s2  }
0x342: {  	v5 =	vld [tilespmem:s25+$0x1B600]  }
0x343: {  	v6 =	vld [tilespmem:s25+$0x13600];
	v2 =	vmul.u32 $0xA0, v2  }
0x344: {  	[tilespmem:v3+s4+$0x0] =	vst.idx.add.s32.msk $0xffff, v1  }
0x345: {  	v3 =	vld [tilespmem:s24+$0x1B670];
	v2 =	vadd.s32 v4, v2;
	_ =	sdelay $0x1  }
0x346: {  	v4 =	vmul.u32 $0xA0, v5;
	v5 =	vld [tilespmem:s24+$0x13670];
	_ =	sdelay $0x1  }
0x347: {  	v4 =	vadd.s32 v6, v4  }
0x348: {  	v3 =	vmul.u32 $0xA0, v3;
	[tilespmem:v2+s4+$0x0] =	vst.idx.add.s32.msk $0xffff, v1  }
0x349: {  	v2 =	vld [tilespmem:s23+$0x1BA70]  }
0x34a: {  	v3 =	vadd.s32 v5, v3  }
0x34b: {  	v5 =	vld [tilespmem:s23+$0x13A70]  }
0x34c: {  	[tilespmem:v4+s4+$0x0] =	vst.idx.add.s32.msk $0xffff, v1  }
0x34d: {  	v4 =	vld [tilespmem:s25+$0x1B610]  }
0x34e: {  	v6 =	vld [tilespmem:s25+$0x13610];
	v2 =	vmul.u32 $0xA0, v2  }
0x34f: {  	[tilespmem:v3+s4+$0x0] =	vst.idx.add.s32.msk $0xffff, v1  }
0x350: {  	v3 =	vld [tilespmem:s24+$0x1BA00];
	v2 =	vadd.s32 v5, v2;
	_ =	sdelay $0x1  }
0x351: {  	v4 =	vmul.u32 $0xA0, v4;
	v5 =	vld [tilespmem:s24+$0x13A00];
	_ =	sdelay $0x1  }
0x352: {  	v4 =	vadd.s32 v6, v4  }
0x353: {  	v3 =	vmul.u32 $0xA0, v3;
	[tilespmem:v2+s4+$0x0] =	vst.idx.add.s32.msk $0xffff, v1  }
0x354: {  	v2 =	vld [tilespmem:s23+$0x1BE00]  }
0x355: {  	v3 =	vadd.s32 v5, v3  }
0x356: {  	v5 =	vld [tilespmem:s23+$0x13E00]  }
0x357: {  	[tilespmem:v4+s4+$0x0] =	vst.idx.add.s32.msk $0xffff, v1  }
0x358: {  	v4 =	vld [tilespmem:s25+$0x1B620]  }
0x359: {  	v6 =	vld [tilespmem:s25+$0x13620];
	v2 =	vmul.u32 $0xA0, v2  }
0x35a: {  	[tilespmem:v3+s4+$0x0] =	vst.idx.add.s32.msk $0xffff, v1  }
0x35b: {  	v3 =	vld [tilespmem:s24+$0x1BA10];
	v2 =	vadd.s32 v5, v2;
	_ =	sdelay $0x1  }
0x35c: {  	v4 =	vmul.u32 $0xA0, v4;
	v5 =	vld [tilespmem:s24+$0x13A10];
	_ =	sdelay $0x1  }
0x35d: {  	v4 =	vadd.s32 v6, v4  }
0x35e: {  	v3 =	vmul.u32 $0xA0, v3;
	[tilespmem:v2+s4+$0x0] =	vst.idx.add.s32.msk $0xffff, v1  }
0x35f: {  	v2 =	vld [tilespmem:s23+$0x1BE10]  }
0x360: {  	v3 =	vadd.s32 v5, v3  }
0x361: {  	v5 =	vld [tilespmem:s23+$0x13E10]  }
0x362: {  	[tilespmem:v4+s4+$0x0] =	vst.idx.add.s32.msk $0xffff, v1  }
0x363: {  	v4 =	vld [tilespmem:s25+$0x1B630]  }
0x364: {  	v6 =	vld [tilespmem:s25+$0x13630];
	v2 =	vmul.u32 $0xA0, v2  }
0x365: {  	[tilespmem:v3+s4+$0x0] =	vst.idx.add.s32.msk $0xffff, v1  }
0x366: {  	v3 =	vld [tilespmem:s24+$0x1BA20];
	v2 =	vadd.s32 v5, v2;
	_ =	sdelay $0x1  }
0x367: {  	v4 =	vmul.u32 $0xA0, v4;
	v5 =	vld [tilespmem:s24+$0x13A20];
	_ =	sdelay $0x1  }
0x368: {  	v4 =	vadd.s32 v6, v4  }
0x369: {  	v3 =	vmul.u32 $0xA0, v3;
	[tilespmem:v2+s4+$0x0] =	vst.idx.add.s32.msk $0xffff, v1  }
0x36a: {  	v2 =	vld [tilespmem:s23+$0x1BE20]  }
0x36b: {  	v3 =	vadd.s32 v5, v3  }
0x36c: {  	v5 =	vld [tilespmem:s23+$0x13E20]  }
0x36d: {  	[tilespmem:v4+s4+$0x0] =	vst.idx.add.s32.msk $0xffff, v1  }
0x36e: {  	v4 =	vld [tilespmem:s25+$0x1B640]  }
0x36f: {  	v6 =	vld [tilespmem:s25+$0x13640];
	v2 =	vmul.u32 $0xA0, v2  }
0x370: {  	[tilespmem:v3+s4+$0x0] =	vst.idx.add.s32.msk $0xffff, v1  }
0x371: {  	v3 =	vld [tilespmem:s24+$0x1BA30];
	v2 =	vadd.s32 v5, v2;
	_ =	sdelay $0x1  }
0x372: {  	v4 =	vmul.u32 $0xA0, v4;
	v5 =	vld [tilespmem:s24+$0x13A30];
	_ =	sdelay $0x1  }
0x373: {  	v4 =	vadd.s32 v6, v4  }
0x374: {  	v3 =	vmul.u32 $0xA0, v3;
	[tilespmem:v2+s4+$0x0] =	vst.idx.add.s32.msk $0xffff, v1  }
0x375: {  	v2 =	vld [tilespmem:s23+$0x1BE30]  }
0x376: {  	v3 =	vadd.s32 v5, v3  }
0x377: {  	v5 =	vld [tilespmem:s23+$0x13E30]  }
0x378: {  	[tilespmem:v4+s4+$0x0] =	vst.idx.add.s32.msk $0xffff, v1  }
0x379: {  	v4 =	vld [tilespmem:s25+$0x1B650]  }
0x37a: {  	v6 =	vld [tilespmem:s25+$0x13650];
	v2 =	vmul.u32 $0xA0, v2  }
0x37b: {  	[tilespmem:v3+s4+$0x0] =	vst.idx.add.s32.msk $0xffff, v1  }
0x37c: {  	s18 =	simm.s32 $0x180;
	s19 =	simm.s32 $0x600;
	v3 =	vld [tilespmem:s24+$0x1BA40];
	v2 =	vadd.s32 v5, v2  }
0x37d: {  	s2 =	sand.u32 $0x3000, s19;
	s0 =	sand.u32 $0x380, s18  }
0x37e: {  	s26 =	sor.u32 s0, s2;
	v4 =	vmul.u32 $0xA0, v4;
	v5 =	vld [tilespmem:s24+$0x13A40]  }
0x37f: {  	v7 =	vld [tilespmem:s26+$0x13600]  }
0x380: {  	v8 =	vld [tilespmem:s26+$0x1B600];
	v4 =	vadd.s32 v6, v4  }
0x381: {  	v3 =	vmul.u32 $0xA0, v3;
	[tilespmem:v2+s4+$0x0] =	vst.idx.add.s32.msk $0xffff, v1  }
0x382: {  	v2 =	vld [tilespmem:s23+$0x1BE40]  }
0x383: {  	v3 =	vadd.s32 v5, v3  }
0x384: {  	v5 =	vld [tilespmem:s23+$0x13E40]  }
0x385: {  	v6 =	vmul.u32 $0xA0, v8;
	[tilespmem:v4+s4+$0x0] =	vst.idx.add.s32.msk $0xffff, v1  }
0x386: {  	v4 =	vld [tilespmem:s25+$0x1B660]  }
0x387: {  	v6 =	vadd.s32 v7, v6;
	v7 =	vld [tilespmem:s25+$0x13660];
	v2 =	vmul.u32 $0xA0, v2  }
0x388: {  	[tilespmem:v3+s4+$0x0] =	vst.idx.add.s32.msk $0xffff, v1  }
0x389: {  	v3 =	vld [tilespmem:s24+$0x1BA50];
	v2 =	vadd.s32 v5, v2;
	_ =	sdelay $0x1  }
0x38a: {  	v4 =	vmul.u32 $0xA0, v4;
	v5 =	vld [tilespmem:s24+$0x13A50]  }
0x38b: {  	[tilespmem:v6+s4+$0x0] =	vst.idx.add.s32.msk $0xffff, v1  }
0x38c: {  	v6 =	vld [tilespmem:s26+$0x13610];
	v4 =	vadd.s32 v7, v4  }
0x38d: {  	v3 =	vmul.u32 $0xA0, v3;
	[tilespmem:v2+s4+$0x0] =	vst.idx.add.s32.msk $0xffff, v1  }
0x38e: {  	v2 =	vld [tilespmem:s23+$0x1BE50]  }
0x38f: {  	v7 =	vld [tilespmem:s26+$0x1B610];
	v3 =	vadd.s32 v5, v3  }
0x390: {  	v5 =	vld [tilespmem:s23+$0x13E50]  }
0x391: {  	[tilespmem:v4+s4+$0x0] =	vst.idx.add.s32.msk $0xffff, v1  }
0x392: {  	v4 =	vld [tilespmem:s25+$0x1B670]  }
0x393: {  	v8 =	vld [tilespmem:s25+$0x13670];
	v2 =	vmul.u32 $0xA0, v2  }
0x394: {  	[tilespmem:v3+s4+$0x0] =	vst.idx.add.s32.msk $0xffff, v1  }
0x395: {  	v3 =	vmul.u32 $0xA0, v7;
	v7 =	vld [tilespmem:s24+$0x1BA60];
	v2 =	vadd.s32 v5, v2;
	_ =	sdelay $0x1  }
0x396: {  	v3 =	vadd.s32 v6, v3;
	v4 =	vmul.u32 $0xA0, v4;
	v5 =	vld [tilespmem:s24+$0x13A60];
	_ =	sdelay $0x1  }
0x397: {  	v4 =	vadd.s32 v8, v4  }
0x398: {  	v6 =	vmul.u32 $0xA0, v7;
	[tilespmem:v2+s4+$0x0] =	vst.idx.add.s32.msk $0xffff, v1  }
0x399: {  	v2 =	vld [tilespmem:s23+$0x1BE60]  }
0x39a: {  	[tilespmem:v3+s4+$0x0] =	vst.idx.add.s32.msk $0xffff, v1;
	v3 =	vadd.s32 v5, v6  }
0x39b: {  	v5 =	vld [tilespmem:s23+$0x13E60]  }
0x39c: {  	[tilespmem:v4+s4+$0x0] =	vst.idx.add.s32.msk $0xffff, v1  }
0x39d: {  	v4 =	vld [tilespmem:s25+$0x1BA00]  }
0x39e: {  	v6 =	vld [tilespmem:s25+$0x13A00];
	v2 =	vmul.u32 $0xA0, v2  }
0x39f: {  	[tilespmem:v3+s4+$0x0] =	vst.idx.add.s32.msk $0xffff, v1  }
0x3a0: {  	v3 =	vld [tilespmem:s24+$0x1BA70];
	v2 =	vadd.s32 v5, v2  }
0x3a1: {  	v7 =	vld [tilespmem:s24+$0x13A70]  }
0x3a2: {  	v5 =	vld [tilespmem:s26+$0x1B620];
	v4 =	vmul.u32 $0xA0, v4;
	_ =	sdelay $0x1  }
0x3a3: {  	v8 =	vld [tilespmem:s26+$0x13620];
	v4 =	vadd.s32 v6, v4  }
0x3a4: {  	v3 =	vmul.u32 $0xA0, v3;
	[tilespmem:v2+s4+$0x0] =	vst.idx.add.s32.msk $0xffff, v1  }
0x3a5: {  	v2 =	vld [tilespmem:s23+$0x1BE70]  }
0x3a6: {  	v5 =	vmul.u32 $0xA0, v5;
	v3 =	vadd.s32 v7, v3  }
0x3a7: {  	v6 =	vld [tilespmem:s23+$0x13E70]  }
0x3a8: {  	v5 =	vadd.s32 v8, v5;
	[tilespmem:v4+s4+$0x0] =	vst.idx.add.s32.msk $0xffff, v1  }
0x3a9: {  	v4 =	vld [tilespmem:s25+$0x1BA10]  }
0x3aa: {  	v7 =	vld [tilespmem:s25+$0x13A10];
	v2 =	vmul.u32 $0xA0, v2  }
0x3ab: {  	[tilespmem:v3+s4+$0x0] =	vst.idx.add.s32.msk $0xffff, v1  }
0x3ac: {  	v3 =	vld [tilespmem:s24+$0x1BE00];
	v2 =	vadd.s32 v6, v2  }
0x3ad: {  	[tilespmem:v5+s4+$0x0] =	vst.idx.add.s32.msk $0xffff, v1  }
0x3ae: {  	v5 =	vld [tilespmem:s24+$0x13E00];
	v4 =	vmul.u32 $0xA0, v4  }
0x3af: {  	v6 =	vld [tilespmem:s26+$0x13630]  }
0x3b0: {  	s20 =	simm.s32 $0x200;
	s31 =	simm.s32 $0x800;
	v4 =	vadd.s32 v7, v4;
	v7 =	vld [tilespmem:s26+$0x1B630]  }
0x3b1: {  	s2 =	sand.u32 $0x3000, s31;
	s0 =	sand.u32 $0x380, s20;
	v3 =	vmul.u32 $0xA0, v3;
	[tilespmem:v2+s4+$0x0] =	vst.idx.add.s32.msk $0xffff, v1  }
0x3b2: {  	s28 =	sor.u32 s0, s2;
	v2 =	vld [tilespmem:s23+$0x1C200]  }
0x3b3: {  	v8 =	vld [tilespmem:s28+$0x13600];
	v3 =	vadd.s32 v5, v3  }
0x3b4: {  	v5 =	vld [tilespmem:s23+$0x14200]  }
0x3b5: {  	[tilespmem:v4+s4+$0x0] =	vst.idx.add.s32.msk $0xffff, v1;
	v4 =	vmul.u32 $0xA0, v7  }
0x3b6: {  	v7 =	vld [tilespmem:s25+$0x1BA20]  }
0x3b7: {  	v58 =	vld [tilespmem:s25+$0x13A20];
	v4 =	vadd.s32 v6, v4;
	v2 =	vmul.u32 $0xA0, v2  }
0x3b8: {  	[tilespmem:v3+s4+$0x0] =	vst.idx.add.s32.msk $0xffff, v1  }
0x3b9: {  	v3 =	vld [tilespmem:s24+$0x1BE10];
	v2 =	vadd.s32 v5, v2  }
0x3ba: {  	v5 =	vld [tilespmem:s28+$0x1B600]  }
0x3bb: {  	v6 =	vmul.u32 $0xA0, v7;
	v7 =	vld [tilespmem:s24+$0x13E10]  }
0x3bc: {  	[tilespmem:v4+s4+$0x0] =	vst.idx.add.s32.msk $0xffff, v1  }
0x3bd: {  	v4 =	vld [tilespmem:s26+$0x1B640];
	v6 =	vadd.s32 v58, v6  }
0x3be: {  	v3 =	vmul.u32 $0xA0, v3;
	[tilespmem:v2+s4+$0x0] =	vst.idx.add.s32.msk $0xffff, v1  }
0x3bf: {  	v2 =	vld [tilespmem:s23+$0x1C210]  }
0x3c0: {  	v59 =	vld [tilespmem:s26+$0x13640];
	v3 =	vadd.s32 v7, v3  }
0x3c1: {  	v7 =	vld [tilespmem:s23+$0x14210]  }
0x3c2: {  	v5 =	vmul.u32 $0xA0, v5;
	[tilespmem:v6+s4+$0x0] =	vst.idx.add.s32.msk $0xffff, v1  }
0x3c3: {  	v4 =	vmul.u32 $0xA0, v4;
	v6 =	vld [tilespmem:s25+$0x13A30]  }
0x3c4: {  	v5 =	vadd.s32 v8, v5;
	v8 =	vld [tilespmem:s25+$0x1BA30];
	v2 =	vmul.u32 $0xA0, v2  }
0x3c5: {  	v4 =	vadd.s32 v59, v4;
	[tilespmem:v3+s4+$0x0] =	vst.idx.add.s32.msk $0xffff, v1  }
0x3c6: {  	v3 =	vld [tilespmem:s24+$0x1BE20];
	v2 =	vadd.s32 v7, v2;
	_ =	sdelay $0x1  }
0x3c7: {  	v7 =	vld [tilespmem:s24+$0x13E20]  }
0x3c8: {  	[tilespmem:v5+s4+$0x0] =	vst.idx.add.s32.msk $0xffff, v1;
	v5 =	vmul.u32 $0xA0, v8  }
0x3c9: {  	[tilespmem:v4+s4+$0x0] =	vst.idx.add.s32.msk $0xffff, v1  }
0x3ca: {  	v4 =	vadd.s32 v6, v5;
	v3 =	vmul.u32 $0xA0, v3;
	[tilespmem:v2+s4+$0x0] =	vst.idx.add.s32.msk $0xffff, v1  }
0x3cb: {  	v2 =	vld [tilespmem:s23+$0x1C220]  }
0x3cc: {  	v5 =	vld [tilespmem:s26+$0x1B650];
	v3 =	vadd.s32 v7, v3  }
0x3cd: {  	v6 =	vld [tilespmem:s23+$0x14220]  }
0x3ce: {  	v7 =	vld [tilespmem:s26+$0x13650]  }
0x3cf: {  	[tilespmem:v4+s4+$0x0] =	vst.idx.add.s32.msk $0xffff, v1  }
0x3d0: {  	v4 =	vld [tilespmem:s25+$0x1BA40];
	v2 =	vmul.u32 $0xA0, v2  }
0x3d1: {  	[tilespmem:v3+s4+$0x0] =	vst.idx.add.s32.msk $0xffff, v1  }
0x3d2: {  	v3 =	vmul.u32 $0xA0, v5;
	v5 =	vld [tilespmem:s24+$0x1BE30];
	v2 =	vadd.s32 v6, v2  }
0x3d3: {  	v6 =	vld [tilespmem:s25+$0x13A40]  }
0x3d4: {  	v3 =	vadd.s32 v7, v3;
	v7 =	vld [tilespmem:s24+$0x13E30]  }
0x3d5: {  	v8 =	vld [tilespmem:s28+$0x13610]  }
0x3d6: {  	v60 =	vld [tilespmem:s28+$0x1B610];
	v4 =	vmul.u32 $0xA0, v4  }
0x3d7: {  	v5 =	vmul.u32 $0xA0, v5;
	[tilespmem:v2+s4+$0x0] =	vst.idx.add.s32.msk $0xffff, v1  }
0x3d8: {  	v2 =	vadd.s32 v6, v4;
	v4 =	vld [tilespmem:s23+$0x1C230]  }
0x3d9: {  	[tilespmem:v3+s4+$0x0] =	vst.idx.add.s32.msk $0xffff, v1;
	v3 =	vadd.s32 v7, v5  }
0x3da: {  	v5 =	vld [tilespmem:s23+$0x14230]  }
0x3db: {  	v6 =	vld [tilespmem:s26+$0x13660]  }
0x3dc: {  	v7 =	vld [tilespmem:s26+$0x1B660]  }
0x3dd: {  	[tilespmem:v2+s4+$0x0] =	vst.idx.add.s32.msk $0xffff, v1;
	v2 =	vmul.u32 $0xA0, v4  }
0x3de: {  	[tilespmem:v3+s4+$0x0] =	vst.idx.add.s32.msk $0xffff, v1;
	v3 =	vmul.u32 $0xA0, v60  }
0x3df: {  	v4 =	vld [tilespmem:s24+$0x1BE40];
	v2 =	vadd.s32 v5, v2  }
0x3e0: {  	v3 =	vadd.s32 v8, v3;
	v8 =	vld [tilespmem:s24+$0x13E40]  }
0x3e1: {  	v7 =	vmul.u32 $0xA0, v7;
	v5 =	vld [tilespmem:s25+$0x1BA50];
	_ =	sdelay $0x1  }
0x3e2: {  	v6 =	vadd.s32 v6, v7;
	v7 =	vld [tilespmem:s25+$0x13A50]  }
0x3e3: {  	v4 =	vmul.u32 $0xA0, v4;
	[tilespmem:v2+s4+$0x0] =	vst.idx.add.s32.msk $0xffff, v1  }
0x3e4: {  	v2 =	vld [tilespmem:s23+$0x1C240]  }
0x3e5: {  	[tilespmem:v3+s4+$0x0] =	vst.idx.add.s32.msk $0xffff, v1;
	v3 =	vmul.u32 $0xA0, v5;
	v4 =	vadd.s32 v8, v4  }
0x3e6: {  	v5 =	vld [tilespmem:s23+$0x14240]  }
0x3e7: {  	[tilespmem:v6+s4+$0x0] =	vst.idx.add.s32.msk $0xffff, v1;
	v3 =	vadd.s32 v7, v3  }
0x3e8: {  	v6 =	vld [tilespmem:s26+$0x13670]  }
0x3e9: {  	v7 =	vld [tilespmem:s26+$0x1B670];
	v2 =	vmul.u32 $0xA0, v2  }
0x3ea: {  	[tilespmem:v4+s4+$0x0] =	vst.idx.add.s32.msk $0xffff, v1  }
0x3eb: {  	v4 =	vld [tilespmem:s24+$0x1BE50];
	v2 =	vadd.s32 v5, v2  }
0x3ec: {  	[tilespmem:v3+s4+$0x0] =	vst.idx.add.s32.msk $0xffff, v1  }
0x3ed: {  	v3 =	vld [tilespmem:s24+$0x13E50]  }
0x3ee: {  	v5 =	vmul.u32 $0xA0, v7;
	v7 =	vld [tilespmem:s25+$0x13A60]  }
0x3ef: {  	v8 =	vld [tilespmem:s25+$0x1BA60]  }
0x3f0: {  	v5 =	vadd.s32 v6, v5;
	v4 =	vmul.u32 $0xA0, v4;
	[tilespmem:v2+s4+$0x0] =	vst.idx.add.s32.msk $0xffff, v1  }
0x3f1: {  	v2 =	vld [tilespmem:s23+$0x1C250]  }
0x3f2: {  	v61 =	vld [tilespmem:s28+$0x1B620];
	v3 =	vadd.s32 v3, v4  }
0x3f3: {  	v4 =	vld [tilespmem:s23+$0x14250]  }
0x3f4: {  	v6 =	vld [tilespmem:s28+$0x13620];
	v8 =	vmul.u32 $0xA0, v8  }
0x3f5: {  	[tilespmem:v5+s4+$0x0] =	vst.idx.add.s32.msk $0xffff, v1  }
0x3f6: {  	v7 =	vadd.s32 v7, v8;
	v5 =	vld [tilespmem:s26+$0x1BA00];
	v2 =	vmul.u32 $0xA0, v2  }
0x3f7: {  	[tilespmem:v3+s4+$0x0] =	vst.idx.add.s32.msk $0xffff, v1  }
0x3f8: {  	v8 =	vld [tilespmem:s24+$0x1BE60];
	v2 =	vadd.s32 v4, v2  }
0x3f9: {  	v62 =	vld [tilespmem:s26+$0x13A00]  }
0x3fa: {  	v3 =	vld [tilespmem:s24+$0x13E60]  }
0x3fb: {  	[tilespmem:v7+s4+$0x0] =	vst.idx.add.s32.msk $0xffff, v1;
	v4 =	vmul.u32 $0xA0, v61  }
0x3fc: {  	v63 =	vmul.u32 $0xA0, v5;
	v5 =	vld [tilespmem:s25+$0x1BA70]  }
0x3fd: {  	v7 =	vadd.s32 v6, v4;
	v4 =	vmul.u32 $0xA0, v8;
	[tilespmem:v2+s4+$0x0] =	vst.idx.add.s32.msk $0xffff, v1  }
0x3fe: {  	s30 =	simm.s32 $0xA00;
	s29 =	simm.s32 $0x280;
	v6 =	vadd.s32 v62, v63;
	v2 =	vld [tilespmem:s23+$0x1C260]  }
.LBB2_7:
0x3ff: {  	s0 =	sand.u32 $0x3000, s30;
	s2 =	sand.u32 $0x380, s29;
	p0 =	sne.s32 s30, $0x3E00;
	v8 =	vld [tilespmem:s25+$0x13A70];
	v3 =	vadd.s32 v3, v4  }
0x400: {  	s0 =	sor.u32 s2, s0;
	v4 =	vld [tilespmem:s23+$0x14260]  }
0x401: {  	v9 =	vld [tilespmem:s0+$0x13600]  }
0x402: {  	v5 =	vmul.u32 $0xA0, v5;
	[tilespmem:v7+s4+$0x0] =	vst.idx.add.s32.msk $0xffff, v1  }
0x403: {  	[tilespmem:v6+s4+$0x0] =	vst.idx.add.s32.msk $0xffff, v1;
	v2 =	vmul.u32 $0xA0, v2  }
0x404: {  	v5 =	vadd.s32 v8, v5;
	[tilespmem:v3+s4+$0x0] =	vst.idx.add.s32.msk $0xffff, v1  }
0x405: {  	v3 =	vld [tilespmem:s24+$0x1BE70];
	v2 =	vadd.s32 v4, v2  }
0x406: {  	v4 =	vld [tilespmem:s26+$0x1BA10]  }
0x407: {  	v6 =	vld [tilespmem:s24+$0x13E70]  }
0x408: {  	v7 =	vld [tilespmem:s26+$0x13A10]  }
0x409: {  	[tilespmem:v5+s4+$0x0] =	vst.idx.add.s32.msk $0xffff, v1  }
0x40a: {  	v3 =	vmul.u32 $0xA0, v3;
	[tilespmem:v2+s4+$0x0] =	vst.idx.add.s32.msk $0xffff, v1  }
0x40b: {  	v2 =	vld [tilespmem:s23+$0x1C270]  }
0x40c: {  	v4 =	vmul.u32 $0xA0, v4;
	v5 =	vld [tilespmem:s25+$0x1BE00];
	v3 =	vadd.s32 v6, v3  }
0x40d: {  	v6 =	vld [tilespmem:s23+$0x14270];
	s23 =	smov.u32 s24;
	s24 =	smov.u32 s25;
	s25 =	smov.u32 s26  }
0x40e: {  	v4 =	vadd.s32 v7, v4;
	s26 =	smov.u32 s28;
	s28 =	smov.u32 s0;
	v7 =	vld [tilespmem:s24+$0x13E00]  }
0x40f: {  	v8 =	vld [tilespmem:s26+$0x13630]  }
0x410: {  	v10 =	vld [tilespmem:s26+$0x1B630];
	v2 =	vmul.u32 $0xA0, v2  }
0x411: {  	v5 =	vmul.u32 $0xA0, v5;
	[tilespmem:v3+s4+$0x0] =	vst.idx.add.s32.msk $0xffff, v1  }
0x412: {  	v3 =	vld [tilespmem:s23+$0x1C200];
	v2 =	vadd.s32 v6, v2  }
0x413: {  	[tilespmem:v4+s4+$0x0] =	vst.idx.add.s32.msk $0xffff, v1;
	v4 =	vadd.s32 v7, v5  }
0x414: {  	v5 =	vld [tilespmem:s23+$0x14200]  }
0x415: {  	v6 =	vmul.u32 $0xA0, v10;
	v7 =	vld [tilespmem:s25+$0x13A20]  }
0x416: {  	v10 =	vld [tilespmem:s25+$0x1BA20]  }
0x417: {  	v6 =	vadd.s32 v8, v6;
	v3 =	vmul.u32 $0xA0, v3;
	[tilespmem:v2+s4+$0x0] =	vst.idx.add.s32.msk $0xffff, v1  }
0x418: {  	[tilespmem:v4+s4+$0x0] =	vst.idx.add.s32.msk $0xffff, v1  }
0x419: {  	v2 =	vld [tilespmem:s24+$0x1BE10];
	v3 =	vadd.s32 v5, v3  }
0x41a: {  	v4 =	vld [tilespmem:s28+$0x1B600]  }
0x41b: {  	v5 =	vmul.u32 $0xA0, v10;
	v8 =	vld [tilespmem:s24+$0x13E10]  }
0x41c: {  	[tilespmem:v6+s4+$0x0] =	vst.idx.add.s32.msk $0xffff, v1  }
0x41d: {  	v6 =	vld [tilespmem:s26+$0x1B640];
	v5 =	vadd.s32 v7, v5  }
0x41e: {  	v2 =	vmul.u32 $0xA0, v2;
	[tilespmem:v3+s4+$0x0] =	vst.idx.add.s32.msk $0xffff, v1  }
0x41f: {  	v3 =	vld [tilespmem:s23+$0x1C210]  }
0x420: {  	v7 =	vld [tilespmem:s26+$0x13640];
	v2 =	vadd.s32 v8, v2  }
0x421: {  	v8 =	vld [tilespmem:s23+$0x14210]  }
0x422: {  	v4 =	vmul.u32 $0xA0, v4;
	[tilespmem:v5+s4+$0x0] =	vst.idx.add.s32.msk $0xffff, v1  }
0x423: {  	v5 =	vmul.u32 $0xA0, v6;
	v6 =	vld [tilespmem:s25+$0x13A30]  }
0x424: {  	v4 =	vadd.s32 v9, v4;
	v9 =	vld [tilespmem:s25+$0x1BA30];
	v3 =	vmul.u32 $0xA0, v3  }
0x425: {  	v5 =	vadd.s32 v7, v5;
	[tilespmem:v2+s4+$0x0] =	vst.idx.add.s32.msk $0xffff, v1  }
0x426: {  	v2 =	vld [tilespmem:s24+$0x1BE20];
	v3 =	vadd.s32 v8, v3;
	_ =	sdelay $0x1  }
0x427: {  	v7 =	vld [tilespmem:s24+$0x13E20]  }
0x428: {  	[tilespmem:v4+s4+$0x0] =	vst.idx.add.s32.msk $0xffff, v1;
	v4 =	vmul.u32 $0xA0, v9  }
0x429: {  	[tilespmem:v5+s4+$0x0] =	vst.idx.add.s32.msk $0xffff, v1  }
0x42a: {  	v4 =	vadd.s32 v6, v4;
	v2 =	vmul.u32 $0xA0, v2;
	[tilespmem:v3+s4+$0x0] =	vst.idx.add.s32.msk $0xffff, v1  }
0x42b: {  	v3 =	vld [tilespmem:s23+$0x1C220]  }
0x42c: {  	v5 =	vld [tilespmem:s26+$0x1B650];
	v2 =	vadd.s32 v7, v2  }
0x42d: {  	v6 =	vld [tilespmem:s23+$0x14220]  }
0x42e: {  	v7 =	vld [tilespmem:s26+$0x13650]  }
0x42f: {  	[tilespmem:v4+s4+$0x0] =	vst.idx.add.s32.msk $0xffff, v1  }
0x430: {  	v4 =	vld [tilespmem:s25+$0x1BA40];
	v3 =	vmul.u32 $0xA0, v3  }
0x431: {  	[tilespmem:v2+s4+$0x0] =	vst.idx.add.s32.msk $0xffff, v1  }
0x432: {  	v2 =	vmul.u32 $0xA0, v5;
	v5 =	vld [tilespmem:s24+$0x1BE30];
	v3 =	vadd.s32 v6, v3  }
0x433: {  	v6 =	vld [tilespmem:s25+$0x13A40]  }
0x434: {  	v2 =	vadd.s32 v7, v2;
	v7 =	vld [tilespmem:s24+$0x13E30]  }
0x435: {  	v8 =	vld [tilespmem:s28+$0x13610]  }
0x436: {  	v4 =	vmul.u32 $0xA0, v4;
	v9 =	vld [tilespmem:s28+$0x1B610]  }
0x437: {  	v5 =	vmul.u32 $0xA0, v5;
	[tilespmem:v3+s4+$0x0] =	vst.idx.add.s32.msk $0xffff, v1  }
0x438: {  	v3 =	vadd.s32 v6, v4;
	v4 =	vld [tilespmem:s23+$0x1C230]  }
0x439: {  	[tilespmem:v2+s4+$0x0] =	vst.idx.add.s32.msk $0xffff, v1;
	v2 =	vadd.s32 v7, v5  }
0x43a: {  	v5 =	vld [tilespmem:s23+$0x14230]  }
0x43b: {  	v6 =	vld [tilespmem:s26+$0x13660]  }
0x43c: {  	v7 =	vld [tilespmem:s26+$0x1B660]  }
0x43d: {  	[tilespmem:v3+s4+$0x0] =	vst.idx.add.s32.msk $0xffff, v1;
	v3 =	vmul.u32 $0xA0, v4  }
0x43e: {  	[tilespmem:v2+s4+$0x0] =	vst.idx.add.s32.msk $0xffff, v1  }
0x43f: {  	v2 =	vmul.u32 $0xA0, v9;
	v4 =	vld [tilespmem:s24+$0x1BE40];
	v3 =	vadd.s32 v5, v3  }
0x440: {  	v5 =	vld [tilespmem:s25+$0x1BA50]  }
0x441: {  	v2 =	vadd.s32 v8, v2;
	v7 =	vmul.u32 $0xA0, v7;
	v8 =	vld [tilespmem:s24+$0x13E40];
	_ =	sdelay $0x1  }
0x442: {  	v6 =	vadd.s32 v6, v7;
	v7 =	vld [tilespmem:s25+$0x13A50]  }
0x443: {  	v4 =	vmul.u32 $0xA0, v4;
	[tilespmem:v3+s4+$0x0] =	vst.idx.add.s32.msk $0xffff, v1  }
0x444: {  	v3 =	vld [tilespmem:s23+$0x1C240]  }
0x445: {  	[tilespmem:v2+s4+$0x0] =	vst.idx.add.s32.msk $0xffff, v1;
	v2 =	vmul.u32 $0xA0, v5;
	v4 =	vadd.s32 v8, v4  }
0x446: {  	v5 =	vld [tilespmem:s23+$0x14240]  }
0x447: {  	[tilespmem:v6+s4+$0x0] =	vst.idx.add.s32.msk $0xffff, v1;
	v2 =	vadd.s32 v7, v2  }
0x448: {  	v6 =	vld [tilespmem:s26+$0x13670]  }
0x449: {  	v7 =	vld [tilespmem:s26+$0x1B670];
	v3 =	vmul.u32 $0xA0, v3  }
0x44a: {  	[tilespmem:v4+s4+$0x0] =	vst.idx.add.s32.msk $0xffff, v1  }
0x44b: {  	v4 =	vld [tilespmem:s24+$0x1BE50];
	v3 =	vadd.s32 v5, v3  }
0x44c: {  	[tilespmem:v2+s4+$0x0] =	vst.idx.add.s32.msk $0xffff, v1  }
0x44d: {  	v2 =	vld [tilespmem:s24+$0x13E50]  }
0x44e: {  	v5 =	vmul.u32 $0xA0, v7;
	v7 =	vld [tilespmem:s25+$0x13A60]  }
0x44f: {  	v8 =	vld [tilespmem:s25+$0x1BA60]  }
0x450: {  	v5 =	vadd.s32 v6, v5;
	v4 =	vmul.u32 $0xA0, v4;
	[tilespmem:v3+s4+$0x0] =	vst.idx.add.s32.msk $0xffff, v1  }
0x451: {  	v3 =	vld [tilespmem:s23+$0x1C250]  }
0x452: {  	v6 =	vld [tilespmem:s28+$0x13620];
	v2 =	vadd.s32 v2, v4  }
0x453: {  	v4 =	vld [tilespmem:s23+$0x14250]  }
0x454: {  	v9 =	vld [tilespmem:s28+$0x1B620];
	v8 =	vmul.u32 $0xA0, v8  }
0x455: {  	[tilespmem:v5+s4+$0x0] =	vst.idx.add.s32.msk $0xffff, v1  }
0x456: {  	v5 =	vld [tilespmem:s26+$0x1BA00];
	v7 =	vadd.s32 v7, v8;
	v3 =	vmul.u32 $0xA0, v3  }
0x457: {  	[tilespmem:v2+s4+$0x0] =	vst.idx.add.s32.msk $0xffff, v1  }
0x458: {  	v2 =	vld [tilespmem:s24+$0x1BE60];
	v8 =	vadd.s32 v4, v3  }
0x459: {  	v10 =	vld [tilespmem:s26+$0x13A00]  }
.Ltmp2:
0x45a: {  	v3 =	vld [tilespmem:s24+$0x13E60];
	(pc) =	sbr.rel @p0 .LBB2_7-.Ltmp2, $4  }
0x45b: {  	v4 =	vmul.u32 $0xA0, v9;
	[tilespmem:v7+s4+$0x0] =	vst.idx.add.s32.msk $0xffff, v1  }
0x45c: {  	v9 =	vmul.u32 $0xA0, v5;
	v5 =	vld [tilespmem:s25+$0x1BA70]  }
0x45d: {  	v7 =	vadd.s32 v6, v4;
	v4 =	vmul.u32 $0xA0, v2;
	[tilespmem:v8+s4+$0x0] =	vst.idx.add.s32.msk $0xffff, v1  }
0x45e: {  	s29 =	sadd.s32 $0x80, s29;
	s30 =	sadd.s32 $0x200, s30;
	v6 =	vadd.s32 v10, v9;
	v2 =	vld [tilespmem:s23+$0x1C260]  }
0x45f: {  	_ =	sdelay $0x3  }
0x460: {  	[tilespmem:v7+s4+$0x0] =	vst.idx.add.s32.msk $0xffff, v1  }
0x461: {  	v7 =	vld [tilespmem:s28+$0x1B630];
	_ =	sdelay $0x1  }
0x462: {  	v8 =	vld [tilespmem:s28+$0x13630];
	_ =	sdelay $0x2  }
0x463: {  	v7 =	vmul.u32 $0xA0, v7;
	_ =	sdelay $0x1  }
0x464: {  	v7 =	vadd.s32 v8, v7;
	_ =	sdelay $0x4  }
0x465: {  	[tilespmem:v7+s4+$0x0] =	vst.idx.add.s32.msk $0xffff, v1  }
0x466: {  	v7 =	vld [tilespmem:s28+$0x1B640];
	_ =	sdelay $0x1  }
0x467: {  	v38 =	vld [tilespmem:s28+$0x13640];
	_ =	sdelay $0x2  }
0x468: {  	v7 =	vmul.u32 $0xA0, v7;
	_ =	sdelay $0x1  }
0x469: {  	v7 =	vadd.s32 v38, v7;
	_ =	sdelay $0x4  }
0x46a: {  	[tilespmem:v7+s4+$0x0] =	vst.idx.add.s32.msk $0xffff, v1  }
0x46b: {  	v7 =	vld [tilespmem:s28+$0x1B650];
	_ =	sdelay $0x1  }
0x46c: {  	v39 =	vld [tilespmem:s28+$0x13650];
	_ =	sdelay $0x2  }
0x46d: {  	v7 =	vmul.u32 $0xA0, v7;
	_ =	sdelay $0x1  }
0x46e: {  	v7 =	vadd.s32 v39, v7;
	_ =	sdelay $0x4  }
0x46f: {  	[tilespmem:v7+s4+$0x0] =	vst.idx.add.s32.msk $0xffff, v1  }
0x470: {  	v7 =	vld [tilespmem:s28+$0x1B660];
	_ =	sdelay $0x1  }
0x471: {  	v40 =	vld [tilespmem:s28+$0x13660];
	_ =	sdelay $0x2  }
0x472: {  	v7 =	vmul.u32 $0xA0, v7;
	_ =	sdelay $0x1  }
0x473: {  	v7 =	vadd.s32 v40, v7;
	_ =	sdelay $0x4  }
0x474: {  	[tilespmem:v7+s4+$0x0] =	vst.idx.add.s32.msk $0xffff, v1  }
0x475: {  	v7 =	vld [tilespmem:s28+$0x1B670];
	_ =	sdelay $0x1  }
0x476: {  	v41 =	vld [tilespmem:s28+$0x13670];
	_ =	sdelay $0x2  }
0x477: {  	v7 =	vmul.u32 $0xA0, v7;
	_ =	sdelay $0x1  }
0x478: {  	v7 =	vadd.s32 v41, v7;
	_ =	sdelay $0x4  }
0x479: {  	[tilespmem:v7+s4+$0x0] =	vst.idx.add.s32.msk $0xffff, v1  }
0x47a: {  	v7 =	vld [tilespmem:s28+$0x1BA00];
	_ =	sdelay $0x1  }
0x47b: {  	v42 =	vld [tilespmem:s28+$0x13A00];
	_ =	sdelay $0x2  }
0x47c: {  	v7 =	vmul.u32 $0xA0, v7;
	_ =	sdelay $0x1  }
0x47d: {  	v7 =	vadd.s32 v42, v7;
	_ =	sdelay $0x1  }
0x47e: {  	[tilespmem:v6+s4+$0x0] =	vst.idx.add.s32.msk $0xffff, v1  }
0x47f: {  	v6 =	vld [tilespmem:s26+$0x1BA10]  }
0x480: {  	v43 =	vld [tilespmem:s26+$0x13A10]  }
0x481: {  	[tilespmem:v7+s4+$0x0] =	vst.idx.add.s32.msk $0xffff, v1  }
0x482: {  	v7 =	vld [tilespmem:s28+$0x1BA10];
	_ =	sdelay $0x1  }
0x483: {  	v6 =	vmul.u32 $0xA0, v6;
	v9 =	vld [tilespmem:s28+$0x13A10];
	_ =	sdelay $0x1  }
0x484: {  	v6 =	vadd.s32 v43, v6  }
0x485: {  	v7 =	vmul.u32 $0xA0, v7;
	_ =	sdelay $0x1  }
0x486: {  	v7 =	vadd.s32 v9, v7;
	_ =	sdelay $0x1  }
0x487: {  	[tilespmem:v6+s4+$0x0] =	vst.idx.add.s32.msk $0xffff, v1  }
0x488: {  	v6 =	vld [tilespmem:s26+$0x1BA20]  }
0x489: {  	v44 =	vld [tilespmem:s26+$0x13A20]  }
0x48a: {  	[tilespmem:v7+s4+$0x0] =	vst.idx.add.s32.msk $0xffff, v1  }
0x48b: {  	v7 =	vld [tilespmem:s28+$0x1BA20];
	_ =	sdelay $0x1  }
0x48c: {  	v6 =	vmul.u32 $0xA0, v6;
	v45 =	vld [tilespmem:s28+$0x13A20];
	_ =	sdelay $0x1  }
0x48d: {  	v6 =	vadd.s32 v44, v6  }
0x48e: {  	v7 =	vmul.u32 $0xA0, v7;
	_ =	sdelay $0x1  }
0x48f: {  	v7 =	vadd.s32 v45, v7;
	_ =	sdelay $0x1  }
0x490: {  	[tilespmem:v6+s4+$0x0] =	vst.idx.add.s32.msk $0xffff, v1  }
0x491: {  	v6 =	vld [tilespmem:s26+$0x1BA30]  }
0x492: {  	v46 =	vld [tilespmem:s26+$0x13A30]  }
0x493: {  	[tilespmem:v7+s4+$0x0] =	vst.idx.add.s32.msk $0xffff, v1  }
0x494: {  	v7 =	vld [tilespmem:s28+$0x1BA30];
	_ =	sdelay $0x1  }
0x495: {  	v6 =	vmul.u32 $0xA0, v6;
	v47 =	vld [tilespmem:s28+$0x13A30];
	_ =	sdelay $0x1  }
0x496: {  	v6 =	vadd.s32 v46, v6  }
0x497: {  	v7 =	vmul.u32 $0xA0, v7;
	_ =	sdelay $0x1  }
0x498: {  	v7 =	vadd.s32 v47, v7;
	_ =	sdelay $0x1  }
0x499: {  	[tilespmem:v6+s4+$0x0] =	vst.idx.add.s32.msk $0xffff, v1  }
0x49a: {  	v6 =	vld [tilespmem:s26+$0x1BA40]  }
0x49b: {  	v48 =	vld [tilespmem:s26+$0x13A40]  }
0x49c: {  	[tilespmem:v7+s4+$0x0] =	vst.idx.add.s32.msk $0xffff, v1  }
0x49d: {  	v7 =	vld [tilespmem:s28+$0x1BA40];
	_ =	sdelay $0x1  }
0x49e: {  	v6 =	vmul.u32 $0xA0, v6;
	v49 =	vld [tilespmem:s28+$0x13A40];
	_ =	sdelay $0x1  }
0x49f: {  	v6 =	vadd.s32 v48, v6  }
0x4a0: {  	v7 =	vmul.u32 $0xA0, v7;
	_ =	sdelay $0x1  }
0x4a1: {  	v7 =	vadd.s32 v49, v7;
	_ =	sdelay $0x1  }
0x4a2: {  	[tilespmem:v6+s4+$0x0] =	vst.idx.add.s32.msk $0xffff, v1  }
0x4a3: {  	v6 =	vld [tilespmem:s26+$0x1BA50]  }
0x4a4: {  	v50 =	vld [tilespmem:s26+$0x13A50]  }
0x4a5: {  	[tilespmem:v7+s4+$0x0] =	vst.idx.add.s32.msk $0xffff, v1  }
0x4a6: {  	v7 =	vld [tilespmem:s28+$0x1BA50];
	_ =	sdelay $0x1  }
0x4a7: {  	v6 =	vmul.u32 $0xA0, v6;
	v51 =	vld [tilespmem:s28+$0x13A50];
	_ =	sdelay $0x1  }
0x4a8: {  	v6 =	vadd.s32 v50, v6  }
0x4a9: {  	v7 =	vmul.u32 $0xA0, v7;
	_ =	sdelay $0x1  }
0x4aa: {  	v7 =	vadd.s32 v51, v7;
	_ =	sdelay $0x1  }
0x4ab: {  	[tilespmem:v6+s4+$0x0] =	vst.idx.add.s32.msk $0xffff, v1  }
0x4ac: {  	v6 =	vld [tilespmem:s26+$0x1BA60]  }
0x4ad: {  	v52 =	vld [tilespmem:s26+$0x13A60]  }
0x4ae: {  	[tilespmem:v7+s4+$0x0] =	vst.idx.add.s32.msk $0xffff, v1  }
0x4af: {  	v7 =	vld [tilespmem:s28+$0x1BA60];
	_ =	sdelay $0x1  }
0x4b0: {  	v6 =	vmul.u32 $0xA0, v6;
	v53 =	vld [tilespmem:s28+$0x13A60];
	_ =	sdelay $0x1  }
0x4b1: {  	v6 =	vadd.s32 v52, v6  }
0x4b2: {  	v7 =	vmul.u32 $0xA0, v7;
	_ =	sdelay $0x1  }
0x4b3: {  	v7 =	vadd.s32 v53, v7  }
0x4b4: {  	v54 =	vld [tilespmem:s25+$0x13A70]  }
0x4b5: {  	[tilespmem:v6+s4+$0x0] =	vst.idx.add.s32.msk $0xffff, v1  }
0x4b6: {  	v6 =	vld [tilespmem:s26+$0x1BA70]  }
0x4b7: {  	v55 =	vld [tilespmem:s26+$0x13A70]  }
0x4b8: {  	v5 =	vmul.u32 $0xA0, v5;
	[tilespmem:v7+s4+$0x0] =	vst.idx.add.s32.msk $0xffff, v1  }
0x4b9: {  	v7 =	vld [tilespmem:s28+$0x1BA70]  }
0x4ba: {  	v5 =	vadd.s32 v54, v5  }
0x4bb: {  	v6 =	vmul.u32 $0xA0, v6;
	v56 =	vld [tilespmem:s28+$0x13A70];
	_ =	sdelay $0x1  }
0x4bc: {  	v6 =	vadd.s32 v55, v6  }
0x4bd: {  	v7 =	vmul.u32 $0xA0, v7  }
0x4be: {  	[tilespmem:v5+s4+$0x0] =	vst.idx.add.s32.msk $0xffff, v1  }
0x4bf: {  	v5 =	vld [tilespmem:s25+$0x1BE00];
	v7 =	vadd.s32 v56, v7  }
0x4c0: {  	v57 =	vld [tilespmem:s25+$0x13E00]  }
0x4c1: {  	[tilespmem:v6+s4+$0x0] =	vst.idx.add.s32.msk $0xffff, v1  }
0x4c2: {  	v6 =	vld [tilespmem:s26+$0x1BE00]  }
0x4c3: {  	v58 =	vld [tilespmem:s26+$0x13E00]  }
0x4c4: {  	v5 =	vmul.u32 $0xA0, v5;
	[tilespmem:v7+s4+$0x0] =	vst.idx.add.s32.msk $0xffff, v1  }
0x4c5: {  	v7 =	vld [tilespmem:s28+$0x1BE00]  }
0x4c6: {  	v5 =	vadd.s32 v57, v5  }
0x4c7: {  	v6 =	vmul.u32 $0xA0, v6;
	v59 =	vld [tilespmem:s28+$0x13E00];
	_ =	sdelay $0x1  }
0x4c8: {  	v6 =	vadd.s32 v58, v6  }
0x4c9: {  	v7 =	vmul.u32 $0xA0, v7  }
0x4ca: {  	[tilespmem:v5+s4+$0x0] =	vst.idx.add.s32.msk $0xffff, v1  }
0x4cb: {  	v5 =	vld [tilespmem:s25+$0x1BE10];
	v7 =	vadd.s32 v59, v7  }
0x4cc: {  	v60 =	vld [tilespmem:s25+$0x13E10]  }
0x4cd: {  	[tilespmem:v6+s4+$0x0] =	vst.idx.add.s32.msk $0xffff, v1  }
0x4ce: {  	v6 =	vld [tilespmem:s26+$0x1BE10]  }
0x4cf: {  	v61 =	vld [tilespmem:s26+$0x13E10]  }
0x4d0: {  	v5 =	vmul.u32 $0xA0, v5;
	[tilespmem:v7+s4+$0x0] =	vst.idx.add.s32.msk $0xffff, v1  }
0x4d1: {  	v7 =	vld [tilespmem:s28+$0x1BE10]  }
0x4d2: {  	v5 =	vadd.s32 v60, v5  }
0x4d3: {  	v6 =	vmul.u32 $0xA0, v6;
	v62 =	vld [tilespmem:s28+$0x13E10];
	_ =	sdelay $0x1  }
0x4d4: {  	v6 =	vadd.s32 v61, v6  }
0x4d5: {  	v7 =	vmul.u32 $0xA0, v7  }
0x4d6: {  	[tilespmem:v5+s4+$0x0] =	vst.idx.add.s32.msk $0xffff, v1  }
0x4d7: {  	v5 =	vld [tilespmem:s25+$0x1BE20];
	v7 =	vadd.s32 v62, v7  }
0x4d8: {  	v63 =	vld [tilespmem:s25+$0x13E20]  }
0x4d9: {  	[tilespmem:v6+s4+$0x0] =	vst.idx.add.s32.msk $0xffff, v1  }
0x4da: {  	v6 =	vld [tilespmem:s26+$0x1BE20]  }
0x4db: {  	v12 =	vld [tilespmem:s26+$0x13E20]  }
0x4dc: {  	v5 =	vmul.u32 $0xA0, v5;
	[tilespmem:v7+s4+$0x0] =	vst.idx.add.s32.msk $0xffff, v1  }
0x4dd: {  	v7 =	vld [tilespmem:s28+$0x1BE20]  }
0x4de: {  	v5 =	vadd.s32 v63, v5  }
0x4df: {  	v6 =	vmul.u32 $0xA0, v6;
	v13 =	vld [tilespmem:s28+$0x13E20];
	_ =	sdelay $0x1  }
0x4e0: {  	v6 =	vadd.s32 v12, v6  }
0x4e1: {  	v7 =	vmul.u32 $0xA0, v7  }
0x4e2: {  	[tilespmem:v5+s4+$0x0] =	vst.idx.add.s32.msk $0xffff, v1  }
0x4e3: {  	v5 =	vld [tilespmem:s25+$0x1BE30];
	v7 =	vadd.s32 v13, v7  }
0x4e4: {  	v14 =	vld [tilespmem:s25+$0x13E30]  }
0x4e5: {  	[tilespmem:v6+s4+$0x0] =	vst.idx.add.s32.msk $0xffff, v1  }
0x4e6: {  	v6 =	vld [tilespmem:s26+$0x1BE30]  }
0x4e7: {  	v15 =	vld [tilespmem:s26+$0x13E30]  }
0x4e8: {  	v5 =	vmul.u32 $0xA0, v5;
	[tilespmem:v7+s4+$0x0] =	vst.idx.add.s32.msk $0xffff, v1  }
0x4e9: {  	v7 =	vld [tilespmem:s28+$0x1BE30]  }
0x4ea: {  	v5 =	vadd.s32 v14, v5  }
0x4eb: {  	v6 =	vmul.u32 $0xA0, v6;
	v16 =	vld [tilespmem:s28+$0x13E30];
	_ =	sdelay $0x1  }
0x4ec: {  	v6 =	vadd.s32 v15, v6  }
0x4ed: {  	v7 =	vmul.u32 $0xA0, v7  }
0x4ee: {  	[tilespmem:v5+s4+$0x0] =	vst.idx.add.s32.msk $0xffff, v1  }
0x4ef: {  	v5 =	vld [tilespmem:s25+$0x1BE40];
	v7 =	vadd.s32 v16, v7  }
0x4f0: {  	v17 =	vld [tilespmem:s25+$0x13E40]  }
0x4f1: {  	[tilespmem:v6+s4+$0x0] =	vst.idx.add.s32.msk $0xffff, v1  }
0x4f2: {  	v6 =	vld [tilespmem:s26+$0x1BE40]  }
0x4f3: {  	v18 =	vld [tilespmem:s26+$0x13E40]  }
0x4f4: {  	v5 =	vmul.u32 $0xA0, v5;
	[tilespmem:v7+s4+$0x0] =	vst.idx.add.s32.msk $0xffff, v1  }
0x4f5: {  	v7 =	vld [tilespmem:s28+$0x1BE40]  }
0x4f6: {  	v5 =	vadd.s32 v17, v5  }
0x4f7: {  	v6 =	vmul.u32 $0xA0, v6;
	v19 =	vld [tilespmem:s28+$0x13E40];
	_ =	sdelay $0x1  }
0x4f8: {  	v6 =	vadd.s32 v18, v6  }
0x4f9: {  	v7 =	vmul.u32 $0xA0, v7  }
0x4fa: {  	[tilespmem:v5+s4+$0x0] =	vst.idx.add.s32.msk $0xffff, v1  }
0x4fb: {  	v5 =	vld [tilespmem:s25+$0x1BE50];
	v7 =	vadd.s32 v19, v7  }
0x4fc: {  	v20 =	vld [tilespmem:s25+$0x13E50]  }
0x4fd: {  	[tilespmem:v6+s4+$0x0] =	vst.idx.add.s32.msk $0xffff, v1  }
0x4fe: {  	v6 =	vld [tilespmem:s26+$0x1BE50]  }
0x4ff: {  	v3 =	vadd.s32 v3, v4;
	v21 =	vld [tilespmem:s26+$0x13E50]  }
0x500: {  	v5 =	vmul.u32 $0xA0, v5;
	[tilespmem:v7+s4+$0x0] =	vst.idx.add.s32.msk $0xffff, v1  }
0x501: {  	v7 =	vld [tilespmem:s28+$0x1BE50]  }
0x502: {  	v5 =	vadd.s32 v20, v5  }
0x503: {  	v6 =	vmul.u32 $0xA0, v6;
	v22 =	vld [tilespmem:s28+$0x13E50]  }
0x504: {  	[tilespmem:v3+s4+$0x0] =	vst.idx.add.s32.msk $0xffff, v1  }
0x505: {  	v3 =	vld [tilespmem:s24+$0x1BE70];
	v6 =	vadd.s32 v21, v6  }
0x506: {  	v26 =	vld [tilespmem:s24+$0x13E70];
	v7 =	vmul.u32 $0xA0, v7  }
0x507: {  	[tilespmem:v5+s4+$0x0] =	vst.idx.add.s32.msk $0xffff, v1  }
0x508: {  	v5 =	vld [tilespmem:s25+$0x1BE60];
	v7 =	vadd.s32 v22, v7  }
0x509: {  	v23 =	vld [tilespmem:s25+$0x13E60]  }
0x50a: {  	v3 =	vmul.u32 $0xA0, v3;
	[tilespmem:v6+s4+$0x0] =	vst.idx.add.s32.msk $0xffff, v1  }
0x50b: {  	v6 =	vld [tilespmem:s26+$0x1BE60]  }
0x50c: {  	v3 =	vadd.s32 v26, v3;
	v24 =	vld [tilespmem:s26+$0x13E60]  }
0x50d: {  	v5 =	vmul.u32 $0xA0, v5;
	[tilespmem:v7+s4+$0x0] =	vst.idx.add.s32.msk $0xffff, v1  }
0x50e: {  	v7 =	vld [tilespmem:s28+$0x1BE60]  }
0x50f: {  	v5 =	vadd.s32 v23, v5  }
0x510: {  	v6 =	vmul.u32 $0xA0, v6;
	v25 =	vld [tilespmem:s28+$0x13E60]  }
0x511: {  	[tilespmem:v3+s4+$0x0] =	vst.idx.add.s32.msk $0xffff, v1  }
0x512: {  	v3 =	vld [tilespmem:s24+$0x1C200];
	v4 =	vadd.s32 v24, v6  }
0x513: {  	v30 =	vld [tilespmem:s24+$0x14200];
	v7 =	vmul.u32 $0xA0, v7  }
0x514: {  	[tilespmem:v5+s4+$0x0] =	vst.idx.add.s32.msk $0xffff, v1  }
0x515: {  	v5 =	vld [tilespmem:s25+$0x1BE70];
	v7 =	vadd.s32 v25, v7  }
0x516: {  	v27 =	vld [tilespmem:s25+$0x13E70]  }
0x517: {  	v3 =	vmul.u32 $0xA0, v3;
	[tilespmem:v4+s4+$0x0] =	vst.idx.add.s32.msk $0xffff, v1  }
0x518: {  	v4 =	vld [tilespmem:s26+$0x1BE70]  }
0x519: {  	v3 =	vadd.s32 v30, v3;
	v28 =	vld [tilespmem:s26+$0x13E70]  }
0x51a: {  	v5 =	vmul.u32 $0xA0, v5;
	[tilespmem:v7+s4+$0x0] =	vst.idx.add.s32.msk $0xffff, v1  }
0x51b: {  	v7 =	vld [tilespmem:s28+$0x1BE70]  }
0x51c: {  	v5 =	vadd.s32 v27, v5  }
0x51d: {  	v4 =	vmul.u32 $0xA0, v4;
	v29 =	vld [tilespmem:s28+$0x13E70]  }
0x51e: {  	[tilespmem:v3+s4+$0x0] =	vst.idx.add.s32.msk $0xffff, v1  }
0x51f: {  	v3 =	vld [tilespmem:s24+$0x1C210];
	v4 =	vadd.s32 v28, v4  }
0x520: {  	v34 =	vld [tilespmem:s24+$0x14210];
	v7 =	vmul.u32 $0xA0, v7  }
0x521: {  	[tilespmem:v5+s4+$0x0] =	vst.idx.add.s32.msk $0xffff, v1  }
0x522: {  	v5 =	vld [tilespmem:s25+$0x1C200];
	v7 =	vadd.s32 v29, v7  }
0x523: {  	v31 =	vld [tilespmem:s25+$0x14200]  }
0x524: {  	v3 =	vmul.u32 $0xA0, v3;
	[tilespmem:v4+s4+$0x0] =	vst.idx.add.s32.msk $0xffff, v1  }
0x525: {  	v4 =	vld [tilespmem:s26+$0x1C200]  }
0x526: {  	v3 =	vadd.s32 v34, v3;
	v32 =	vld [tilespmem:s26+$0x14200]  }
0x527: {  	v5 =	vmul.u32 $0xA0, v5;
	[tilespmem:v7+s4+$0x0] =	vst.idx.add.s32.msk $0xffff, v1  }
0x528: {  	v7 =	vld [tilespmem:s28+$0x1C200]  }
0x529: {  	v5 =	vadd.s32 v31, v5  }
0x52a: {  	v4 =	vmul.u32 $0xA0, v4;
	v33 =	vld [tilespmem:s28+$0x14200]  }
0x52b: {  	[tilespmem:v3+s4+$0x0] =	vst.idx.add.s32.msk $0xffff, v1  }
0x52c: {  	v3 =	vld [tilespmem:s24+$0x1C220];
	v4 =	vadd.s32 v32, v4  }
0x52d: {  	v38 =	vld [tilespmem:s24+$0x14220];
	v7 =	vmul.u32 $0xA0, v7  }
0x52e: {  	[tilespmem:v5+s4+$0x0] =	vst.idx.add.s32.msk $0xffff, v1  }
0x52f: {  	v5 =	vld [tilespmem:s25+$0x1C210];
	v7 =	vadd.s32 v33, v7  }
0x530: {  	v35 =	vld [tilespmem:s25+$0x14210]  }
0x531: {  	v3 =	vmul.u32 $0xA0, v3;
	[tilespmem:v4+s4+$0x0] =	vst.idx.add.s32.msk $0xffff, v1  }
0x532: {  	v4 =	vld [tilespmem:s26+$0x1C210]  }
0x533: {  	v3 =	vadd.s32 v38, v3;
	v36 =	vld [tilespmem:s26+$0x14210]  }
0x534: {  	v5 =	vmul.u32 $0xA0, v5;
	[tilespmem:v7+s4+$0x0] =	vst.idx.add.s32.msk $0xffff, v1  }
0x535: {  	v7 =	vld [tilespmem:s28+$0x1C210]  }
0x536: {  	v5 =	vadd.s32 v35, v5  }
0x537: {  	v4 =	vmul.u32 $0xA0, v4;
	v37 =	vld [tilespmem:s28+$0x14210]  }
0x538: {  	[tilespmem:v3+s4+$0x0] =	vst.idx.add.s32.msk $0xffff, v1  }
0x539: {  	v3 =	vld [tilespmem:s24+$0x1C230];
	v4 =	vadd.s32 v36, v4  }
0x53a: {  	v42 =	vld [tilespmem:s24+$0x14230];
	v7 =	vmul.u32 $0xA0, v7  }
0x53b: {  	[tilespmem:v5+s4+$0x0] =	vst.idx.add.s32.msk $0xffff, v1  }
0x53c: {  	v5 =	vld [tilespmem:s25+$0x1C220];
	v7 =	vadd.s32 v37, v7  }
0x53d: {  	v39 =	vld [tilespmem:s25+$0x14220]  }
0x53e: {  	[tilespmem:v4+s4+$0x0] =	vst.idx.add.s32.msk $0xffff, v1  }
0x53f: {  	v4 =	vld [tilespmem:s26+$0x1C220]  }
0x540: {  	v3 =	vmul.u32 $0xA0, v3;
	v40 =	vld [tilespmem:s26+$0x14220]  }
0x541: {  	v5 =	vmul.u32 $0xA0, v5;
	[tilespmem:v7+s4+$0x0] =	vst.idx.add.s32.msk $0xffff, v1  }
0x542: {  	v3 =	vadd.s32 v42, v3;
	v7 =	vld [tilespmem:s28+$0x1C220]  }
0x543: {  	v5 =	vadd.s32 v39, v5  }
0x544: {  	v4 =	vmul.u32 $0xA0, v4;
	v41 =	vld [tilespmem:s28+$0x14220];
	_ =	sdelay $0x1  }
0x545: {  	v4 =	vadd.s32 v40, v4  }
0x546: {  	[tilespmem:v3+s4+$0x0] =	vst.idx.add.s32.msk $0xffff, v1;
	v7 =	vmul.u32 $0xA0, v7  }
0x547: {  	[tilespmem:v5+s4+$0x0] =	vst.idx.add.s32.msk $0xffff, v1  }
0x548: {  	v5 =	vld [tilespmem:s25+$0x1C230];
	v7 =	vadd.s32 v41, v7  }
0x549: {  	v43 =	vld [tilespmem:s25+$0x14230]  }
0x54a: {  	[tilespmem:v4+s4+$0x0] =	vst.idx.add.s32.msk $0xffff, v1  }
0x54b: {  	v4 =	vld [tilespmem:s26+$0x1C230]  }
0x54c: {  	v44 =	vld [tilespmem:s26+$0x14230]  }
0x54d: {  	v5 =	vmul.u32 $0xA0, v5;
	[tilespmem:v7+s4+$0x0] =	vst.idx.add.s32.msk $0xffff, v1  }
0x54e: {  	v7 =	vld [tilespmem:s28+$0x1C230]  }
0x54f: {  	v3 =	vld [tilespmem:s24+$0x1C240];
	v5 =	vadd.s32 v43, v5  }
0x550: {  	v4 =	vmul.u32 $0xA0, v4;
	v45 =	vld [tilespmem:s28+$0x14230];
	_ =	sdelay $0x1  }
0x551: {  	v46 =	vld [tilespmem:s24+$0x14240];
	v4 =	vadd.s32 v44, v4  }
0x552: {  	v7 =	vmul.u32 $0xA0, v7  }
0x553: {  	[tilespmem:v5+s4+$0x0] =	vst.idx.add.s32.msk $0xffff, v1  }
0x554: {  	v3 =	vmul.u32 $0xA0, v3;
	v5 =	vld [tilespmem:s25+$0x1C240];
	v7 =	vadd.s32 v45, v7  }
0x555: {  	v47 =	vld [tilespmem:s25+$0x14240]  }
0x556: {  	v3 =	vadd.s32 v46, v3;
	[tilespmem:v4+s4+$0x0] =	vst.idx.add.s32.msk $0xffff, v1  }
0x557: {  	v4 =	vld [tilespmem:s26+$0x1C240]  }
0x558: {  	v48 =	vld [tilespmem:s26+$0x14240]  }
0x559: {  	v5 =	vmul.u32 $0xA0, v5;
	[tilespmem:v7+s4+$0x0] =	vst.idx.add.s32.msk $0xffff, v1  }
0x55a: {  	v7 =	vld [tilespmem:s28+$0x1C240]  }
0x55b: {  	[tilespmem:v3+s4+$0x0] =	vst.idx.add.s32.msk $0xffff, v1;
	v5 =	vadd.s32 v47, v5  }
0x55c: {  	v4 =	vmul.u32 $0xA0, v4;
	v50 =	vld [tilespmem:s28+$0x14240]  }
0x55d: {  	v3 =	vld [tilespmem:s24+$0x1C250]  }
0x55e: {  	v49 =	vld [tilespmem:s23+$0x14260];
	v4 =	vadd.s32 v48, v4  }
0x55f: {  	v51 =	vld [tilespmem:s24+$0x14250];
	v7 =	vmul.u32 $0xA0, v7  }
0x560: {  	[tilespmem:v5+s4+$0x0] =	vst.idx.add.s32.msk $0xffff, v1  }
0x561: {  	v2 =	vmul.u32 $0xA0, v2;
	v5 =	vld [tilespmem:s25+$0x1C250];
	v7 =	vadd.s32 v50, v7  }
0x562: {  	v52 =	vld [tilespmem:s25+$0x14250]  }
0x563: {  	v3 =	vmul.u32 $0xA0, v3;
	v2 =	vadd.s32 v49, v2;
	[tilespmem:v4+s4+$0x0] =	vst.idx.add.s32.msk $0xffff, v1  }
0x564: {  	v4 =	vld [tilespmem:s26+$0x1C250]  }
0x565: {  	v3 =	vadd.s32 v51, v3;
	v53 =	vld [tilespmem:s26+$0x14250]  }
0x566: {  	v5 =	vmul.u32 $0xA0, v5;
	[tilespmem:v7+s4+$0x0] =	vst.idx.add.s32.msk $0xffff, v1  }
0x567: {  	v7 =	vld [tilespmem:s28+$0x1C250]  }
0x568: {  	[tilespmem:v2+s4+$0x0] =	vst.idx.add.s32.msk $0xffff, v1;
	v2 =	vadd.s32 v52, v5  }
0x569: {  	v4 =	vmul.u32 $0xA0, v4;
	v54 =	vld [tilespmem:s28+$0x14250]  }
0x56a: {  	[tilespmem:v3+s4+$0x0] =	vst.idx.add.s32.msk $0xffff, v1  }
0x56b: {  	v3 =	vld [tilespmem:s24+$0x1C260];
	v4 =	vadd.s32 v53, v4  }
0x56c: {  	v55 =	vld [tilespmem:s24+$0x14260];
	v7 =	vmul.u32 $0xA0, v7  }
0x56d: {  	[tilespmem:v2+s4+$0x0] =	vst.idx.add.s32.msk $0xffff, v1  }
0x56e: {  	v2 =	vld [tilespmem:s25+$0x1C260];
	v5 =	vadd.s32 v54, v7  }
0x56f: {  	v56 =	vld [tilespmem:s25+$0x14260]  }
0x570: {  	[tilespmem:v4+s4+$0x0] =	vst.idx.add.s32.msk $0xffff, v1  }
0x571: {  	v3 =	vmul.u32 $0xA0, v3;
	v4 =	vld [tilespmem:s26+$0x1C260]  }
0x572: {  	v57 =	vld [tilespmem:s26+$0x14260]  }
0x573: {  	v3 =	vadd.s32 v55, v3;
	[tilespmem:v5+s4+$0x0] =	vst.idx.add.s32.msk $0xffff, v1  }
0x574: {  	v2 =	vmul.u32 $0xA0, v2;
	v5 =	vld [tilespmem:s28+$0x1C260]  }
0x575: {  	v58 =	vld [tilespmem:s23+$0x1C270]  }
0x576: {  	v2 =	vadd.s32 v56, v2;
	v4 =	vmul.u32 $0xA0, v4;
	v59 =	vld [tilespmem:s28+$0x14260]  }
0x577: {  	v60 =	vld [tilespmem:s23+$0x14270]  }
0x578: {  	[tilespmem:v3+s4+$0x0] =	vst.idx.add.s32.msk $0xffff, v1;
	v4 =	vadd.s32 v57, v4  }
0x579: {  	v3 =	vld [tilespmem:s24+$0x1C270];
	v5 =	vmul.u32 $0xA0, v5  }
0x57a: {  	v61 =	vld [tilespmem:s24+$0x14270]  }
0x57b: {  	[tilespmem:v2+s4+$0x0] =	vst.idx.add.s32.msk $0xffff, v1;
	v2 =	vadd.s32 v59, v5  }
0x57c: {  	v62 =	vld [tilespmem:s25+$0x1C270]  }
0x57d: {  	[tilespmem:v4+s4+$0x0] =	vst.idx.add.s32.msk $0xffff, v1  }
0x57e: {  	v4 =	vld [tilespmem:s26+$0x1C270]  }
0x57f: {  	v10 =	vld [tilespmem:s26+$0x14270]  }
0x580: {  	[tilespmem:v2+s4+$0x0] =	vst.idx.add.s32.msk $0xffff, v1  }
0x581: {  	v2 =	vld [tilespmem:s28+$0x1C270]  }
0x582: {  	v3 =	vmul.u32 $0xA0, v3;
	v63 =	vld [tilespmem:s25+$0x14270]  }
0x583: {  	v6 =	vmul.u32 $0xA0, v58;
	v11 =	vld [tilespmem:s28+$0x14270]  }
0x584: {  	v3 =	vadd.s32 v61, v3;
	v4 =	vmul.u32 $0xA0, v4  }
0x585: {  	v6 =	vadd.s32 v60, v6;
	v5 =	vmul.u32 $0xA0, v62  }
0x586: {  	v4 =	vadd.s32 v10, v4;
	v2 =	vmul.u32 $0xA0, v2  }
0x587: {  	s22 =	sadd.s32 $0x1, s22;
	v5 =	vadd.s32 v63, v5  }
0x588: {  	p0 =	sne.s32 s22, $0x4;
	v2 =	vadd.s32 v11, v2  }
.Ltmp3:
0x589: {  	[tilespmem:v3+s4+$0x0] =	vst.idx.add.s32.msk $0xffff, v1;
	(pc) =	sbr.rel @p0 .LBB2_4-.Ltmp3, $4  }
0x58a: {  	[tilespmem:v6+s4+$0x0] =	vst.idx.add.s32.msk $0xffff, v1  }
0x58b: {  	[tilespmem:v4+s4+$0x0] =	vst.idx.add.s32.msk $0xffff, v1  }
0x58c: {  	[tilespmem:v5+s4+$0x0] =	vst.idx.add.s32.msk $0xffff, v1  }
0x58d: {  	[tilespmem:v2+s4+$0x0] =	vst.idx.add.s32.msk $0xffff, v1  }
0x58e: {  	s22 =	simm.s32 $0x50  }
0x58f: {  	v2 =	vld [tilespmem:s22+$0xFFFFFFB0];
	_ =	sdelay $0x1  }
0x590: {  	s0 =	simm.s32 $0x0  }
0x591: {  	s2 =	sand.u32 $0xF800, s0;
	s8 =	sand.u32 $0x380, s0  }
0x592: {  	s21 =	sor.u32 s8, s2  }
0x593: {  	[tilespmem:s21+$0x5E00] =	vst v2  }
0x594: {  	v2 =	vld [tilespmem:s22+$0xFFFFFFC0];
	_ =	sdelay $0x2  }
0x595: {  	s24 =	simm.s32 $0xF0  }
0x596: {  	v3 =	vld [tilespmem:s24+$0xFFFFFFB0]  }
0x597: {  	[tilespmem:s21+$0x5E10] =	vst v2  }
0x598: {  	s11 =	simm.s32 $0x80;
	s12 =	simm.s32 $0x100;
	v2 =	vld [tilespmem:s22+$0xFFFFFFD0]  }
0x599: {  	s8 =	sand.u32 $0xF800, s12;
	s2 =	sand.u32 $0x380, s11  }
0x59a: {  	s23 =	sor.u32 s2, s8  }
0x59b: {  	[tilespmem:s23+$0x5E00] =	vst v3  }
0x59c: {  	v3 =	vld [tilespmem:s24+$0xFFFFFFC0]  }
0x59d: {  	[tilespmem:s21+$0x5E20] =	vst v2  }
0x59e: {  	v2 =	vld [tilespmem:s22+$0xFFFFFFE0]  }
0x59f: {  	s25 =	simm.s32 $0x190  }
0x5a0: {  	v4 =	vld [tilespmem:s25+$0xFFFFFFB0]  }
0x5a1: {  	[tilespmem:s23+$0x5E10] =	vst v3  }
0x5a2: {  	s13 =	simm.s32 $0x100;
	s14 =	simm.s32 $0x200;
	v3 =	vld [tilespmem:s24+$0xFFFFFFD0]  }
0x5a3: {  	s8 =	sand.u32 $0xF800, s14;
	s2 =	sand.u32 $0x380, s13;
	[tilespmem:s21+$0x5E30] =	vst v2  }
0x5a4: {  	s26 =	sor.u32 s2, s8;
	v2 =	vld [tilespmem:s22+$0xFFFFFFF0]  }
0x5a5: {  	[tilespmem:s26+$0x5E00] =	vst v4  }
0x5a6: {  	v4 =	vld [tilespmem:s25+$0xFFFFFFC0]  }
0x5a7: {  	[tilespmem:s23+$0x5E20] =	vst v3  }
0x5a8: {  	s28 =	simm.s32 $0x230;
	v3 =	vld [tilespmem:s24+$0xFFFFFFE0]  }
0x5a9: {  	[tilespmem:s21+$0x5E40] =	vst v2;
	v2 =	vld [tilespmem:s28+$0xFFFFFFB0]  }
0x5aa: {  	v5 =	vld [tilespmem:s22+$0x0]  }
0x5ab: {  	s15 =	simm.s32 $0x180;
	s18 =	simm.s32 $0x300;
	[tilespmem:s26+$0x5E10] =	vst v4  }
0x5ac: {  	s8 =	sand.u32 $0xF800, s18;
	s2 =	sand.u32 $0x380, s15;
	v4 =	vld [tilespmem:s25+$0xFFFFFFD0]  }
0x5ad: {  	s29 =	sor.u32 s2, s8;
	[tilespmem:s23+$0x5E30] =	vst v3  }
0x5ae: {  	v3 =	vld [tilespmem:s24+$0xFFFFFFF0];
	[tilespmem:s29+$0x5E00] =	vst v2  }
0x5af: {  	v2 =	vld [tilespmem:s28+$0xFFFFFFC0];
	[tilespmem:s21+$0x5E50] =	vst v5  }
0x5b0: {  	v5 =	vld [tilespmem:s22+$0x10]  }
0x5b1: {  	[tilespmem:s26+$0x5E20] =	vst v4  }
0x5b2: {  	s30 =	simm.s32 $0x2D0;
	v4 =	vld [tilespmem:s25+$0xFFFFFFE0]  }
0x5b3: {  	[tilespmem:s23+$0x5E40] =	vst v3;
	v3 =	vld [tilespmem:s30+$0xFFFFFFB0]  }
0x5b4: {  	[tilespmem:s29+$0x5E10] =	vst v2;
	v2 =	vld [tilespmem:s24+$0x0]  }
0x5b5: {  	s9 =	simm.s32 $0x200;
	s11 =	simm.s32 $0x400;
	v6 =	vld [tilespmem:s28+$0xFFFFFFD0];
	[tilespmem:s21+$0x5E60] =	vst v5  }
0x5b6: {  	s20 =	sand.u32 $0x380, s9;
	s19 =	sand.u32 $0xF800, s11;
	v5 =	vld [tilespmem:s22+$0x20]  }
0x5b7: {  	s31 =	sor.u32 s20, s19;
	[tilespmem:s26+$0x5E30] =	vst v4  }
0x5b8: {  	v7 =	vld [tilespmem:s25+$0xFFFFFFF0];
	[tilespmem:s31+$0x5E00] =	vst v3  }
0x5b9: {  	v8 =	vld [tilespmem:s30+$0xFFFFFFC0];
	[tilespmem:s23+$0x5E50] =	vst v2  }
0x5ba: {  	[tilespmem:s29+$0x5E20] =	vst v6;
	v3 =	vld [tilespmem:s24+$0x10]  }
0x5bb: {  	s0 =	sand.u32 $0xFFE0, s0;
	v4 =	vld [tilespmem:s28+$0xFFFFFFE0];
	[tilespmem:s21+$0x5E70] =	vst v5  }
0x5bc: {  	s2 =	simm.s32 $0x370;
	v2 =	vld [tilespmem:s0+$0x80]  }
0x5bd: {  	s12 =	simm.s32 $0x3C0;
	s14 =	simm.s32 $0x140;
	s13 =	simm.s32 $0x320;
	[tilespmem:s26+$0x5E40] =	vst v7;
	v6 =	vld [tilespmem:s2+$0xFFFFFFB0]  }
0x5be: {  	s18 =	simm.s32 $0xA0;
	s8 =	simm.s32 $0x1E0;
	[tilespmem:s31+$0x5E10] =	vst v8;
	v5 =	vld [tilespmem:s25+$0x0];
	s0 =	simm.s32 $0x280  }
.LBB2_10:
0x5bf: {  	p0 =	sne.s32 s12, $0x5D20;
	v7 =	vld [tilespmem:s30+$0xFFFFFFD0];
	s9 =	sadd.s32 $0x80, s9;
	s11 =	sadd.s32 $0x100, s11;
	[tilespmem:s23+$0x5E60] =	vst v3  }
0x5c0: {  	s15 =	smov.u32 s13;
	s19 =	sand.u32 $0xF800, s11;
	s20 =	sand.u32 $0x380, s9;
	[tilespmem:s29+$0x5E30] =	vst v4;
	v8 =	vld [tilespmem:s24+$0x20]  }
0x5c1: {  	s13 =	smov.u32 s12;
	s19 =	sor.u32 s20, s19;
	v9 =	vld [tilespmem:s28+$0xFFFFFFF0];
	[tilespmem:s21+$0x6200] =	vst v2  }
0x5c2: {  	[tilespmem:s19+$0x5E00] =	vst v6;
	v10 =	vld [tilespmem:s22+$0x40];
	s22 =	smov.u32 s24;
	s24 =	smov.u32 s25;
	s25 =	smov.u32 s28  }
0x5c3: {  	s28 =	smov.u32 s30;
	s30 =	smov.u32 s2;
	v11 =	vld [tilespmem:s2+$0xFFFFFFC0];
	[tilespmem:s26+$0x5E50] =	vst v5  }
.Ltmp4:
0x5c4: {  	[tilespmem:s31+$0x5E20] =	vst v7;
	v3 =	vld [tilespmem:s24+$0x10];
	(pc) =	sbr.rel @p0 .LBB2_10-.Ltmp4, $4  }
0x5c5: {  	s20 =	sand.u32 $0xFFE0, s18;
	s18 =	smov.u32 s14;
	s14 =	smov.u32 s8;
	v4 =	vld [tilespmem:s28+$0xFFFFFFE0];
	[tilespmem:s23+$0x5E70] =	vst v8  }
0x5c6: {  	s8 =	smov.u32 s0;
	s0 =	smov.u32 s15;
	s2 =	sadd.s32 $0xA0, s2;
	[tilespmem:s29+$0x5E40] =	vst v9;
	v2 =	vld [tilespmem:s20+$0x80]  }
0x5c7: {  	v6 =	vld [tilespmem:s2+$0xFFFFFFB0];
	[tilespmem:s21+$0x6210] =	vst v10;
	s21 =	smov.u32 s23;
	s23 =	smov.u32 s26;
	s26 =	smov.u32 s29  }
0x5c8: {  	s12 =	sadd.s32 $0xA0, s12;
	s29 =	smov.u32 s31;
	s31 =	smov.u32 s19;
	[tilespmem:s19+$0x5E10] =	vst v11;
	v5 =	vld [tilespmem:s25+$0x0]  }
0x5c9: {  	s9 =	sadd.s32 $0x80, s9;
	s11 =	sadd.s32 $0x100, s11  }
0x5ca: {  	s11 =	sand.u32 $0xF800, s11;
	s9 =	sand.u32 $0x380, s9  }
0x5cb: {  	s9 =	sor.u32 s9, s11  }
0x5cc: {  	[tilespmem:s9+$0x5E00] =	vst v6  }
0x5cd: {  	v6 =	vld [tilespmem:s2+$0xFFFFFFC0];
	_ =	sdelay $0x4  }
0x5ce: {  	v7 =	vld [tilespmem:s30+$0xFFFFFFD0];
	[tilespmem:s9+$0x5E10] =	vst v6  }
0x5cf: {  	v6 =	vld [tilespmem:s2+$0xFFFFFFD0];
	_ =	sdelay $0x3  }
0x5d0: {  	[tilespmem:s31+$0x5E20] =	vst v7  }
0x5d1: {  	v7 =	vld [tilespmem:s30+$0xFFFFFFE0];
	[tilespmem:s9+$0x5E20] =	vst v6  }
0x5d2: {  	v6 =	vld [tilespmem:s2+$0xFFFFFFE0];
	_ =	sdelay $0x2  }
0x5d3: {  	[tilespmem:s29+$0x5E30] =	vst v4  }
0x5d4: {  	v4 =	vld [tilespmem:s28+$0xFFFFFFF0];
	[tilespmem:s31+$0x5E30] =	vst v7  }
0x5d5: {  	v7 =	vld [tilespmem:s30+$0xFFFFFFF0];
	[tilespmem:s9+$0x5E30] =	vst v6  }
0x5d6: {  	v6 =	vld [tilespmem:s2+$0xFFFFFFF0];
	_ =	sdelay $0x2  }
0x5d7: {  	[tilespmem:s29+$0x5E40] =	vst v4  }
0x5d8: {  	v4 =	vld [tilespmem:s28+$0x0];
	[tilespmem:s31+$0x5E40] =	vst v7  }
0x5d9: {  	v7 =	vld [tilespmem:s30+$0x0];
	[tilespmem:s9+$0x5E40] =	vst v6  }
0x5da: {  	v6 =	vld [tilespmem:s2+$0x0];
	_ =	sdelay $0x1  }
0x5db: {  	[tilespmem:s26+$0x5E50] =	vst v5  }
0x5dc: {  	v5 =	vld [tilespmem:s25+$0x10];
	[tilespmem:s29+$0x5E50] =	vst v4  }
0x5dd: {  	v4 =	vld [tilespmem:s28+$0x10];
	[tilespmem:s31+$0x5E50] =	vst v7  }
0x5de: {  	v7 =	vld [tilespmem:s30+$0x10];
	[tilespmem:s9+$0x5E50] =	vst v6  }
0x5df: {  	v6 =	vld [tilespmem:s2+$0x10]  }
0x5e0: {  	[tilespmem:s23+$0x5E60] =	vst v3  }
0x5e1: {  	v3 =	vld [tilespmem:s24+$0x20];
	[tilespmem:s26+$0x5E60] =	vst v5  }
0x5e2: {  	v5 =	vld [tilespmem:s25+$0x20];
	[tilespmem:s29+$0x5E60] =	vst v4  }
0x5e3: {  	v4 =	vld [tilespmem:s28+$0x20];
	[tilespmem:s31+$0x5E60] =	vst v7  }
0x5e4: {  	v7 =	vld [tilespmem:s30+$0x20];
	[tilespmem:s9+$0x5E60] =	vst v6  }
0x5e5: {  	v6 =	vld [tilespmem:s2+$0x20]  }
0x5e6: {  	s18 =	sand.u32 $0xFFE0, s18;
	[tilespmem:s23+$0x5E70] =	vst v3  }
0x5e7: {  	s19 =	sand.u32 $0xFFE0, s14;
	v3 =	vld [tilespmem:s18+$0x80];
	[tilespmem:s26+$0x5E70] =	vst v5  }
0x5e8: {  	s8 =	sand.u32 $0xFFE0, s8;
	v5 =	vld [tilespmem:s19+$0x80];
	[tilespmem:s29+$0x5E70] =	vst v4  }
0x5e9: {  	s0 =	sand.u32 $0xFFE0, s0;
	v4 =	vld [tilespmem:s8+$0x80];
	[tilespmem:s31+$0x5E70] =	vst v7  }
0x5ea: {  	s20 =	sand.u32 $0xFFE0, s13;
	v7 =	vld [tilespmem:s0+$0x80];
	[tilespmem:s9+$0x5E70] =	vst v6  }
0x5eb: {  	[tilespmem:s21+$0x6200] =	vst v2;
	v2 =	vld [tilespmem:s20+$0x80]  }
0x5ec: {  	v63 =	vld [tilespmem:s22+$0x40];
	[tilespmem:s23+$0x6200] =	vst v3  }
0x5ed: {  	v3 =	vld [tilespmem:s24+$0x40];
	[tilespmem:s26+$0x6200] =	vst v5  }
0x5ee: {  	v5 =	vld [tilespmem:s25+$0x40];
	[tilespmem:s29+$0x6200] =	vst v4  }
0x5ef: {  	v4 =	vld [tilespmem:s28+$0x40];
	[tilespmem:s31+$0x6200] =	vst v7  }
0x5f0: {  	v7 =	vld [tilespmem:s30+$0x40];
	[tilespmem:s9+$0x6200] =	vst v2  }
0x5f1: {  	[tilespmem:s21+$0x6210] =	vst v63;
	v2 =	vld [tilespmem:s2+$0x40]  }
0x5f2: {  	[tilespmem:s23+$0x6210] =	vst v3  }
0x5f3: {  	[tilespmem:s26+$0x6210] =	vst v5  }
0x5f4: {  	[tilespmem:s29+$0x6210] =	vst v4  }
0x5f5: {  	[tilespmem:s31+$0x6210] =	vst v7  }
0x5f6: {  	[tilespmem:s9+$0x6210] =	vst v2  }
0x5f7: {  	s28 =	simm.s32 $0x5E00;
	s29 =	simm.s32 $0x3;
	s26 =	rddreg [dreg:$0x6]  }
0x5f8: {  	[hbm4b:s26+s4] =	stream.linear.scatter [tilespmem:s28], [sflag:$0x3], $0x9800, $0x38;
	[tilespmem:$0x1F600] =	vst v63  }
0x5f9: {  	_ =	swait.ge [sflag:s29], $0x9800  }
0x5fa: {  	s30 =	rddreg [dreg:$0x8]  }
0x5fb: {  	s31 =	rddreg [dreg:$0x7];
	s8 =	sadd.s32 $0x1, s30  }
0x5fc: {  	p0 =	sne.s32 s8, s31  }
.Ltmp5:
0x5fd: {  	_ = 	snop;
	(pc) =	sbr.rel @p0 .LBB2_1-.Ltmp5, $3  }
0x5fe: {  	_ =	sdelay $0x1  }
0x5ff: {  	[sflag:s29] =	ssyncset.done $0x0  }
0x600: {  	s11 =	simm.s32 $0x13600;
	[sflag:s29] =	ssyncadd.s32 $0xFFFF6800  }
0x601: {  	_ =	sfence.sel $0x180000  }
0x602: {  	[bflag:$0x0] =	sbarrier.arrive $0xFFFF  }
0x603: {  	_ =	strace $0x90000047  }
0x604: {  	s0 =	stileid.u32;
	[bflag:$0x2] =	sbarrier.arrive $0xFFFF  }
0x605: {  	p0 =	sne.s32 s0, $0x0;
	s0 =	rddreg [dreg:$0x3]  }
0x606: {  	s0 =	sadd.s32 @!p0 $0x100000, s0  }
0x607: {  	[sflag:s0] =	ssyncadd.tile.s32 @!p0 $0x1;
	_ =	shalt  }
.Lfunc_end2:
_tile_overlayer_lowered:
.L_overlay_start_2:
0x608: {  	(tag) =	ssettag $0x2  }
0x609: {  	s0 =	rddreg [dreg:$0x0];
	s2 =	stileid.u32  }
0x60a: {  	s1 =	rddreg [dreg:$0x1];
	p0 =	sne.s32 s2, $0x0  }
0x60b: {  	s3 =	rddreg [dreg:$0x2];
	[bflag:$0x3] =	sbarrier.arrive $0xFFFF;
	s2 =	simm.s32 @!p0 $0x1C03  }
0x60c: {  	[timem:s3], [sflag:s2] =	dma.local @!p0 [hbm:s0], s1  }
0x60d: {  	s0 =	simm.s32 @!p0 $0x3  }
0x60e: {  	_ =	swait.ge @!p0 [sflag:s0], s1  }
0x60f: {  	s1 =	ssub.s32 @!p0 $0x0, s1;
	[sflag:s0] =	ssyncset.done @!p0 $0x0  }
0x610: {  	[sflag:s0] =	ssyncadd.s32 @!p0 s1  }
0x611: {  	[bflag:$0x3] =	sbarrier.arrive $0xFFFF  }
0x612: {  	_ =	shalt  }

</sc_bundles>
